<compile_context>
chip_gen: v7x
topology: tpu7x:2x2x1
jax: 0.10.2.dev20260603
libtpu: 0.0.44.dev20260713+nightly
codegen_flags: <defaults>
</compile_context>

<pallas_src>
import functools

import numpy as np
import jax
import jax.numpy as jnp
from jax import lax
from jax.experimental import pallas as pl
from jax.experimental.pallas import tpu as pltpu
from jax.experimental.pallas import tpu_sc as plsc

_NUM_HEADS = 16
_ATTN_HEIGHT = 24
_CLS_TOKEN_LEN = 1
_CLS_TOKEN_POS_LEN = 3

_HG = 16
_NG = 1
_S = 577
_PR = 592
_PC = 640
_TR = 74
_TRU = 8 * _PC
_NRD = 2212


def _build_rpi_perm():
    height = _ATTN_HEIGHT
    width = (_S - _CLS_TOKEN_LEN) // height
    hh, ww = np.meshgrid(range(height), range(width))
    coords = np.stack([hh, ww], axis=-1)
    coords_flatten = np.reshape(coords, [-1, 2])
    relative_coords = coords_flatten[:, None, :] - coords_flatten[None, :, :]
    relative_coords_hh = relative_coords[:, :, 0] + height - 1
    relative_coords_ww = (relative_coords[:, :, 1] + width - 1) * (2 * height - 1)
    relative_coords = np.stack([relative_coords_hh, relative_coords_ww], axis=-1)
    rpi = np.sum(relative_coords, axis=-1).astype(np.int64)
    num_relative_distance = (2 * height - 1) * (2 * width - 1) + _CLS_TOKEN_POS_LEN
    top = np.full((1, rpi.shape[1]), num_relative_distance - 3, dtype=rpi.dtype)
    left = np.full((rpi.shape[0], 1), num_relative_distance - 2, dtype=rpi.dtype)
    corner = np.full((1, 1), num_relative_distance - 1, dtype=rpi.dtype)
    left_corner = np.concatenate([corner, left], axis=0)
    rpi = np.concatenate([top, rpi], axis=0)
    rpi = np.concatenate([left_corner, rpi], axis=1)
    rpi = rpi[:_S, :_S].astype(np.int32)
    pad = np.zeros((_PR, _PC), dtype=np.int32)
    pad[:_S, :_S] = rpi
    return np.ascontiguousarray(pad.reshape(-1))


_RPI_PERM = _build_rpi_perm()


def _sc_gather(table_flat, idx, h0):
    mesh = plsc.VectorSubcoreMesh(core_axis_name="c", subcore_axis_name="s")
    info = plsc.get_sparse_core_info()
    nc = info.num_cores

    @functools.partial(
        pl.kernel,
        mesh=mesh,
        out_type=jax.ShapeDtypeStruct((_HG, _PR, _PC), jnp.float32),
        scratch_types=[
            pltpu.VMEM((_HG * _NRD,), jnp.float32),
            pltpu.VMEM((3 * _TRU,), jnp.int32),
            pltpu.VMEM((24, _PC), jnp.float32),
            pltpu.VMEM((24, _PC), jnp.float32),
            pltpu.VMEM((24, _PC), jnp.float32),
            pltpu.VMEM((24, _PC), jnp.float32),
            pltpu.SemaphoreType.DMA,
            pltpu.SemaphoreType.DMA,
            pltpu.SemaphoreType.DMA,
        ],
        compiler_params=pltpu.CompilerParams(
            use_tc_tiling_on_sc=True, needs_layout_passes=False
        ),
    )
    def sc_kernel(table_hbm, idx_hbm, out_hbm, tables_v, idx_v,
                  ob0a_v, ob0b_v, ob1a_v, ob1b_v, semi0, semo0, semo1):
        wid = lax.axis_index("s") * nc + lax.axis_index("c")
        pltpu.sync_copy(
            table_hbm.at[pl.ds(h0 * _NRD, _HG * _NRD)], tables_v
        )

        trA = jnp.where(wid < 9, 3 * wid, 2 * wid + 9)
        trB = jnp.where(wid < 9, 3 * wid + 2, _TR - 1)

        cpA = pltpu.async_copy(
            idx_hbm.at[pl.ds(trA * _TRU, 2 * _TRU)],
            idx_v.at[pl.ds(0, 2 * _TRU)],
            semi0,
        )
        cpB = pltpu.async_copy(
            idx_hbm.at[pl.ds(trB * _TRU, _TRU)],
            idx_v.at[pl.ds(2 * _TRU, _TRU)],
            semi0,
        )
        cpA.wait()
        cpB.wait()

        out_bufs = ((ob0a_v, ob0b_v), (ob1a_v, ob1b_v))
        out_sems = (semo0, semo1)
        out_cp = {}
        npairs = _HG // 2
        for hp in range(npairs):
            p = hp % 2
            if hp >= 2:
                for cp in out_cp[hp - 2]:
                    cp.wait()
            ob_a, ob_b = out_bufs[p]
            off_a = (2 * hp) * _NRD
            off_b = (2 * hp + 1) * _NRD

            def rbody(r, carry, ob_a=ob_a, ob_b=ob_b, off_a=off_a, off_b=off_b):
                rb = r * _PC

                @plsc.parallel_loop(0, _PC // 16, step=1, unroll=4)
                def sbody(s, ob_a=ob_a, ob_b=ob_b, rb=rb, r=r):
                    iv = idx_v[pl.ds(rb + s * 16, 16)]
                    ob_a[r, pl.ds(s * 16, 16)] = plsc.load_gather(
                        tables_v, [iv + off_a]
                    )
                    ob_b[r, pl.ds(s * 16, 16)] = plsc.load_gather(
                        tables_v, [iv + off_b]
                    )

                return carry

            lax.fori_loop(0, 24, rbody, 0)

            cps = []
            for ob, h in ((ob_a, 2 * hp), (ob_b, 2 * hp + 1)):
                cps.append(pltpu.async_copy(
                    ob.at[pl.ds(0, 16), :],
                    out_hbm.at[h, pl.ds(trA * 8, 16), :],
                    out_sems[p],
                ))
                cps.append(pltpu.async_copy(
                    ob.at[pl.ds(16, 8), :],
                    out_hbm.at[h, pl.ds(trB * 8, 8), :],
                    out_sems[p],
                ))
            out_cp[hp] = cps
        for hp in (npairs - 2, npairs - 1):
            for cp in out_cp[hp]:
                cp.wait()

    return sc_kernel(table_flat, idx)


def _add_body0(x_ref, p_ref, o_ref):
    o_ref[0, 0] = x_ref[0, 0] + p_ref[0, :_S, :_S]


def _add_body(prev_ref, x_ref, p_ref, o_ref):
    del prev_ref
    o_ref[0, 0] = x_ref[0, 0] + p_ref[0, :_S, :_S]


def _tc_add_stage(prev, inputs, pos, h0):
    batch = inputs.shape[0]
    out_shape = jax.ShapeDtypeStruct(inputs.shape, jnp.float32)
    x_spec = pl.BlockSpec((1, 1, _S, _S), lambda h, b: (b, h0 + h, 0, 0))
    p_spec = pl.BlockSpec((1, _PR, _PC), lambda h, b: (h, 0, 0))
    o_spec = pl.BlockSpec((1, 1, _S, _S), lambda h, b: (b, h0 + h, 0, 0))
    if prev is None:
        return pl.pallas_call(
            _add_body0,
            grid=(_HG, batch),
            in_specs=[x_spec, p_spec],
            out_specs=o_spec,
            out_shape=out_shape,
        )(inputs, pos)
    return pl.pallas_call(
        _add_body,
        grid=(_HG, batch),
        in_specs=[pl.BlockSpec(memory_space=pl.ANY), x_spec, p_spec],
        out_specs=o_spec,
        out_shape=out_shape,
        input_output_aliases={0: 0},
    )(prev, inputs, pos)


def kernel(inputs, positional_embedding):
    idx = jnp.asarray(_RPI_PERM)
    table_flat = positional_embedding.reshape(-1)
    pos_groups = [_sc_gather(table_flat, idx, g * _HG) for g in range(_NG)]
    out = None
    for g in range(_NG):
        out = _tc_add_stage(out, inputs, pos_groups[g], g * _HG)
    return out

# --- scband reference (transcript-rebuilt; emitter-appended) ---
"""Pipeline reference for scband-multi-head-relative-positional-embedding-64115271795322 (READ-ONLY COPY).

The authoritative reference and input builder live on the scoring server;
editing this copy changes nothing except your own understanding.
"""

import jax, jax.numpy as jnp
import numpy as np

NUM_HEADS = 16
ATTN_HEIGHT = 24
CLS_TOKEN_LEN = 1
CLS_TOKEN_POS_LEN = 3


def build_relative_position_index(height, width):
    hh, ww = np.meshgrid(range(height), range(width))
    coords = np.stack([hh, ww], axis=-1)
    coords_flatten = np.reshape(coords, [-1, 2])
    relative_coords = coords_flatten[:, None, :] - coords_flatten[None, :, :]
    relative_coords_hh = relative_coords[:, :, 0] + height - 1
    relative_coords_ww = (relative_coords[:, :, 1] + width - 1) * (2 * height - 1)
    relative_coords = np.stack([relative_coords_hh, relative_coords_ww], axis=-1)
    rpi = np.sum(relative_coords, axis=-1).astype('int64')
    num_relative_distance = (2 * height - 1) * (2 * width - 1) + CLS_TOKEN_POS_LEN
    top = np.full((1, rpi.shape[1]), num_relative_distance - 3, dtype=rpi.dtype)
    left = np.full((rpi.shape[0], 1), num_relative_distance - 2, dtype=rpi.dtype)
    corner = np.full((1, 1), num_relative_distance - 1, dtype=rpi.dtype)
    left_corner = np.concatenate([corner, left], axis=0)
    rpi = np.concatenate([top, rpi], axis=0)
    rpi = np.concatenate([left_corner, rpi], axis=1)
    return rpi


def setup_inputs(seed: int = 0) -> dict:
    key = jax.random.key(seed)
    k1, k2 = jax.random.split(key)
    inputs = jax.random.normal(k1, (4, 16, 577, 577), dtype=jnp.float32)
    height = ATTN_HEIGHT
    width = (577 - CLS_TOKEN_LEN) // height
    num_relative_distance = (2 * height - 1) * (2 * width - 1) + CLS_TOKEN_POS_LEN
    positional_embedding = jax.random.normal(k2, (NUM_HEADS, num_relative_distance), dtype=jnp.float32) * 0.02
    return {"inputs": inputs, "positional_embedding": positional_embedding}


def reference(inputs, positional_embedding):
    q_len = inputs.shape[2]
    kv_len = inputs.shape[3]
    height = ATTN_HEIGHT
    width = (q_len - CLS_TOKEN_LEN) // height
    rpi = build_relative_position_index(height, width)[:q_len, :kv_len]
    rpi = jnp.asarray(rpi)
    pos_emb = jnp.take(positional_embedding, rpi, axis=1)
    return inputs + pos_emb[None, :, :, :]

if __name__ == "__main__":
    import jax
    _d = setup_inputs()
    print(jax.jit(kernel)(*tuple(_d.values())))

</pallas_src>

<mosaic_0001>
#map = affine_map<(d0, d1) -> (0)>
#map1 = affine_map<(d0, d1) -> (0, 0, 0)>
module attributes {stable_mosaic.version = 14 : i64} {
  func.func @sc_kernel(%arg0: i32, %arg1: i32, %arg2: memref<35392xf32, #tpu.memory_space<hbm>>, %arg3: memref<378880xi32, #tpu.memory_space<hbm>>, %arg4: memref<16x592x640xf32, #tpu.memory_space<hbm>>, %arg5: memref<35392xf32, #tpu.memory_space<vmem>>, %arg6: memref<15360xi32, #tpu.memory_space<vmem>>, %arg7: memref<24x640xf32, #tpu.memory_space<vmem>>, %arg8: memref<24x640xf32, #tpu.memory_space<vmem>>, %arg9: memref<24x640xf32, #tpu.memory_space<vmem>>, %arg10: memref<24x640xf32, #tpu.memory_space<vmem>>, %arg11: memref<!tpu.dma_semaphore, #tpu.memory_space<semaphore_mem>>, %arg12: memref<!tpu.dma_semaphore, #tpu.memory_space<semaphore_mem>>, %arg13: memref<!tpu.dma_semaphore, #tpu.memory_space<semaphore_mem>>) attributes {dimension_semantics = [#tpu.dimension_semantics<core_parallel>, #tpu.dimension_semantics<subcore_parallel>], iteration_bounds = array<i64: 2, 16>, scalar_prefetch = 0 : i64, scratch_operands = 9 : i64, tpu.core_type = #tpu.core_type<sc_vector_subcore>, window_params = [{transform_indices = #map}, {transform_indices = #map}, {transform_indices = #map1}]} {
    %mul3A = arith.constant 2 : i32
    %mul3A_0 = arith.muli %arg1, %mul3A : i32
    %add3A = arith.addi %mul3A_0, %arg0 : i32
    "tpu.region"() ({
      %run_scoped3A = tpu.sem_alloc : memref<!tpu.dma_semaphore, #tpu.memory_space<semaphore_mem>>
      %dma_start3A_984 = arith.constant 0 : i32
      %dma_start3A_985 = tpu.memref_slice %arg2[%dma_start3A_984] : memref<35392xf32, #tpu.memory_space<hbm>> -> memref<35392xf32, #tpu.memory_space<hbm>>
      %dma_start3A_986 = arith.constant 0 : i32
      %dma_start3A_987 = tpu.memref_slice %arg2[%dma_start3A_986] : memref<35392xf32, #tpu.memory_space<hbm>> -> memref<35392xf32, #tpu.memory_space<hbm>>
      tpu.enqueue_dma source(%dma_start3A_987 : memref<35392xf32, #tpu.memory_space<hbm>>) target(%arg5 : memref<35392xf32, #tpu.memory_space<vmem>>) target_semaphore(%run_scoped3A : memref<!tpu.dma_semaphore, #tpu.memory_space<semaphore_mem>>)
      %dma_wait3A_988 = arith.constant 0 : i32
      %dma_wait3A_989 = tpu.memref_slice %arg2[%dma_wait3A_988] : memref<35392xf32, #tpu.memory_space<hbm>> -> memref<35392xf32, #tpu.memory_space<hbm>>
      %dma_wait3A_990 = arith.constant 0 : i32
      %dma_wait3A_991 = tpu.memref_slice %arg2[%dma_wait3A_990] : memref<35392xf32, #tpu.memory_space<hbm>> -> memref<35392xf32, #tpu.memory_space<hbm>>
      tpu.wait_dma2 semaphore(%run_scoped3A : memref<!tpu.dma_semaphore, #tpu.memory_space<semaphore_mem>>) src(%dma_wait3A_991 : memref<35392xf32, #tpu.memory_space<hbm>>) dst(%arg5 : memref<35392xf32, #tpu.memory_space<vmem>>)
      tpu.yield
    }) : () -> ()
    %lt3A = arith.constant 9 : i32
    %lt3A_1 = arith.cmpi slt, %add3A, %lt3A : i32
    %mul3A_2 = arith.constant 3 : i32
    %mul3A_3 = arith.muli %mul3A_2, %add3A : i32
    %mul3A_4 = arith.constant 2 : i32
    %mul3A_5 = arith.muli %mul3A_4, %add3A : i32
    %add3A_6 = arith.constant 9 : i32
    %add3A_7 = arith.addi %mul3A_5, %add3A_6 : i32
    %select_n3A = arith.select %lt3A_1, %mul3A_3, %add3A_7 : i32
    %lt3A_8 = arith.constant 9 : i32
    %lt3A_9 = arith.cmpi slt, %add3A, %lt3A_8 : i32
    %mul3A_10 = arith.constant 3 : i32
    %mul3A_11 = arith.muli %mul3A_10, %add3A : i32
    %add3A_12 = arith.constant 2 : i32
    %add3A_13 = arith.addi %mul3A_11, %add3A_12 : i32
    %jit3A = arith.constant 73 : i32
    %select_n3A_14 = arith.select %lt3A_9, %add3A_13, %jit3A : i32
    %mul3A_15 = arith.constant 5120 : i32
    %mul3A_16 = arith.muli %select_n3A, %mul3A_15 : i32
    %dma_start3A = arith.constant 0 : i32
    %dma_start3A_17 = tpu.memref_slice %arg6[%dma_start3A] : memref<15360xi32, #tpu.memory_space<vmem>> -> memref<10240xi32, #tpu.memory_space<vmem>>
    %dma_start3A_18 = tpu.memref_slice %arg3[%mul3A_16] : memref<378880xi32, #tpu.memory_space<hbm>> -> memref<10240xi32, #tpu.memory_space<hbm>>
    %dma_start3A_19 = arith.constant 0 : i32
    %dma_start3A_20 = tpu.memref_slice %arg6[%dma_start3A_19] : memref<15360xi32, #tpu.memory_space<vmem>> -> memref<10240xi32, #tpu.memory_space<vmem>>
    %dma_start3A_21 = tpu.memref_slice %arg3[%mul3A_16] : memref<378880xi32, #tpu.memory_space<hbm>> -> memref<10240xi32, #tpu.memory_space<hbm>>
    tpu.enqueue_dma source(%dma_start3A_21 : memref<10240xi32, #tpu.memory_space<hbm>>) target(%dma_start3A_20 : memref<10240xi32, #tpu.memory_space<vmem>>) target_semaphore(%arg11 : memref<!tpu.dma_semaphore, #tpu.memory_space<semaphore_mem>>)
    %mul3A_22 = arith.constant 5120 : i32
    %mul3A_23 = arith.muli %select_n3A_14, %mul3A_22 : i32
    %dma_start3A_24 = arith.constant 10240 : i32
    %dma_start3A_25 = tpu.memref_slice %arg6[%dma_start3A_24] : memref<15360xi32, #tpu.memory_space<vmem>> -> memref<5120xi32, #tpu.memory_space<vmem>>
    %dma_start3A_26 = tpu.memref_slice %arg3[%mul3A_23] : memref<378880xi32, #tpu.memory_space<hbm>> -> memref<5120xi32, #tpu.memory_space<hbm>>
    %dma_start3A_27 = arith.constant 10240 : i32
    %dma_start3A_28 = tpu.memref_slice %arg6[%dma_start3A_27] : memref<15360xi32, #tpu.memory_space<vmem>> -> memref<5120xi32, #tpu.memory_space<vmem>>
    %dma_start3A_29 = tpu.memref_slice %arg3[%mul3A_23] : memref<378880xi32, #tpu.memory_space<hbm>> -> memref<5120xi32, #tpu.memory_space<hbm>>
    tpu.enqueue_dma source(%dma_start3A_29 : memref<5120xi32, #tpu.memory_space<hbm>>) target(%dma_start3A_28 : memref<5120xi32, #tpu.memory_space<vmem>>) target_semaphore(%arg11 : memref<!tpu.dma_semaphore, #tpu.memory_space<semaphore_mem>>)
    %dma_wait3A = arith.constant 0 : i32
    %dma_wait3A_30 = tpu.memref_slice %arg6[%dma_wait3A] : memref<15360xi32, #tpu.memory_space<vmem>> -> memref<10240xi32, #tpu.memory_space<vmem>>
    %dma_wait3A_31 = tpu.memref_slice %arg3[%mul3A_16] : memref<378880xi32, #tpu.memory_space<hbm>> -> memref<10240xi32, #tpu.memory_space<hbm>>
    %dma_wait3A_32 = arith.constant 0 : i32
    %dma_wait3A_33 = tpu.memref_slice %arg6[%dma_wait3A_32] : memref<15360xi32, #tpu.memory_space<vmem>> -> memref<10240xi32, #tpu.memory_space<vmem>>
    %dma_wait3A_34 = tpu.memref_slice %arg3[%mul3A_16] : memref<378880xi32, #tpu.memory_space<hbm>> -> memref<10240xi32, #tpu.memory_space<hbm>>
    tpu.wait_dma2 semaphore(%arg11 : memref<!tpu.dma_semaphore, #tpu.memory_space<semaphore_mem>>) src(%dma_wait3A_34 : memref<10240xi32, #tpu.memory_space<hbm>>) dst(%dma_wait3A_33 : memref<10240xi32, #tpu.memory_space<vmem>>)
    %dma_wait3A_35 = arith.constant 10240 : i32
    %dma_wait3A_36 = tpu.memref_slice %arg6[%dma_wait3A_35] : memref<15360xi32, #tpu.memory_space<vmem>> -> memref<5120xi32, #tpu.memory_space<vmem>>
    %dma_wait3A_37 = tpu.memref_slice %arg3[%mul3A_23] : memref<378880xi32, #tpu.memory_space<hbm>> -> memref<5120xi32, #tpu.memory_space<hbm>>
    %dma_wait3A_38 = arith.constant 10240 : i32
    %dma_wait3A_39 = tpu.memref_slice %arg6[%dma_wait3A_38] : memref<15360xi32, #tpu.memory_space<vmem>> -> memref<5120xi32, #tpu.memory_space<vmem>>
    %dma_wait3A_40 = tpu.memref_slice %arg3[%mul3A_23] : memref<378880xi32, #tpu.memory_space<hbm>> -> memref<5120xi32, #tpu.memory_space<hbm>>
    tpu.wait_dma2 semaphore(%arg11 : memref<!tpu.dma_semaphore, #tpu.memory_space<semaphore_mem>>) src(%dma_wait3A_40 : memref<5120xi32, #tpu.memory_space<hbm>>) dst(%dma_wait3A_39 : memref<5120xi32, #tpu.memory_space<vmem>>)
    %scan3A = arith.constant 0 : i32
    %scan3A_41 = arith.constant 0 : i32
    %scan3A_42 = arith.constant 24 : i32
    %scan3A_43 = arith.addi %scan3A_41, %scan3A_42 : i32
    %scan3A_44 = arith.constant 1 : i32
    scf.for %scan3A_984 = %scan3A_41 to %scan3A_43 step %scan3A_44  : i32 {
      %mul3A_985 = arith.constant 640 : i32
      %mul3A_986 = arith.muli %scan3A_984, %mul3A_985 : i32
      %parallel_loop3A = arith.constant 0 : i32
      %parallel_loop3A_987 = arith.constant 40 : i32
      %parallel_loop3A_988 = arith.constant 1 : i32
      scf.for %parallel_loop3A_989 = %parallel_loop3A to %parallel_loop3A_987 step %parallel_loop3A_988  : i32 {
        %parallel_loop3A_990 = arith.constant 16 : i32
        %parallel_loop3A_991 = arith.muli %parallel_loop3A_989, %parallel_loop3A_990 : i32
        %parallel_loop3A_992 = arith.addi %mul3A_986, %parallel_loop3A_991 : i32
        %parallel_loop3A_993 = arith.index_cast %parallel_loop3A_992 : i32 to index
        %parallel_loop3A_994 = tpu.vector_load %arg6[%parallel_loop3A_993] {strides = array<i32>} : memref<15360xi32, #tpu.memory_space<vmem>>, vector<16xi32>,
        %parallel_loop3A_995 = arith.constant 0 : i32
        %parallel_loop3A_996 = vector.broadcast %parallel_loop3A_995 : i32 to vector<16xi32>
        %parallel_loop3A_997 = arith.addi %parallel_loop3A_994, %parallel_loop3A_996 : vector<16xi32>
        %parallel_loop3A_998 = tpu.vector_load_idx %arg5[%parallel_loop3A_997] : memref<35392xf32, #tpu.memory_space<vmem>>[vector<16xi32>], vector<16xf32>,
        %parallel_loop3A_999 = arith.constant 16 : i32
        %parallel_loop3A_1000 = arith.muli %parallel_loop3A_989, %parallel_loop3A_999 : i32
        %parallel_loop3A_1001 = arith.index_cast %scan3A_984 : i32 to index
        %parallel_loop3A_1002 = arith.index_cast %parallel_loop3A_1000 : i32 to index
        %parallel_loop3A_1003 = tpu.vector_load %arg7[%parallel_loop3A_1001, %parallel_loop3A_1002] {strides = array<i32>} : memref<24x640xf32, #tpu.memory_space<vmem>>, vector<16xf32>,
        tpu.vector_store %arg7[%parallel_loop3A_1001, %parallel_loop3A_1002], %parallel_loop3A_998 {strides = array<i32>} : memref<24x640xf32, #tpu.memory_space<vmem>>, vector<16xf32>,
        %parallel_loop3A_1004 = arith.constant 2212 : i32
        %parallel_loop3A_1005 = vector.broadcast %parallel_loop3A_1004 : i32 to vector<16xi32>
        %parallel_loop3A_1006 = arith.addi %parallel_loop3A_994, %parallel_loop3A_1005 : vector<16xi32>
        %parallel_loop3A_1007 = tpu.vector_load_idx %arg5[%parallel_loop3A_1006] : memref<35392xf32, #tpu.memory_space<vmem>>[vector<16xi32>], vector<16xf32>,
        %parallel_loop3A_1008 = arith.constant 16 : i32
        %parallel_loop3A_1009 = arith.muli %parallel_loop3A_989, %parallel_loop3A_1008 : i32
        %parallel_loop3A_1010 = arith.index_cast %scan3A_984 : i32 to index
        %parallel_loop3A_1011 = arith.index_cast %parallel_loop3A_1009 : i32 to index
        %parallel_loop3A_1012 = tpu.vector_load %arg8[%parallel_loop3A_1010, %parallel_loop3A_1011] {strides = array<i32>} : memref<24x640xf32, #tpu.memory_space<vmem>>, vector<16xf32>,
        tpu.vector_store %arg8[%parallel_loop3A_1010, %parallel_loop3A_1011], %parallel_loop3A_1007 {strides = array<i32>} : memref<24x640xf32, #tpu.memory_space<vmem>>, vector<16xf32>,
      } {sc.loop_unroll_factor = 4 : i64, sc.parallel_access}
    }
    %scan3A_45 = arith.constant 24 : i32
    %mul3A_46 = arith.constant 8 : i32
    %mul3A_47 = arith.muli %select_n3A, %mul3A_46 : i32
    %dma_start3A_48 = arith.constant 0 : i32
    %dma_start3A_49 = arith.constant 0 : i32
    %dma_start3A_50 = arith.constant 0 : i32
    %dma_start3A_51 = tpu.memref_slice %arg7[%dma_start3A_49, %dma_start3A_50] : memref<24x640xf32, #tpu.memory_space<vmem>> -> memref<16x640xf32, #tpu.memory_space<vmem>>
    %dma_start3A_52 = arith.constant 0 : i32
    %dma_start3A_53 = tpu.memref_slice %arg4[%dma_start3A_48, %mul3A_47, %dma_start3A_52] : memref<16x592x640xf32, #tpu.memory_space<hbm>> -> memref<1x16x640xf32, #tpu.memory_space<hbm>>
    %dma_start3A_54 = tpu.memref_squeeze %dma_start3A_53 : memref<1x16x640xf32, #tpu.memory_space<hbm>> -> memref<16x640xf32, #tpu.memory_space<hbm>>
    %dma_start3A_55 = arith.constant 0 : i32
    %dma_start3A_56 = tpu.memref_slice %arg4[%dma_start3A_48, %mul3A_47, %dma_start3A_55] : memref<16x592x640xf32, #tpu.memory_space<hbm>> -> memref<1x16x640xf32, #tpu.memory_space<hbm>>
    %dma_start3A_57 = tpu.memref_squeeze %dma_start3A_56 : memref<1x16x640xf32, #tpu.memory_space<hbm>> -> memref<16x640xf32, #tpu.memory_space<hbm>>
    %dma_start3A_58 = arith.constant 0 : i32
    %dma_start3A_59 = arith.constant 0 : i32
    %dma_start3A_60 = tpu.memref_slice %arg7[%dma_start3A_58, %dma_start3A_59] : memref<24x640xf32, #tpu.memory_space<vmem>> -> memref<16x640xf32, #tpu.memory_space<vmem>>
    tpu.enqueue_dma source(%dma_start3A_60 : memref<16x640xf32, #tpu.memory_space<vmem>>) target(%dma_start3A_57 : memref<16x640xf32, #tpu.memory_space<hbm>>) target_semaphore(%arg12 : memref<!tpu.dma_semaphore, #tpu.memory_space<semaphore_mem>>)
    %mul3A_61 = arith.constant 8 : i32
    %mul3A_62 = arith.muli %select_n3A_14, %mul3A_61 : i32
    %dma_start3A_63 = arith.constant 0 : i32
    %dma_start3A_64 = arith.constant 16 : i32
    %dma_start3A_65 = arith.constant 0 : i32
    %dma_start3A_66 = tpu.memref_slice %arg7[%dma_start3A_64, %dma_start3A_65] : memref<24x640xf32, #tpu.memory_space<vmem>> -> memref<8x640xf32, #tpu.memory_space<vmem>>
    %dma_start3A_67 = arith.constant 0 : i32
    %dma_start3A_68 = tpu.memref_slice %arg4[%dma_start3A_63, %mul3A_62, %dma_start3A_67] : memref<16x592x640xf32, #tpu.memory_space<hbm>> -> memref<1x8x640xf32, #tpu.memory_space<hbm>>
    %dma_start3A_69 = tpu.memref_squeeze %dma_start3A_68 : memref<1x8x640xf32, #tpu.memory_space<hbm>> -> memref<8x640xf32, #tpu.memory_space<hbm>>
    %dma_start3A_70 = arith.constant 0 : i32
    %dma_start3A_71 = tpu.memref_slice %arg4[%dma_start3A_63, %mul3A_62, %dma_start3A_70] : memref<16x592x640xf32, #tpu.memory_space<hbm>> -> memref<1x8x640xf32, #tpu.memory_space<hbm>>
    %dma_start3A_72 = tpu.memref_squeeze %dma_start3A_71 : memref<1x8x640xf32, #tpu.memory_space<hbm>> -> memref<8x640xf32, #tpu.memory_space<hbm>>
    %dma_start3A_73 = arith.constant 16 : i32
    %dma_start3A_74 = arith.constant 0 : i32
    %dma_start3A_75 = tpu.memref_slice %arg7[%dma_start3A_73, %dma_start3A_74] : memref<24x640xf32, #tpu.memory_space<vmem>> -> memref<8x640xf32, #tpu.memory_space<vmem>>
    tpu.enqueue_dma source(%dma_start3A_75 : memref<8x640xf32, #tpu.memory_space<vmem>>) target(%dma_start3A_72 : memref<8x640xf32, #tpu.memory_space<hbm>>) target_semaphore(%arg12 : memref<!tpu.dma_semaphore, #tpu.memory_space<semaphore_mem>>)
    %mul3A_76 = arith.constant 8 : i32
    %mul3A_77 = arith.muli %select_n3A, %mul3A_76 : i32
    %dma_start3A_78 = arith.constant 1 : i32
    %dma_start3A_79 = arith.constant 0 : i32
    %dma_start3A_80 = arith.constant 0 : i32
    %dma_start3A_81 = tpu.memref_slice %arg8[%dma_start3A_79, %dma_start3A_80] : memref<24x640xf32, #tpu.memory_space<vmem>> -> memref<16x640xf32, #tpu.memory_space<vmem>>
    %dma_start3A_82 = arith.constant 0 : i32
    %dma_start3A_83 = tpu.memref_slice %arg4[%dma_start3A_78, %mul3A_77, %dma_start3A_82] : memref<16x592x640xf32, #tpu.memory_space<hbm>> -> memref<1x16x640xf32, #tpu.memory_space<hbm>>
    %dma_start3A_84 = tpu.memref_squeeze %dma_start3A_83 : memref<1x16x640xf32, #tpu.memory_space<hbm>> -> memref<16x640xf32, #tpu.memory_space<hbm>>
    %dma_start3A_85 = arith.constant 0 : i32
    %dma_start3A_86 = tpu.memref_slice %arg4[%dma_start3A_78, %mul3A_77, %dma_start3A_85] : memref<16x592x640xf32, #tpu.memory_space<hbm>> -> memref<1x16x640xf32, #tpu.memory_space<hbm>>
    %dma_start3A_87 = tpu.memref_squeeze %dma_start3A_86 : memref<1x16x640xf32, #tpu.memory_space<hbm>> -> memref<16x640xf32, #tpu.memory_space<hbm>>
    %dma_start3A_88 = arith.constant 0 : i32
    %dma_start3A_89 = arith.constant 0 : i32
    %dma_start3A_90 = tpu.memref_slice %arg8[%dma_start3A_88, %dma_start3A_89] : memref<24x640xf32, #tpu.memory_space<vmem>> -> memref<16x640xf32, #tpu.memory_space<vmem>>
    tpu.enqueue_dma source(%dma_start3A_90 : memref<16x640xf32, #tpu.memory_space<vmem>>) target(%dma_start3A_87 : memref<16x640xf32, #tpu.memory_space<hbm>>) target_semaphore(%arg12 : memref<!tpu.dma_semaphore, #tpu.memory_space<semaphore_mem>>)
    %mul3A_91 = arith.constant 8 : i32
    %mul3A_92 = arith.muli %select_n3A_14, %mul3A_91 : i32
    %dma_start3A_93 = arith.constant 1 : i32
    %dma_start3A_94 = arith.constant 16 : i32
    %dma_start3A_95 = arith.constant 0 : i32
    %dma_start3A_96 = tpu.memref_slice %arg8[%dma_start3A_94, %dma_start3A_95] : memref<24x640xf32, #tpu.memory_space<vmem>> -> memref<8x640xf32, #tpu.memory_space<vmem>>
    %dma_start3A_97 = arith.constant 0 : i32
    %dma_start3A_98 = tpu.memref_slice %arg4[%dma_start3A_93, %mul3A_92, %dma_start3A_97] : memref<16x592x640xf32, #tpu.memory_space<hbm>> -> memref<1x8x640xf32, #tpu.memory_space<hbm>>
    %dma_start3A_99 = tpu.memref_squeeze %dma_start3A_98 : memref<1x8x640xf32, #tpu.memory_space<hbm>> -> memref<8x640xf32, #tpu.memory_space<hbm>>
    %dma_start3A_100 = arith.constant 0 : i32
    %dma_start3A_101 = tpu.memref_slice %arg4[%dma_start3A_93, %mul3A_92, %dma_start3A_100] : memref<16x592x640xf32, #tpu.memory_space<hbm>> -> memref<1x8x640xf32, #tpu.memory_space<hbm>>
    %dma_start3A_102 = tpu.memref_squeeze %dma_start3A_101 : memref<1x8x640xf32, #tpu.memory_space<hbm>> -> memref<8x640xf32, #tpu.memory_space<hbm>>
    %dma_start3A_103 = arith.constant 16 : i32
    %dma_start3A_104 = arith.constant 0 : i32
    %dma_start3A_105 = tpu.memref_slice %arg8[%dma_start3A_103, %dma_start3A_104] : memref<24x640xf32, #tpu.memory_space<vmem>> -> memref<8x640xf32, #tpu.memory_space<vmem>>
    tpu.enqueue_dma source(%dma_start3A_105 : memref<8x640xf32, #tpu.memory_space<vmem>>) target(%dma_start3A_102 : memref<8x640xf32, #tpu.memory_space<hbm>>) target_semaphore(%arg12 : memref<!tpu.dma_semaphore, #tpu.memory_space<semaphore_mem>>)
    %scan3A_106 = arith.constant 0 : i32
    %scan3A_107 = arith.constant 0 : i32
    %scan3A_108 = arith.constant 24 : i32
    %scan3A_109 = arith.addi %scan3A_107, %scan3A_108 : i32
    %scan3A_110 = arith.constant 1 : i32
    scf.for %scan3A_984 = %scan3A_107 to %scan3A_109 step %scan3A_110  : i32 {
      %mul3A_985 = arith.constant 640 : i32
      %mul3A_986 = arith.muli %scan3A_984, %mul3A_985 : i32
      %parallel_loop3A = arith.constant 0 : i32
      %parallel_loop3A_987 = arith.constant 40 : i32
      %parallel_loop3A_988 = arith.constant 1 : i32
      scf.for %parallel_loop3A_989 = %parallel_loop3A to %parallel_loop3A_987 step %parallel_loop3A_988  : i32 {
        %parallel_loop3A_990 = arith.constant 16 : i32
        %parallel_loop3A_991 = arith.muli %parallel_loop3A_989, %parallel_loop3A_990 : i32
        %parallel_loop3A_992 = arith.addi %mul3A_986, %parallel_loop3A_991 : i32
        %parallel_loop3A_993 = arith.index_cast %parallel_loop3A_992 : i32 to index
        %parallel_loop3A_994 = tpu.vector_load %arg6[%parallel_loop3A_993] {strides = array<i32>} : memref<15360xi32, #tpu.memory_space<vmem>>, vector<16xi32>,
        %parallel_loop3A_995 = arith.constant 4424 : i32
        %parallel_loop3A_996 = vector.broadcast %parallel_loop3A_995 : i32 to vector<16xi32>
        %parallel_loop3A_997 = arith.addi %parallel_loop3A_994, %parallel_loop3A_996 : vector<16xi32>
        %parallel_loop3A_998 = tpu.vector_load_idx %arg5[%parallel_loop3A_997] : memref<35392xf32, #tpu.memory_space<vmem>>[vector<16xi32>], vector<16xf32>,
        %parallel_loop3A_999 = arith.constant 16 : i32
        %parallel_loop3A_1000 = arith.muli %parallel_loop3A_989, %parallel_loop3A_999 : i32
        %parallel_loop3A_1001 = arith.index_cast %scan3A_984 : i32 to index
        %parallel_loop3A_1002 = arith.index_cast %parallel_loop3A_1000 : i32 to index
        %parallel_loop3A_1003 = tpu.vector_load %arg9[%parallel_loop3A_1001, %parallel_loop3A_1002] {strides = array<i32>} : memref<24x640xf32, #tpu.memory_space<vmem>>, vector<16xf32>,
        tpu.vector_store %arg9[%parallel_loop3A_1001, %parallel_loop3A_1002], %parallel_loop3A_998 {strides = array<i32>} : memref<24x640xf32, #tpu.memory_space<vmem>>, vector<16xf32>,
        %parallel_loop3A_1004 = arith.constant 6636 : i32
        %parallel_loop3A_1005 = vector.broadcast %parallel_loop3A_1004 : i32 to vector<16xi32>
        %parallel_loop3A_1006 = arith.addi %parallel_loop3A_994, %parallel_loop3A_1005 : vector<16xi32>
        %parallel_loop3A_1007 = tpu.vector_load_idx %arg5[%parallel_loop3A_1006] : memref<35392xf32, #tpu.memory_space<vmem>>[vector<16xi32>], vector<16xf32>,
        %parallel_loop3A_1008 = arith.constant 16 : i32
        %parallel_loop3A_1009 = arith.muli %parallel_loop3A_989, %parallel_loop3A_1008 : i32
        %parallel_loop3A_1010 = arith.index_cast %scan3A_984 : i32 to index
        %parallel_loop3A_1011 = arith.index_cast %parallel_loop3A_1009 : i32 to index
        %parallel_loop3A_1012 = tpu.vector_load %arg10[%parallel_loop3A_1010, %parallel_loop3A_1011] {strides = array<i32>} : memref<24x640xf32, #tpu.memory_space<vmem>>, vector<16xf32>,
        tpu.vector_store %arg10[%parallel_loop3A_1010, %parallel_loop3A_1011], %parallel_loop3A_1007 {strides = array<i32>} : memref<24x640xf32, #tpu.memory_space<vmem>>, vector<16xf32>,
      } {sc.loop_unroll_factor = 4 : i64, sc.parallel_access}
    }
    %scan3A_111 = arith.constant 24 : i32
    %mul3A_112 = arith.constant 8 : i32
    %mul3A_113 = arith.muli %select_n3A, %mul3A_112 : i32
    %dma_start3A_114 = arith.constant 2 : i32
    %dma_start3A_115 = arith.constant 0 : i32
    %dma_start3A_116 = arith.constant 0 : i32
    %dma_start3A_117 = tpu.memref_slice %arg9[%dma_start3A_115, %dma_start3A_116] : memref<24x640xf32, #tpu.memory_space<vmem>> -> memref<16x640xf32, #tpu.memory_space<vmem>>
    %dma_start3A_118 = arith.constant 0 : i32
    %dma_start3A_119 = tpu.memref_slice %arg4[%dma_start3A_114, %mul3A_113, %dma_start3A_118] : memref<16x592x640xf32, #tpu.memory_space<hbm>> -> memref<1x16x640xf32, #tpu.memory_space<hbm>>
    %dma_start3A_120 = tpu.memref_squeeze %dma_start3A_119 : memref<1x16x640xf32, #tpu.memory_space<hbm>> -> memref<16x640xf32, #tpu.memory_space<hbm>>
    %dma_start3A_121 = arith.constant 0 : i32
    %dma_start3A_122 = tpu.memref_slice %arg4[%dma_start3A_114, %mul3A_113, %dma_start3A_121] : memref<16x592x640xf32, #tpu.memory_space<hbm>> -> memref<1x16x640xf32, #tpu.memory_space<hbm>>
    %dma_start3A_123 = tpu.memref_squeeze %dma_start3A_122 : memref<1x16x640xf32, #tpu.memory_space<hbm>> -> memref<16x640xf32, #tpu.memory_space<hbm>>
    %dma_start3A_124 = arith.constant 0 : i32
    %dma_start3A_125 = arith.constant 0 : i32
    %dma_start3A_126 = tpu.memref_slice %arg9[%dma_start3A_124, %dma_start3A_125] : memref<24x640xf32, #tpu.memory_space<vmem>> -> memref<16x640xf32, #tpu.memory_space<vmem>>
    tpu.enqueue_dma source(%dma_start3A_126 : memref<16x640xf32, #tpu.memory_space<vmem>>) target(%dma_start3A_123 : memref<16x640xf32, #tpu.memory_space<hbm>>) target_semaphore(%arg13 : memref<!tpu.dma_semaphore, #tpu.memory_space<semaphore_mem>>)
    %mul3A_127 = arith.constant 8 : i32
    %mul3A_128 = arith.muli %select_n3A_14, %mul3A_127 : i32
    %dma_start3A_129 = arith.constant 2 : i32
    %dma_start3A_130 = arith.constant 16 : i32
    %dma_start3A_131 = arith.constant 0 : i32
    %dma_start3A_132 = tpu.memref_slice %arg9[%dma_start3A_130, %dma_start3A_131] : memref<24x640xf32, #tpu.memory_space<vmem>> -> memref<8x640xf32, #tpu.memory_space<vmem>>
    %dma_start3A_133 = arith.constant 0 : i32
    %dma_start3A_134 = tpu.memref_slice %arg4[%dma_start3A_129, %mul3A_128, %dma_start3A_133] : memref<16x592x640xf32, #tpu.memory_space<hbm>> -> memref<1x8x640xf32, #tpu.memory_space<hbm>>
    %dma_start3A_135 = tpu.memref_squeeze %dma_start3A_134 : memref<1x8x640xf32, #tpu.memory_space<hbm>> -> memref<8x640xf32, #tpu.memory_space<hbm>>
    %dma_start3A_136 = arith.constant 0 : i32
    %dma_start3A_137 = tpu.memref_slice %arg4[%dma_start3A_129, %mul3A_128, %dma_start3A_136] : memref<16x592x640xf32, #tpu.memory_space<hbm>> -> memref<1x8x640xf32, #tpu.memory_space<hbm>>
    %dma_start3A_138 = tpu.memref_squeeze %dma_start3A_137 : memref<1x8x640xf32, #tpu.memory_space<hbm>> -> memref<8x640xf32, #tpu.memory_space<hbm>>
    %dma_start3A_139 = arith.constant 16 : i32
    %dma_start3A_140 = arith.constant 0 : i32
    %dma_start3A_141 = tpu.memref_slice %arg9[%dma_start3A_139, %dma_start3A_140] : memref<24x640xf32, #tpu.memory_space<vmem>> -> memref<8x640xf32, #tpu.memory_space<vmem>>
    tpu.enqueue_dma source(%dma_start3A_141 : memref<8x640xf32, #tpu.memory_space<vmem>>) target(%dma_start3A_138 : memref<8x640xf32, #tpu.memory_space<hbm>>) target_semaphore(%arg13 : memref<!tpu.dma_semaphore, #tpu.memory_space<semaphore_mem>>)
    %mul3A_142 = arith.constant 8 : i32
    %mul3A_143 = arith.muli %select_n3A, %mul3A_142 : i32
    %dma_start3A_144 = arith.constant 3 : i32
    %dma_start3A_145 = arith.constant 0 : i32
    %dma_start3A_146 = arith.constant 0 : i32
    %dma_start3A_147 = tpu.memref_slice %arg10[%dma_start3A_145, %dma_start3A_146] : memref<24x640xf32, #tpu.memory_space<vmem>> -> memref<16x640xf32, #tpu.memory_space<vmem>>
    %dma_start3A_148 = arith.constant 0 : i32
    %dma_start3A_149 = tpu.memref_slice %arg4[%dma_start3A_144, %mul3A_143, %dma_start3A_148] : memref<16x592x640xf32, #tpu.memory_space<hbm>> -> memref<1x16x640xf32, #tpu.memory_space<hbm>>
    %dma_start3A_150 = tpu.memref_squeeze %dma_start3A_149 : memref<1x16x640xf32, #tpu.memory_space<hbm>> -> memref<16x640xf32, #tpu.memory_space<hbm>>
    %dma_start3A_151 = arith.constant 0 : i32
    %dma_start3A_152 = tpu.memref_slice %arg4[%dma_start3A_144, %mul3A_143, %dma_start3A_151] : memref<16x592x640xf32, #tpu.memory_space<hbm>> -> memref<1x16x640xf32, #tpu.memory_space<hbm>>
    %dma_start3A_153 = tpu.memref_squeeze %dma_start3A_152 : memref<1x16x640xf32, #tpu.memory_space<hbm>> -> memref<16x640xf32, #tpu.memory_space<hbm>>
    %dma_start3A_154 = arith.constant 0 : i32
    %dma_start3A_155 = arith.constant 0 : i32
    %dma_start3A_156 = tpu.memref_slice %arg10[%dma_start3A_154, %dma_start3A_155] : memref<24x640xf32, #tpu.memory_space<vmem>> -> memref<16x640xf32, #tpu.memory_space<vmem>>
    tpu.enqueue_dma source(%dma_start3A_156 : memref<16x640xf32, #tpu.memory_space<vmem>>) target(%dma_start3A_153 : memref<16x640xf32, #tpu.memory_space<hbm>>) target_semaphore(%arg13 : memref<!tpu.dma_semaphore, #tpu.memory_space<semaphore_mem>>)
    %mul3A_157 = arith.constant 8 : i32
    %mul3A_158 = arith.muli %select_n3A_14, %mul3A_157 : i32
    %dma_start3A_159 = arith.constant 3 : i32
    %dma_start3A_160 = arith.constant 16 : i32
    %dma_start3A_161 = arith.constant 0 : i32
    %dma_start3A_162 = tpu.memref_slice %arg10[%dma_start3A_160, %dma_start3A_161] : memref<24x640xf32, #tpu.memory_space<vmem>> -> memref<8x640xf32, #tpu.memory_space<vmem>>
    %dma_start3A_163 = arith.constant 0 : i32
    %dma_start3A_164 = tpu.memref_slice %arg4[%dma_start3A_159, %mul3A_158, %dma_start3A_163] : memref<16x592x640xf32, #tpu.memory_space<hbm>> -> memref<1x8x640xf32, #tpu.memory_space<hbm>>
    %dma_start3A_165 = tpu.memref_squeeze %dma_start3A_164 : memref<1x8x640xf32, #tpu.memory_space<hbm>> -> memref<8x640xf32, #tpu.memory_space<hbm>>
    %dma_start3A_166 = arith.constant 0 : i32
    %dma_start3A_167 = tpu.memref_slice %arg4[%dma_start3A_159, %mul3A_158, %dma_start3A_166] : memref<16x592x640xf32, #tpu.memory_space<hbm>> -> memref<1x8x640xf32, #tpu.memory_space<hbm>>
    %dma_start3A_168 = tpu.memref_squeeze %dma_start3A_167 : memref<1x8x640xf32, #tpu.memory_space<hbm>> -> memref<8x640xf32, #tpu.memory_space<hbm>>
    %dma_start3A_169 = arith.constant 16 : i32
    %dma_start3A_170 = arith.constant 0 : i32
    %dma_start3A_171 = tpu.memref_slice %arg10[%dma_start3A_169, %dma_start3A_170] : memref<24x640xf32, #tpu.memory_space<vmem>> -> memref<8x640xf32, #tpu.memory_space<vmem>>
    tpu.enqueue_dma source(%dma_start3A_171 : memref<8x640xf32, #tpu.memory_space<vmem>>) target(%dma_start3A_168 : memref<8x640xf32, #tpu.memory_space<hbm>>) target_semaphore(%arg13 : memref<!tpu.dma_semaphore, #tpu.memory_space<semaphore_mem>>)
    %dma_wait3A_172 = arith.constant 0 : i32
    %dma_wait3A_173 = arith.constant 0 : i32
    %dma_wait3A_174 = arith.constant 0 : i32
    %dma_wait3A_175 = tpu.memref_slice %arg7[%dma_wait3A_173, %dma_wait3A_174] : memref<24x640xf32, #tpu.memory_space<vmem>> -> memref<16x640xf32, #tpu.memory_space<vmem>>
    %dma_wait3A_176 = arith.constant 0 : i32
    %dma_wait3A_177 = tpu.memref_slice %arg4[%dma_wait3A_172, %mul3A_47, %dma_wait3A_176] : memref<16x592x640xf32, #tpu.memory_space<hbm>> -> memref<1x16x640xf32, #tpu.memory_space<hbm>>
    %dma_wait3A_178 = tpu.memref_squeeze %dma_wait3A_177 : memref<1x16x640xf32, #tpu.memory_space<hbm>> -> memref<16x640xf32, #tpu.memory_space<hbm>>
    %dma_wait3A_179 = arith.constant 0 : i32
    %dma_wait3A_180 = tpu.memref_slice %arg4[%dma_wait3A_172, %mul3A_47, %dma_wait3A_179] : memref<16x592x640xf32, #tpu.memory_space<hbm>> -> memref<1x16x640xf32, #tpu.memory_space<hbm>>
    %dma_wait3A_181 = tpu.memref_squeeze %dma_wait3A_180 : memref<1x16x640xf32, #tpu.memory_space<hbm>> -> memref<16x640xf32, #tpu.memory_space<hbm>>
    %dma_wait3A_182 = arith.constant 0 : i32
    %dma_wait3A_183 = arith.constant 0 : i32
    %dma_wait3A_184 = tpu.memref_slice %arg7[%dma_wait3A_182, %dma_wait3A_183] : memref<24x640xf32, #tpu.memory_space<vmem>> -> memref<16x640xf32, #tpu.memory_space<vmem>>
    tpu.wait_dma2 semaphore(%arg12 : memref<!tpu.dma_semaphore, #tpu.memory_space<semaphore_mem>>) src(%dma_wait3A_184 : memref<16x640xf32, #tpu.memory_space<vmem>>) dst(%dma_wait3A_181 : memref<16x640xf32, #tpu.memory_space<hbm>>)
    %dma_wait3A_185 = arith.constant 0 : i32
    %dma_wait3A_186 = arith.constant 16 : i32
    %dma_wait3A_187 = arith.constant 0 : i32
    %dma_wait3A_188 = tpu.memref_slice %arg7[%dma_wait3A_186, %dma_wait3A_187] : memref<24x640xf32, #tpu.memory_space<vmem>> -> memref<8x640xf32, #tpu.memory_space<vmem>>
    %dma_wait3A_189 = arith.constant 0 : i32
    %dma_wait3A_190 = tpu.memref_slice %arg4[%dma_wait3A_185, %mul3A_62, %dma_wait3A_189] : memref<16x592x640xf32, #tpu.memory_space<hbm>> -> memref<1x8x640xf32, #tpu.memory_space<hbm>>
    %dma_wait3A_191 = tpu.memref_squeeze %dma_wait3A_190 : memref<1x8x640xf32, #tpu.memory_space<hbm>> -> memref<8x640xf32, #tpu.memory_space<hbm>>
    %dma_wait3A_192 = arith.constant 0 : i32
    %dma_wait3A_193 = tpu.memref_slice %arg4[%dma_wait3A_185, %mul3A_62, %dma_wait3A_192] : memref<16x592x640xf32, #tpu.memory_space<hbm>> -> memref<1x8x640xf32, #tpu.memory_space<hbm>>
    %dma_wait3A_194 = tpu.memref_squeeze %dma_wait3A_193 : memref<1x8x640xf32, #tpu.memory_space<hbm>> -> memref<8x640xf32, #tpu.memory_space<hbm>>
    %dma_wait3A_195 = arith.constant 16 : i32
    %dma_wait3A_196 = arith.constant 0 : i32
    %dma_wait3A_197 = tpu.memref_slice %arg7[%dma_wait3A_195, %dma_wait3A_196] : memref<24x640xf32, #tpu.memory_space<vmem>> -> memref<8x640xf32, #tpu.memory_space<vmem>>
    tpu.wait_dma2 semaphore(%arg12 : memref<!tpu.dma_semaphore, #tpu.memory_space<semaphore_mem>>) src(%dma_wait3A_197 : memref<8x640xf32, #tpu.memory_space<vmem>>) dst(%dma_wait3A_194 : memref<8x640xf32, #tpu.memory_space<hbm>>)
    %dma_wait3A_198 = arith.constant 1 : i32
    %dma_wait3A_199 = arith.constant 0 : i32
    %dma_wait3A_200 = arith.constant 0 : i32
    %dma_wait3A_201 = tpu.memref_slice %arg8[%dma_wait3A_199, %dma_wait3A_200] : memref<24x640xf32, #tpu.memory_space<vmem>> -> memref<16x640xf32, #tpu.memory_space<vmem>>
    %dma_wait3A_202 = arith.constant 0 : i32
    %dma_wait3A_203 = tpu.memref_slice %arg4[%dma_wait3A_198, %mul3A_77, %dma_wait3A_202] : memref<16x592x640xf32, #tpu.memory_space<hbm>> -> memref<1x16x640xf32, #tpu.memory_space<hbm>>
    %dma_wait3A_204 = tpu.memref_squeeze %dma_wait3A_203 : memref<1x16x640xf32, #tpu.memory_space<hbm>> -> memref<16x640xf32, #tpu.memory_space<hbm>>
    %dma_wait3A_205 = arith.constant 0 : i32
    %dma_wait3A_206 = tpu.memref_slice %arg4[%dma_wait3A_198, %mul3A_77, %dma_wait3A_205] : memref<16x592x640xf32, #tpu.memory_space<hbm>> -> memref<1x16x640xf32, #tpu.memory_space<hbm>>
    %dma_wait3A_207 = tpu.memref_squeeze %dma_wait3A_206 : memref<1x16x640xf32, #tpu.memory_space<hbm>> -> memref<16x640xf32, #tpu.memory_space<hbm>>
    %dma_wait3A_208 = arith.constant 0 : i32
    %dma_wait3A_209 = arith.constant 0 : i32
    %dma_wait3A_210 = tpu.memref_slice %arg8[%dma_wait3A_208, %dma_wait3A_209] : memref<24x640xf32, #tpu.memory_space<vmem>> -> memref<16x640xf32, #tpu.memory_space<vmem>>
    tpu.wait_dma2 semaphore(%arg12 : memref<!tpu.dma_semaphore, #tpu.memory_space<semaphore_mem>>) src(%dma_wait3A_210 : memref<16x640xf32, #tpu.memory_space<vmem>>) dst(%dma_wait3A_207 : memref<16x640xf32, #tpu.memory_space<hbm>>)
    %dma_wait3A_211 = arith.constant 1 : i32
    %dma_wait3A_212 = arith.constant 16 : i32
    %dma_wait3A_213 = arith.constant 0 : i32
    %dma_wait3A_214 = tpu.memref_slice %arg8[%dma_wait3A_212, %dma_wait3A_213] : memref<24x640xf32, #tpu.memory_space<vmem>> -> memref<8x640xf32, #tpu.memory_space<vmem>>
    %dma_wait3A_215 = arith.constant 0 : i32
    %dma_wait3A_216 = tpu.memref_slice %arg4[%dma_wait3A_211, %mul3A_92, %dma_wait3A_215] : memref<16x592x640xf32, #tpu.memory_space<hbm>> -> memref<1x8x640xf32, #tpu.memory_space<hbm>>
    %dma_wait3A_217 = tpu.memref_squeeze %dma_wait3A_216 : memref<1x8x640xf32, #tpu.memory_space<hbm>> -> memref<8x640xf32, #tpu.memory_space<hbm>>
    %dma_wait3A_218 = arith.constant 0 : i32
    %dma_wait3A_219 = tpu.memref_slice %arg4[%dma_wait3A_211, %mul3A_92, %dma_wait3A_218] : memref<16x592x640xf32, #tpu.memory_space<hbm>> -> memref<1x8x640xf32, #tpu.memory_space<hbm>>
    %dma_wait3A_220 = tpu.memref_squeeze %dma_wait3A_219 : memref<1x8x640xf32, #tpu.memory_space<hbm>> -> memref<8x640xf32, #tpu.memory_space<hbm>>
    %dma_wait3A_221 = arith.constant 16 : i32
    %dma_wait3A_222 = arith.constant 0 : i32
    %dma_wait3A_223 = tpu.memref_slice %arg8[%dma_wait3A_221, %dma_wait3A_222] : memref<24x640xf32, #tpu.memory_space<vmem>> -> memref<8x640xf32, #tpu.memory_space<vmem>>
    tpu.wait_dma2 semaphore(%arg12 : memref<!tpu.dma_semaphore, #tpu.memory_space<semaphore_mem>>) src(%dma_wait3A_223 : memref<8x640xf32, #tpu.memory_space<vmem>>) dst(%dma_wait3A_220 : memref<8x640xf32, #tpu.memory_space<hbm>>)
    %scan3A_224 = arith.constant 0 : i32
    %scan3A_225 = arith.constant 0 : i32
    %scan3A_226 = arith.constant 24 : i32
    %scan3A_227 = arith.addi %scan3A_225, %scan3A_226 : i32
    %scan3A_228 = arith.constant 1 : i32
    scf.for %scan3A_984 = %scan3A_225 to %scan3A_227 step %scan3A_228  : i32 {
      %mul3A_985 = arith.constant 640 : i32
      %mul3A_986 = arith.muli %scan3A_984, %mul3A_985 : i32
      %parallel_loop3A = arith.constant 0 : i32
      %parallel_loop3A_987 = arith.constant 40 : i32
      %parallel_loop3A_988 = arith.constant 1 : i32
      scf.for %parallel_loop3A_989 = %parallel_loop3A to %parallel_loop3A_987 step %parallel_loop3A_988  : i32 {
        %parallel_loop3A_990 = arith.constant 16 : i32
        %parallel_loop3A_991 = arith.muli %parallel_loop3A_989, %parallel_loop3A_990 : i32
        %parallel_loop3A_992 = arith.addi %mul3A_986, %parallel_loop3A_991 : i32
        %parallel_loop3A_993 = arith.index_cast %parallel_loop3A_992 : i32 to index
        %parallel_loop3A_994 = tpu.vector_load %arg6[%parallel_loop3A_993] {strides = array<i32>} : memref<15360xi32, #tpu.memory_space<vmem>>, vector<16xi32>,
        %parallel_loop3A_995 = arith.constant 8848 : i32
        %parallel_loop3A_996 = vector.broadcast %parallel_loop3A_995 : i32 to vector<16xi32>
        %parallel_loop3A_997 = arith.addi %parallel_loop3A_994, %parallel_loop3A_996 : vector<16xi32>
        %parallel_loop3A_998 = tpu.vector_load_idx %arg5[%parallel_loop3A_997] : memref<35392xf32, #tpu.memory_space<vmem>>[vector<16xi32>], vector<16xf32>,
        %parallel_loop3A_999 = arith.constant 16 : i32
        %parallel_loop3A_1000 = arith.muli %parallel_loop3A_989, %parallel_loop3A_999 : i32
        %parallel_loop3A_1001 = arith.index_cast %scan3A_984 : i32 to index
        %parallel_loop3A_1002 = arith.index_cast %parallel_loop3A_1000 : i32 to index
        %parallel_loop3A_1003 = tpu.vector_load %arg7[%parallel_loop3A_1001, %parallel_loop3A_1002] {strides = array<i32>} : memref<24x640xf32, #tpu.memory_space<vmem>>, vector<16xf32>,
        tpu.vector_store %arg7[%parallel_loop3A_1001, %parallel_loop3A_1002], %parallel_loop3A_998 {strides = array<i32>} : memref<24x640xf32, #tpu.memory_space<vmem>>, vector<16xf32>,
        %parallel_loop3A_1004 = arith.constant 11060 : i32
        %parallel_loop3A_1005 = vector.broadcast %parallel_loop3A_1004 : i32 to vector<16xi32>
        %parallel_loop3A_1006 = arith.addi %parallel_loop3A_994, %parallel_loop3A_1005 : vector<16xi32>
        %parallel_loop3A_1007 = tpu.vector_load_idx %arg5[%parallel_loop3A_1006] : memref<35392xf32, #tpu.memory_space<vmem>>[vector<16xi32>], vector<16xf32>,
        %parallel_loop3A_1008 = arith.constant 16 : i32
        %parallel_loop3A_1009 = arith.muli %parallel_loop3A_989, %parallel_loop3A_1008 : i32
        %parallel_loop3A_1010 = arith.index_cast %scan3A_984 : i32 to index
        %parallel_loop3A_1011 = arith.index_cast %parallel_loop3A_1009 : i32 to index
        %parallel_loop3A_1012 = tpu.vector_load %arg8[%parallel_loop3A_1010, %parallel_loop3A_1011] {strides = array<i32>} : memref<24x640xf32, #tpu.memory_space<vmem>>, vector<16xf32>,
        tpu.vector_store %arg8[%parallel_loop3A_1010, %parallel_loop3A_1011], %parallel_loop3A_1007 {strides = array<i32>} : memref<24x640xf32, #tpu.memory_space<vmem>>, vector<16xf32>,
      } {sc.loop_unroll_factor = 4 : i64, sc.parallel_access}
    }
    %scan3A_229 = arith.constant 24 : i32
    %mul3A_230 = arith.constant 8 : i32
    %mul3A_231 = arith.muli %select_n3A, %mul3A_230 : i32
    %dma_start3A_232 = arith.constant 4 : i32
    %dma_start3A_233 = arith.constant 0 : i32
    %dma_start3A_234 = arith.constant 0 : i32
    %dma_start3A_235 = tpu.memref_slice %arg7[%dma_start3A_233, %dma_start3A_234] : memref<24x640xf32, #tpu.memory_space<vmem>> -> memref<16x640xf32, #tpu.memory_space<vmem>>
    %dma_start3A_236 = arith.constant 0 : i32
    %dma_start3A_237 = tpu.memref_slice %arg4[%dma_start3A_232, %mul3A_231, %dma_start3A_236] : memref<16x592x640xf32, #tpu.memory_space<hbm>> -> memref<1x16x640xf32, #tpu.memory_space<hbm>>
    %dma_start3A_238 = tpu.memref_squeeze %dma_start3A_237 : memref<1x16x640xf32, #tpu.memory_space<hbm>> -> memref<16x640xf32, #tpu.memory_space<hbm>>
    %dma_start3A_239 = arith.constant 0 : i32
    %dma_start3A_240 = tpu.memref_slice %arg4[%dma_start3A_232, %mul3A_231, %dma_start3A_239] : memref<16x592x640xf32, #tpu.memory_space<hbm>> -> memref<1x16x640xf32, #tpu.memory_space<hbm>>
    %dma_start3A_241 = tpu.memref_squeeze %dma_start3A_240 : memref<1x16x640xf32, #tpu.memory_space<hbm>> -> memref<16x640xf32, #tpu.memory_space<hbm>>
    %dma_start3A_242 = arith.constant 0 : i32
    %dma_start3A_243 = arith.constant 0 : i32
    %dma_start3A_244 = tpu.memref_slice %arg7[%dma_start3A_242, %dma_start3A_243] : memref<24x640xf32, #tpu.memory_space<vmem>> -> memref<16x640xf32, #tpu.memory_space<vmem>>
    tpu.enqueue_dma source(%dma_start3A_244 : memref<16x640xf32, #tpu.memory_space<vmem>>) target(%dma_start3A_241 : memref<16x640xf32, #tpu.memory_space<hbm>>) target_semaphore(%arg12 : memref<!tpu.dma_semaphore, #tpu.memory_space<semaphore_mem>>)
    %mul3A_245 = arith.constant 8 : i32
    %mul3A_246 = arith.muli %select_n3A_14, %mul3A_245 : i32
    %dma_start3A_247 = arith.constant 4 : i32
    %dma_start3A_248 = arith.constant 16 : i32
    %dma_start3A_249 = arith.constant 0 : i32
    %dma_start3A_250 = tpu.memref_slice %arg7[%dma_start3A_248, %dma_start3A_249] : memref<24x640xf32, #tpu.memory_space<vmem>> -> memref<8x640xf32, #tpu.memory_space<vmem>>
    %dma_start3A_251 = arith.constant 0 : i32
    %dma_start3A_252 = tpu.memref_slice %arg4[%dma_start3A_247, %mul3A_246, %dma_start3A_251] : memref<16x592x640xf32, #tpu.memory_space<hbm>> -> memref<1x8x640xf32, #tpu.memory_space<hbm>>
    %dma_start3A_253 = tpu.memref_squeeze %dma_start3A_252 : memref<1x8x640xf32, #tpu.memory_space<hbm>> -> memref<8x640xf32, #tpu.memory_space<hbm>>
    %dma_start3A_254 = arith.constant 0 : i32
    %dma_start3A_255 = tpu.memref_slice %arg4[%dma_start3A_247, %mul3A_246, %dma_start3A_254] : memref<16x592x640xf32, #tpu.memory_space<hbm>> -> memref<1x8x640xf32, #tpu.memory_space<hbm>>
    %dma_start3A_256 = tpu.memref_squeeze %dma_start3A_255 : memref<1x8x640xf32, #tpu.memory_space<hbm>> -> memref<8x640xf32, #tpu.memory_space<hbm>>
    %dma_start3A_257 = arith.constant 16 : i32
    %dma_start3A_258 = arith.constant 0 : i32
    %dma_start3A_259 = tpu.memref_slice %arg7[%dma_start3A_257, %dma_start3A_258] : memref<24x640xf32, #tpu.memory_space<vmem>> -> memref<8x640xf32, #tpu.memory_space<vmem>>
    tpu.enqueue_dma source(%dma_start3A_259 : memref<8x640xf32, #tpu.memory_space<vmem>>) target(%dma_start3A_256 : memref<8x640xf32, #tpu.memory_space<hbm>>) target_semaphore(%arg12 : memref<!tpu.dma_semaphore, #tpu.memory_space<semaphore_mem>>)
    %mul3A_260 = arith.constant 8 : i32
    %mul3A_261 = arith.muli %select_n3A, %mul3A_260 : i32
    %dma_start3A_262 = arith.constant 5 : i32
    %dma_start3A_263 = arith.constant 0 : i32
    %dma_start3A_264 = arith.constant 0 : i32
    %dma_start3A_265 = tpu.memref_slice %arg8[%dma_start3A_263, %dma_start3A_264] : memref<24x640xf32, #tpu.memory_space<vmem>> -> memref<16x640xf32, #tpu.memory_space<vmem>>
    %dma_start3A_266 = arith.constant 0 : i32
    %dma_start3A_267 = tpu.memref_slice %arg4[%dma_start3A_262, %mul3A_261, %dma_start3A_266] : memref<16x592x640xf32, #tpu.memory_space<hbm>> -> memref<1x16x640xf32, #tpu.memory_space<hbm>>
    %dma_start3A_268 = tpu.memref_squeeze %dma_start3A_267 : memref<1x16x640xf32, #tpu.memory_space<hbm>> -> memref<16x640xf32, #tpu.memory_space<hbm>>
    %dma_start3A_269 = arith.constant 0 : i32
    %dma_start3A_270 = tpu.memref_slice %arg4[%dma_start3A_262, %mul3A_261, %dma_start3A_269] : memref<16x592x640xf32, #tpu.memory_space<hbm>> -> memref<1x16x640xf32, #tpu.memory_space<hbm>>
    %dma_start3A_271 = tpu.memref_squeeze %dma_start3A_270 : memref<1x16x640xf32, #tpu.memory_space<hbm>> -> memref<16x640xf32, #tpu.memory_space<hbm>>
    %dma_start3A_272 = arith.constant 0 : i32
    %dma_start3A_273 = arith.constant 0 : i32
    %dma_start3A_274 = tpu.memref_slice %arg8[%dma_start3A_272, %dma_start3A_273] : memref<24x640xf32, #tpu.memory_space<vmem>> -> memref<16x640xf32, #tpu.memory_space<vmem>>
    tpu.enqueue_dma source(%dma_start3A_274 : memref<16x640xf32, #tpu.memory_space<vmem>>) target(%dma_start3A_271 : memref<16x640xf32, #tpu.memory_space<hbm>>) target_semaphore(%arg12 : memref<!tpu.dma_semaphore, #tpu.memory_space<semaphore_mem>>)
    %mul3A_275 = arith.constant 8 : i32
    %mul3A_276 = arith.muli %select_n3A_14, %mul3A_275 : i32
    %dma_start3A_277 = arith.constant 5 : i32
    %dma_start3A_278 = arith.constant 16 : i32
    %dma_start3A_279 = arith.constant 0 : i32
    %dma_start3A_280 = tpu.memref_slice %arg8[%dma_start3A_278, %dma_start3A_279] : memref<24x640xf32, #tpu.memory_space<vmem>> -> memref<8x640xf32, #tpu.memory_space<vmem>>
    %dma_start3A_281 = arith.constant 0 : i32
    %dma_start3A_282 = tpu.memref_slice %arg4[%dma_start3A_277, %mul3A_276, %dma_start3A_281] : memref<16x592x640xf32, #tpu.memory_space<hbm>> -> memref<1x8x640xf32, #tpu.memory_space<hbm>>
    %dma_start3A_283 = tpu.memref_squeeze %dma_start3A_282 : memref<1x8x640xf32, #tpu.memory_space<hbm>> -> memref<8x640xf32, #tpu.memory_space<hbm>>
    %dma_start3A_284 = arith.constant 0 : i32
    %dma_start3A_285 = tpu.memref_slice %arg4[%dma_start3A_277, %mul3A_276, %dma_start3A_284] : memref<16x592x640xf32, #tpu.memory_space<hbm>> -> memref<1x8x640xf32, #tpu.memory_space<hbm>>
    %dma_start3A_286 = tpu.memref_squeeze %dma_start3A_285 : memref<1x8x640xf32, #tpu.memory_space<hbm>> -> memref<8x640xf32, #tpu.memory_space<hbm>>
    %dma_start3A_287 = arith.constant 16 : i32
    %dma_start3A_288 = arith.constant 0 : i32
    %dma_start3A_289 = tpu.memref_slice %arg8[%dma_start3A_287, %dma_start3A_288] : memref<24x640xf32, #tpu.memory_space<vmem>> -> memref<8x640xf32, #tpu.memory_space<vmem>>
    tpu.enqueue_dma source(%dma_start3A_289 : memref<8x640xf32, #tpu.memory_space<vmem>>) target(%dma_start3A_286 : memref<8x640xf32, #tpu.memory_space<hbm>>) target_semaphore(%arg12 : memref<!tpu.dma_semaphore, #tpu.memory_space<semaphore_mem>>)
    %dma_wait3A_290 = arith.constant 2 : i32
    %dma_wait3A_291 = arith.constant 0 : i32
    %dma_wait3A_292 = arith.constant 0 : i32
    %dma_wait3A_293 = tpu.memref_slice %arg9[%dma_wait3A_291, %dma_wait3A_292] : memref<24x640xf32, #tpu.memory_space<vmem>> -> memref<16x640xf32, #tpu.memory_space<vmem>>
    %dma_wait3A_294 = arith.constant 0 : i32
    %dma_wait3A_295 = tpu.memref_slice %arg4[%dma_wait3A_290, %mul3A_113, %dma_wait3A_294] : memref<16x592x640xf32, #tpu.memory_space<hbm>> -> memref<1x16x640xf32, #tpu.memory_space<hbm>>
    %dma_wait3A_296 = tpu.memref_squeeze %dma_wait3A_295 : memref<1x16x640xf32, #tpu.memory_space<hbm>> -> memref<16x640xf32, #tpu.memory_space<hbm>>
    %dma_wait3A_297 = arith.constant 0 : i32
    %dma_wait3A_298 = tpu.memref_slice %arg4[%dma_wait3A_290, %mul3A_113, %dma_wait3A_297] : memref<16x592x640xf32, #tpu.memory_space<hbm>> -> memref<1x16x640xf32, #tpu.memory_space<hbm>>
    %dma_wait3A_299 = tpu.memref_squeeze %dma_wait3A_298 : memref<1x16x640xf32, #tpu.memory_space<hbm>> -> memref<16x640xf32, #tpu.memory_space<hbm>>
    %dma_wait3A_300 = arith.constant 0 : i32
    %dma_wait3A_301 = arith.constant 0 : i32
    %dma_wait3A_302 = tpu.memref_slice %arg9[%dma_wait3A_300, %dma_wait3A_301] : memref<24x640xf32, #tpu.memory_space<vmem>> -> memref<16x640xf32, #tpu.memory_space<vmem>>
    tpu.wait_dma2 semaphore(%arg13 : memref<!tpu.dma_semaphore, #tpu.memory_space<semaphore_mem>>) src(%dma_wait3A_302 : memref<16x640xf32, #tpu.memory_space<vmem>>) dst(%dma_wait3A_299 : memref<16x640xf32, #tpu.memory_space<hbm>>)
    %dma_wait3A_303 = arith.constant 2 : i32
    %dma_wait3A_304 = arith.constant 16 : i32
    %dma_wait3A_305 = arith.constant 0 : i32
    %dma_wait3A_306 = tpu.memref_slice %arg9[%dma_wait3A_304, %dma_wait3A_305] : memref<24x640xf32, #tpu.memory_space<vmem>> -> memref<8x640xf32, #tpu.memory_space<vmem>>
    %dma_wait3A_307 = arith.constant 0 : i32
    %dma_wait3A_308 = tpu.memref_slice %arg4[%dma_wait3A_303, %mul3A_128, %dma_wait3A_307] : memref<16x592x640xf32, #tpu.memory_space<hbm>> -> memref<1x8x640xf32, #tpu.memory_space<hbm>>
    %dma_wait3A_309 = tpu.memref_squeeze %dma_wait3A_308 : memref<1x8x640xf32, #tpu.memory_space<hbm>> -> memref<8x640xf32, #tpu.memory_space<hbm>>
    %dma_wait3A_310 = arith.constant 0 : i32
    %dma_wait3A_311 = tpu.memref_slice %arg4[%dma_wait3A_303, %mul3A_128, %dma_wait3A_310] : memref<16x592x640xf32, #tpu.memory_space<hbm>> -> memref<1x8x640xf32, #tpu.memory_space<hbm>>
    %dma_wait3A_312 = tpu.memref_squeeze %dma_wait3A_311 : memref<1x8x640xf32, #tpu.memory_space<hbm>> -> memref<8x640xf32, #tpu.memory_space<hbm>>
    %dma_wait3A_313 = arith.constant 16 : i32
    %dma_wait3A_314 = arith.constant 0 : i32
    %dma_wait3A_315 = tpu.memref_slice %arg9[%dma_wait3A_313, %dma_wait3A_314] : memref<24x640xf32, #tpu.memory_space<vmem>> -> memref<8x640xf32, #tpu.memory_space<vmem>>
    tpu.wait_dma2 semaphore(%arg13 : memref<!tpu.dma_semaphore, #tpu.memory_space<semaphore_mem>>) src(%dma_wait3A_315 : memref<8x640xf32, #tpu.memory_space<vmem>>) dst(%dma_wait3A_312 : memref<8x640xf32, #tpu.memory_space<hbm>>)
    %dma_wait3A_316 = arith.constant 3 : i32
    %dma_wait3A_317 = arith.constant 0 : i32
    %dma_wait3A_318 = arith.constant 0 : i32
    %dma_wait3A_319 = tpu.memref_slice %arg10[%dma_wait3A_317, %dma_wait3A_318] : memref<24x640xf32, #tpu.memory_space<vmem>> -> memref<16x640xf32, #tpu.memory_space<vmem>>
    %dma_wait3A_320 = arith.constant 0 : i32
    %dma_wait3A_321 = tpu.memref_slice %arg4[%dma_wait3A_316, %mul3A_143, %dma_wait3A_320] : memref<16x592x640xf32, #tpu.memory_space<hbm>> -> memref<1x16x640xf32, #tpu.memory_space<hbm>>
    %dma_wait3A_322 = tpu.memref_squeeze %dma_wait3A_321 : memref<1x16x640xf32, #tpu.memory_space<hbm>> -> memref<16x640xf32, #tpu.memory_space<hbm>>
    %dma_wait3A_323 = arith.constant 0 : i32
    %dma_wait3A_324 = tpu.memref_slice %arg4[%dma_wait3A_316, %mul3A_143, %dma_wait3A_323] : memref<16x592x640xf32, #tpu.memory_space<hbm>> -> memref<1x16x640xf32, #tpu.memory_space<hbm>>
    %dma_wait3A_325 = tpu.memref_squeeze %dma_wait3A_324 : memref<1x16x640xf32, #tpu.memory_space<hbm>> -> memref<16x640xf32, #tpu.memory_space<hbm>>
    %dma_wait3A_326 = arith.constant 0 : i32
    %dma_wait3A_327 = arith.constant 0 : i32
    %dma_wait3A_328 = tpu.memref_slice %arg10[%dma_wait3A_326, %dma_wait3A_327] : memref<24x640xf32, #tpu.memory_space<vmem>> -> memref<16x640xf32, #tpu.memory_space<vmem>>
    tpu.wait_dma2 semaphore(%arg13 : memref<!tpu.dma_semaphore, #tpu.memory_space<semaphore_mem>>) src(%dma_wait3A_328 : memref<16x640xf32, #tpu.memory_space<vmem>>) dst(%dma_wait3A_325 : memref<16x640xf32, #tpu.memory_space<hbm>>)
    %dma_wait3A_329 = arith.constant 3 : i32
    %dma_wait3A_330 = arith.constant 16 : i32
    %dma_wait3A_331 = arith.constant 0 : i32
    %dma_wait3A_332 = tpu.memref_slice %arg10[%dma_wait3A_330, %dma_wait3A_331] : memref<24x640xf32, #tpu.memory_space<vmem>> -> memref<8x640xf32, #tpu.memory_space<vmem>>
    %dma_wait3A_333 = arith.constant 0 : i32
    %dma_wait3A_334 = tpu.memref_slice %arg4[%dma_wait3A_329, %mul3A_158, %dma_wait3A_333] : memref<16x592x640xf32, #tpu.memory_space<hbm>> -> memref<1x8x640xf32, #tpu.memory_space<hbm>>
    %dma_wait3A_335 = tpu.memref_squeeze %dma_wait3A_334 : memref<1x8x640xf32, #tpu.memory_space<hbm>> -> memref<8x640xf32, #tpu.memory_space<hbm>>
    %dma_wait3A_336 = arith.constant 0 : i32
    %dma_wait3A_337 = tpu.memref_slice %arg4[%dma_wait3A_329, %mul3A_158, %dma_wait3A_336] : memref<16x592x640xf32, #tpu.memory_space<hbm>> -> memref<1x8x640xf32, #tpu.memory_space<hbm>>
    %dma_wait3A_338 = tpu.memref_squeeze %dma_wait3A_337 : memref<1x8x640xf32, #tpu.memory_space<hbm>> -> memref<8x640xf32, #tpu.memory_space<hbm>>
    %dma_wait3A_339 = arith.constant 16 : i32
    %dma_wait3A_340 = arith.constant 0 : i32
    %dma_wait3A_341 = tpu.memref_slice %arg10[%dma_wait3A_339, %dma_wait3A_340] : memref<24x640xf32, #tpu.memory_space<vmem>> -> memref<8x640xf32, #tpu.memory_space<vmem>>
    tpu.wait_dma2 semaphore(%arg13 : memref<!tpu.dma_semaphore, #tpu.memory_space<semaphore_mem>>) src(%dma_wait3A_341 : memref<8x640xf32, #tpu.memory_space<vmem>>) dst(%dma_wait3A_338 : memref<8x640xf32, #tpu.memory_space<hbm>>)
    %scan3A_342 = arith.constant 0 : i32
    %scan3A_343 = arith.constant 0 : i32
    %scan3A_344 = arith.constant 24 : i32
    %scan3A_345 = arith.addi %scan3A_343, %scan3A_344 : i32
    %scan3A_346 = arith.constant 1 : i32
    scf.for %scan3A_984 = %scan3A_343 to %scan3A_345 step %scan3A_346  : i32 {
      %mul3A_985 = arith.constant 640 : i32
      %mul3A_986 = arith.muli %scan3A_984, %mul3A_985 : i32
      %parallel_loop3A = arith.constant 0 : i32
      %parallel_loop3A_987 = arith.constant 40 : i32
      %parallel_loop3A_988 = arith.constant 1 : i32
      scf.for %parallel_loop3A_989 = %parallel_loop3A to %parallel_loop3A_987 step %parallel_loop3A_988  : i32 {
        %parallel_loop3A_990 = arith.constant 16 : i32
        %parallel_loop3A_991 = arith.muli %parallel_loop3A_989, %parallel_loop3A_990 : i32
        %parallel_loop3A_992 = arith.addi %mul3A_986, %parallel_loop3A_991 : i32
        %parallel_loop3A_993 = arith.index_cast %parallel_loop3A_992 : i32 to index
        %parallel_loop3A_994 = tpu.vector_load %arg6[%parallel_loop3A_993] {strides = array<i32>} : memref<15360xi32, #tpu.memory_space<vmem>>, vector<16xi32>,
        %parallel_loop3A_995 = arith.constant 13272 : i32
        %parallel_loop3A_996 = vector.broadcast %parallel_loop3A_995 : i32 to vector<16xi32>
        %parallel_loop3A_997 = arith.addi %parallel_loop3A_994, %parallel_loop3A_996 : vector<16xi32>
        %parallel_loop3A_998 = tpu.vector_load_idx %arg5[%parallel_loop3A_997] : memref<35392xf32, #tpu.memory_space<vmem>>[vector<16xi32>], vector<16xf32>,
        %parallel_loop3A_999 = arith.constant 16 : i32
        %parallel_loop3A_1000 = arith.muli %parallel_loop3A_989, %parallel_loop3A_999 : i32
        %parallel_loop3A_1001 = arith.index_cast %scan3A_984 : i32 to index
        %parallel_loop3A_1002 = arith.index_cast %parallel_loop3A_1000 : i32 to index
        %parallel_loop3A_1003 = tpu.vector_load %arg9[%parallel_loop3A_1001, %parallel_loop3A_1002] {strides = array<i32>} : memref<24x640xf32, #tpu.memory_space<vmem>>, vector<16xf32>,
        tpu.vector_store %arg9[%parallel_loop3A_1001, %parallel_loop3A_1002], %parallel_loop3A_998 {strides = array<i32>} : memref<24x640xf32, #tpu.memory_space<vmem>>, vector<16xf32>,
        %parallel_loop3A_1004 = arith.constant 15484 : i32
        %parallel_loop3A_1005 = vector.broadcast %parallel_loop3A_1004 : i32 to vector<16xi32>
        %parallel_loop3A_1006 = arith.addi %parallel_loop3A_994, %parallel_loop3A_1005 : vector<16xi32>
        %parallel_loop3A_1007 = tpu.vector_load_idx %arg5[%parallel_loop3A_1006] : memref<35392xf32, #tpu.memory_space<vmem>>[vector<16xi32>], vector<16xf32>,
        %parallel_loop3A_1008 = arith.constant 16 : i32
        %parallel_loop3A_1009 = arith.muli %parallel_loop3A_989, %parallel_loop3A_1008 : i32
        %parallel_loop3A_1010 = arith.index_cast %scan3A_984 : i32 to index
        %parallel_loop3A_1011 = arith.index_cast %parallel_loop3A_1009 : i32 to index
        %parallel_loop3A_1012 = tpu.vector_load %arg10[%parallel_loop3A_1010, %parallel_loop3A_1011] {strides = array<i32>} : memref<24x640xf32, #tpu.memory_space<vmem>>, vector<16xf32>,
        tpu.vector_store %arg10[%parallel_loop3A_1010, %parallel_loop3A_1011], %parallel_loop3A_1007 {strides = array<i32>} : memref<24x640xf32, #tpu.memory_space<vmem>>, vector<16xf32>,
      } {sc.loop_unroll_factor = 4 : i64, sc.parallel_access}
    }
    %scan3A_347 = arith.constant 24 : i32
    %mul3A_348 = arith.constant 8 : i32
    %mul3A_349 = arith.muli %select_n3A, %mul3A_348 : i32
    %dma_start3A_350 = arith.constant 6 : i32
    %dma_start3A_351 = arith.constant 0 : i32
    %dma_start3A_352 = arith.constant 0 : i32
    %dma_start3A_353 = tpu.memref_slice %arg9[%dma_start3A_351, %dma_start3A_352] : memref<24x640xf32, #tpu.memory_space<vmem>> -> memref<16x640xf32, #tpu.memory_space<vmem>>
    %dma_start3A_354 = arith.constant 0 : i32
    %dma_start3A_355 = tpu.memref_slice %arg4[%dma_start3A_350, %mul3A_349, %dma_start3A_354] : memref<16x592x640xf32, #tpu.memory_space<hbm>> -> memref<1x16x640xf32, #tpu.memory_space<hbm>>
    %dma_start3A_356 = tpu.memref_squeeze %dma_start3A_355 : memref<1x16x640xf32, #tpu.memory_space<hbm>> -> memref<16x640xf32, #tpu.memory_space<hbm>>
    %dma_start3A_357 = arith.constant 0 : i32
    %dma_start3A_358 = tpu.memref_slice %arg4[%dma_start3A_350, %mul3A_349, %dma_start3A_357] : memref<16x592x640xf32, #tpu.memory_space<hbm>> -> memref<1x16x640xf32, #tpu.memory_space<hbm>>
    %dma_start3A_359 = tpu.memref_squeeze %dma_start3A_358 : memref<1x16x640xf32, #tpu.memory_space<hbm>> -> memref<16x640xf32, #tpu.memory_space<hbm>>
    %dma_start3A_360 = arith.constant 0 : i32
    %dma_start3A_361 = arith.constant 0 : i32
    %dma_start3A_362 = tpu.memref_slice %arg9[%dma_start3A_360, %dma_start3A_361] : memref<24x640xf32, #tpu.memory_space<vmem>> -> memref<16x640xf32, #tpu.memory_space<vmem>>
    tpu.enqueue_dma source(%dma_start3A_362 : memref<16x640xf32, #tpu.memory_space<vmem>>) target(%dma_start3A_359 : memref<16x640xf32, #tpu.memory_space<hbm>>) target_semaphore(%arg13 : memref<!tpu.dma_semaphore, #tpu.memory_space<semaphore_mem>>)
    %mul3A_363 = arith.constant 8 : i32
    %mul3A_364 = arith.muli %select_n3A_14, %mul3A_363 : i32
    %dma_start3A_365 = arith.constant 6 : i32
    %dma_start3A_366 = arith.constant 16 : i32
    %dma_start3A_367 = arith.constant 0 : i32
    %dma_start3A_368 = tpu.memref_slice %arg9[%dma_start3A_366, %dma_start3A_367] : memref<24x640xf32, #tpu.memory_space<vmem>> -> memref<8x640xf32, #tpu.memory_space<vmem>>
    %dma_start3A_369 = arith.constant 0 : i32
    %dma_start3A_370 = tpu.memref_slice %arg4[%dma_start3A_365, %mul3A_364, %dma_start3A_369] : memref<16x592x640xf32, #tpu.memory_space<hbm>> -> memref<1x8x640xf32, #tpu.memory_space<hbm>>
    %dma_start3A_371 = tpu.memref_squeeze %dma_start3A_370 : memref<1x8x640xf32, #tpu.memory_space<hbm>> -> memref<8x640xf32, #tpu.memory_space<hbm>>
    %dma_start3A_372 = arith.constant 0 : i32
    %dma_start3A_373 = tpu.memref_slice %arg4[%dma_start3A_365, %mul3A_364, %dma_start3A_372] : memref<16x592x640xf32, #tpu.memory_space<hbm>> -> memref<1x8x640xf32, #tpu.memory_space<hbm>>
    %dma_start3A_374 = tpu.memref_squeeze %dma_start3A_373 : memref<1x8x640xf32, #tpu.memory_space<hbm>> -> memref<8x640xf32, #tpu.memory_space<hbm>>
    %dma_start3A_375 = arith.constant 16 : i32
    %dma_start3A_376 = arith.constant 0 : i32
    %dma_start3A_377 = tpu.memref_slice %arg9[%dma_start3A_375, %dma_start3A_376] : memref<24x640xf32, #tpu.memory_space<vmem>> -> memref<8x640xf32, #tpu.memory_space<vmem>>
    tpu.enqueue_dma source(%dma_start3A_377 : memref<8x640xf32, #tpu.memory_space<vmem>>) target(%dma_start3A_374 : memref<8x640xf32, #tpu.memory_space<hbm>>) target_semaphore(%arg13 : memref<!tpu.dma_semaphore, #tpu.memory_space<semaphore_mem>>)
    %mul3A_378 = arith.constant 8 : i32
    %mul3A_379 = arith.muli %select_n3A, %mul3A_378 : i32
    %dma_start3A_380 = arith.constant 7 : i32
    %dma_start3A_381 = arith.constant 0 : i32
    %dma_start3A_382 = arith.constant 0 : i32
    %dma_start3A_383 = tpu.memref_slice %arg10[%dma_start3A_381, %dma_start3A_382] : memref<24x640xf32, #tpu.memory_space<vmem>> -> memref<16x640xf32, #tpu.memory_space<vmem>>
    %dma_start3A_384 = arith.constant 0 : i32
    %dma_start3A_385 = tpu.memref_slice %arg4[%dma_start3A_380, %mul3A_379, %dma_start3A_384] : memref<16x592x640xf32, #tpu.memory_space<hbm>> -> memref<1x16x640xf32, #tpu.memory_space<hbm>>
    %dma_start3A_386 = tpu.memref_squeeze %dma_start3A_385 : memref<1x16x640xf32, #tpu.memory_space<hbm>> -> memref<16x640xf32, #tpu.memory_space<hbm>>
    %dma_start3A_387 = arith.constant 0 : i32
    %dma_start3A_388 = tpu.memref_slice %arg4[%dma_start3A_380, %mul3A_379, %dma_start3A_387] : memref<16x592x640xf32, #tpu.memory_space<hbm>> -> memref<1x16x640xf32, #tpu.memory_space<hbm>>
    %dma_start3A_389 = tpu.memref_squeeze %dma_start3A_388 : memref<1x16x640xf32, #tpu.memory_space<hbm>> -> memref<16x640xf32, #tpu.memory_space<hbm>>
    %dma_start3A_390 = arith.constant 0 : i32
    %dma_start3A_391 = arith.constant 0 : i32
    %dma_start3A_392 = tpu.memref_slice %arg10[%dma_start3A_390, %dma_start3A_391] : memref<24x640xf32, #tpu.memory_space<vmem>> -> memref<16x640xf32, #tpu.memory_space<vmem>>
    tpu.enqueue_dma source(%dma_start3A_392 : memref<16x640xf32, #tpu.memory_space<vmem>>) target(%dma_start3A_389 : memref<16x640xf32, #tpu.memory_space<hbm>>) target_semaphore(%arg13 : memref<!tpu.dma_semaphore, #tpu.memory_space<semaphore_mem>>)
    %mul3A_393 = arith.constant 8 : i32
    %mul3A_394 = arith.muli %select_n3A_14, %mul3A_393 : i32
    %dma_start3A_395 = arith.constant 7 : i32
    %dma_start3A_396 = arith.constant 16 : i32
    %dma_start3A_397 = arith.constant 0 : i32
    %dma_start3A_398 = tpu.memref_slice %arg10[%dma_start3A_396, %dma_start3A_397] : memref<24x640xf32, #tpu.memory_space<vmem>> -> memref<8x640xf32, #tpu.memory_space<vmem>>
    %dma_start3A_399 = arith.constant 0 : i32
    %dma_start3A_400 = tpu.memref_slice %arg4[%dma_start3A_395, %mul3A_394, %dma_start3A_399] : memref<16x592x640xf32, #tpu.memory_space<hbm>> -> memref<1x8x640xf32, #tpu.memory_space<hbm>>
    %dma_start3A_401 = tpu.memref_squeeze %dma_start3A_400 : memref<1x8x640xf32, #tpu.memory_space<hbm>> -> memref<8x640xf32, #tpu.memory_space<hbm>>
    %dma_start3A_402 = arith.constant 0 : i32
    %dma_start3A_403 = tpu.memref_slice %arg4[%dma_start3A_395, %mul3A_394, %dma_start3A_402] : memref<16x592x640xf32, #tpu.memory_space<hbm>> -> memref<1x8x640xf32, #tpu.memory_space<hbm>>
    %dma_start3A_404 = tpu.memref_squeeze %dma_start3A_403 : memref<1x8x640xf32, #tpu.memory_space<hbm>> -> memref<8x640xf32, #tpu.memory_space<hbm>>
    %dma_start3A_405 = arith.constant 16 : i32
    %dma_start3A_406 = arith.constant 0 : i32
    %dma_start3A_407 = tpu.memref_slice %arg10[%dma_start3A_405, %dma_start3A_406] : memref<24x640xf32, #tpu.memory_space<vmem>> -> memref<8x640xf32, #tpu.memory_space<vmem>>
    tpu.enqueue_dma source(%dma_start3A_407 : memref<8x640xf32, #tpu.memory_space<vmem>>) target(%dma_start3A_404 : memref<8x640xf32, #tpu.memory_space<hbm>>) target_semaphore(%arg13 : memref<!tpu.dma_semaphore, #tpu.memory_space<semaphore_mem>>)
    %dma_wait3A_408 = arith.constant 4 : i32
    %dma_wait3A_409 = arith.constant 0 : i32
    %dma_wait3A_410 = arith.constant 0 : i32
    %dma_wait3A_411 = tpu.memref_slice %arg7[%dma_wait3A_409, %dma_wait3A_410] : memref<24x640xf32, #tpu.memory_space<vmem>> -> memref<16x640xf32, #tpu.memory_space<vmem>>
    %dma_wait3A_412 = arith.constant 0 : i32
    %dma_wait3A_413 = tpu.memref_slice %arg4[%dma_wait3A_408, %mul3A_231, %dma_wait3A_412] : memref<16x592x640xf32, #tpu.memory_space<hbm>> -> memref<1x16x640xf32, #tpu.memory_space<hbm>>
    %dma_wait3A_414 = tpu.memref_squeeze %dma_wait3A_413 : memref<1x16x640xf32, #tpu.memory_space<hbm>> -> memref<16x640xf32, #tpu.memory_space<hbm>>
    %dma_wait3A_415 = arith.constant 0 : i32
    %dma_wait3A_416 = tpu.memref_slice %arg4[%dma_wait3A_408, %mul3A_231, %dma_wait3A_415] : memref<16x592x640xf32, #tpu.memory_space<hbm>> -> memref<1x16x640xf32, #tpu.memory_space<hbm>>
    %dma_wait3A_417 = tpu.memref_squeeze %dma_wait3A_416 : memref<1x16x640xf32, #tpu.memory_space<hbm>> -> memref<16x640xf32, #tpu.memory_space<hbm>>
    %dma_wait3A_418 = arith.constant 0 : i32
    %dma_wait3A_419 = arith.constant 0 : i32
    %dma_wait3A_420 = tpu.memref_slice %arg7[%dma_wait3A_418, %dma_wait3A_419] : memref<24x640xf32, #tpu.memory_space<vmem>> -> memref<16x640xf32, #tpu.memory_space<vmem>>
    tpu.wait_dma2 semaphore(%arg12 : memref<!tpu.dma_semaphore, #tpu.memory_space<semaphore_mem>>) src(%dma_wait3A_420 : memref<16x640xf32, #tpu.memory_space<vmem>>) dst(%dma_wait3A_417 : memref<16x640xf32, #tpu.memory_space<hbm>>)
    %dma_wait3A_421 = arith.constant 4 : i32
    %dma_wait3A_422 = arith.constant 16 : i32
    %dma_wait3A_423 = arith.constant 0 : i32
    %dma_wait3A_424 = tpu.memref_slice %arg7[%dma_wait3A_422, %dma_wait3A_423] : memref<24x640xf32, #tpu.memory_space<vmem>> -> memref<8x640xf32, #tpu.memory_space<vmem>>
    %dma_wait3A_425 = arith.constant 0 : i32
    %dma_wait3A_426 = tpu.memref_slice %arg4[%dma_wait3A_421, %mul3A_246, %dma_wait3A_425] : memref<16x592x640xf32, #tpu.memory_space<hbm>> -> memref<1x8x640xf32, #tpu.memory_space<hbm>>
    %dma_wait3A_427 = tpu.memref_squeeze %dma_wait3A_426 : memref<1x8x640xf32, #tpu.memory_space<hbm>> -> memref<8x640xf32, #tpu.memory_space<hbm>>
    %dma_wait3A_428 = arith.constant 0 : i32
    %dma_wait3A_429 = tpu.memref_slice %arg4[%dma_wait3A_421, %mul3A_246, %dma_wait3A_428] : memref<16x592x640xf32, #tpu.memory_space<hbm>> -> memref<1x8x640xf32, #tpu.memory_space<hbm>>
    %dma_wait3A_430 = tpu.memref_squeeze %dma_wait3A_429 : memref<1x8x640xf32, #tpu.memory_space<hbm>> -> memref<8x640xf32, #tpu.memory_space<hbm>>
    %dma_wait3A_431 = arith.constant 16 : i32
    %dma_wait3A_432 = arith.constant 0 : i32
    %dma_wait3A_433 = tpu.memref_slice %arg7[%dma_wait3A_431, %dma_wait3A_432] : memref<24x640xf32, #tpu.memory_space<vmem>> -> memref<8x640xf32, #tpu.memory_space<vmem>>
    tpu.wait_dma2 semaphore(%arg12 : memref<!tpu.dma_semaphore, #tpu.memory_space<semaphore_mem>>) src(%dma_wait3A_433 : memref<8x640xf32, #tpu.memory_space<vmem>>) dst(%dma_wait3A_430 : memref<8x640xf32, #tpu.memory_space<hbm>>)
    %dma_wait3A_434 = arith.constant 5 : i32
    %dma_wait3A_435 = arith.constant 0 : i32
    %dma_wait3A_436 = arith.constant 0 : i32
    %dma_wait3A_437 = tpu.memref_slice %arg8[%dma_wait3A_435, %dma_wait3A_436] : memref<24x640xf32, #tpu.memory_space<vmem>> -> memref<16x640xf32, #tpu.memory_space<vmem>>
    %dma_wait3A_438 = arith.constant 0 : i32
    %dma_wait3A_439 = tpu.memref_slice %arg4[%dma_wait3A_434, %mul3A_261, %dma_wait3A_438] : memref<16x592x640xf32, #tpu.memory_space<hbm>> -> memref<1x16x640xf32, #tpu.memory_space<hbm>>
    %dma_wait3A_440 = tpu.memref_squeeze %dma_wait3A_439 : memref<1x16x640xf32, #tpu.memory_space<hbm>> -> memref<16x640xf32, #tpu.memory_space<hbm>>
    %dma_wait3A_441 = arith.constant 0 : i32
    %dma_wait3A_442 = tpu.memref_slice %arg4[%dma_wait3A_434, %mul3A_261, %dma_wait3A_441] : memref<16x592x640xf32, #tpu.memory_space<hbm>> -> memref<1x16x640xf32, #tpu.memory_space<hbm>>
    %dma_wait3A_443 = tpu.memref_squeeze %dma_wait3A_442 : memref<1x16x640xf32, #tpu.memory_space<hbm>> -> memref<16x640xf32, #tpu.memory_space<hbm>>
    %dma_wait3A_444 = arith.constant 0 : i32
    %dma_wait3A_445 = arith.constant 0 : i32
    %dma_wait3A_446 = tpu.memref_slice %arg8[%dma_wait3A_444, %dma_wait3A_445] : memref<24x640xf32, #tpu.memory_space<vmem>> -> memref<16x640xf32, #tpu.memory_space<vmem>>
    tpu.wait_dma2 semaphore(%arg12 : memref<!tpu.dma_semaphore, #tpu.memory_space<semaphore_mem>>) src(%dma_wait3A_446 : memref<16x640xf32, #tpu.memory_space<vmem>>) dst(%dma_wait3A_443 : memref<16x640xf32, #tpu.memory_space<hbm>>)
    %dma_wait3A_447 = arith.constant 5 : i32
    %dma_wait3A_448 = arith.constant 16 : i32
    %dma_wait3A_449 = arith.constant 0 : i32
    %dma_wait3A_450 = tpu.memref_slice %arg8[%dma_wait3A_448, %dma_wait3A_449] : memref<24x640xf32, #tpu.memory_space<vmem>> -> memref<8x640xf32, #tpu.memory_space<vmem>>
    %dma_wait3A_451 = arith.constant 0 : i32
    %dma_wait3A_452 = tpu.memref_slice %arg4[%dma_wait3A_447, %mul3A_276, %dma_wait3A_451] : memref<16x592x640xf32, #tpu.memory_space<hbm>> -> memref<1x8x640xf32, #tpu.memory_space<hbm>>
    %dma_wait3A_453 = tpu.memref_squeeze %dma_wait3A_452 : memref<1x8x640xf32, #tpu.memory_space<hbm>> -> memref<8x640xf32, #tpu.memory_space<hbm>>
    %dma_wait3A_454 = arith.constant 0 : i32
    %dma_wait3A_455 = tpu.memref_slice %arg4[%dma_wait3A_447, %mul3A_276, %dma_wait3A_454] : memref<16x592x640xf32, #tpu.memory_space<hbm>> -> memref<1x8x640xf32, #tpu.memory_space<hbm>>
    %dma_wait3A_456 = tpu.memref_squeeze %dma_wait3A_455 : memref<1x8x640xf32, #tpu.memory_space<hbm>> -> memref<8x640xf32, #tpu.memory_space<hbm>>
    %dma_wait3A_457 = arith.constant 16 : i32
    %dma_wait3A_458 = arith.constant 0 : i32
    %dma_wait3A_459 = tpu.memref_slice %arg8[%dma_wait3A_457, %dma_wait3A_458] : memref<24x640xf32, #tpu.memory_space<vmem>> -> memref<8x640xf32, #tpu.memory_space<vmem>>
    tpu.wait_dma2 semaphore(%arg12 : memref<!tpu.dma_semaphore, #tpu.memory_space<semaphore_mem>>) src(%dma_wait3A_459 : memref<8x640xf32, #tpu.memory_space<vmem>>) dst(%dma_wait3A_456 : memref<8x640xf32, #tpu.memory_space<hbm>>)
    %scan3A_460 = arith.constant 0 : i32
    %scan3A_461 = arith.constant 0 : i32
    %scan3A_462 = arith.constant 24 : i32
    %scan3A_463 = arith.addi %scan3A_461, %scan3A_462 : i32
    %scan3A_464 = arith.constant 1 : i32
    scf.for %scan3A_984 = %scan3A_461 to %scan3A_463 step %scan3A_464  : i32 {
      %mul3A_985 = arith.constant 640 : i32
      %mul3A_986 = arith.muli %scan3A_984, %mul3A_985 : i32
      %parallel_loop3A = arith.constant 0 : i32
      %parallel_loop3A_987 = arith.constant 40 : i32
      %parallel_loop3A_988 = arith.constant 1 : i32
      scf.for %parallel_loop3A_989 = %parallel_loop3A to %parallel_loop3A_987 step %parallel_loop3A_988  : i32 {
        %parallel_loop3A_990 = arith.constant 16 : i32
        %parallel_loop3A_991 = arith.muli %parallel_loop3A_989, %parallel_loop3A_990 : i32
        %parallel_loop3A_992 = arith.addi %mul3A_986, %parallel_loop3A_991 : i32
        %parallel_loop3A_993 = arith.index_cast %parallel_loop3A_992 : i32 to index
        %parallel_loop3A_994 = tpu.vector_load %arg6[%parallel_loop3A_993] {strides = array<i32>} : memref<15360xi32, #tpu.memory_space<vmem>>, vector<16xi32>,
        %parallel_loop3A_995 = arith.constant 17696 : i32
        %parallel_loop3A_996 = vector.broadcast %parallel_loop3A_995 : i32 to vector<16xi32>
        %parallel_loop3A_997 = arith.addi %parallel_loop3A_994, %parallel_loop3A_996 : vector<16xi32>
        %parallel_loop3A_998 = tpu.vector_load_idx %arg5[%parallel_loop3A_997] : memref<35392xf32, #tpu.memory_space<vmem>>[vector<16xi32>], vector<16xf32>,
        %parallel_loop3A_999 = arith.constant 16 : i32
        %parallel_loop3A_1000 = arith.muli %parallel_loop3A_989, %parallel_loop3A_999 : i32
        %parallel_loop3A_1001 = arith.index_cast %scan3A_984 : i32 to index
        %parallel_loop3A_1002 = arith.index_cast %parallel_loop3A_1000 : i32 to index
        %parallel_loop3A_1003 = tpu.vector_load %arg7[%parallel_loop3A_1001, %parallel_loop3A_1002] {strides = array<i32>} : memref<24x640xf32, #tpu.memory_space<vmem>>, vector<16xf32>,
        tpu.vector_store %arg7[%parallel_loop3A_1001, %parallel_loop3A_1002], %parallel_loop3A_998 {strides = array<i32>} : memref<24x640xf32, #tpu.memory_space<vmem>>, vector<16xf32>,
        %parallel_loop3A_1004 = arith.constant 19908 : i32
        %parallel_loop3A_1005 = vector.broadcast %parallel_loop3A_1004 : i32 to vector<16xi32>
        %parallel_loop3A_1006 = arith.addi %parallel_loop3A_994, %parallel_loop3A_1005 : vector<16xi32>
        %parallel_loop3A_1007 = tpu.vector_load_idx %arg5[%parallel_loop3A_1006] : memref<35392xf32, #tpu.memory_space<vmem>>[vector<16xi32>], vector<16xf32>,
        %parallel_loop3A_1008 = arith.constant 16 : i32
        %parallel_loop3A_1009 = arith.muli %parallel_loop3A_989, %parallel_loop3A_1008 : i32
        %parallel_loop3A_1010 = arith.index_cast %scan3A_984 : i32 to index
        %parallel_loop3A_1011 = arith.index_cast %parallel_loop3A_1009 : i32 to index
        %parallel_loop3A_1012 = tpu.vector_load %arg8[%parallel_loop3A_1010, %parallel_loop3A_1011] {strides = array<i32>} : memref<24x640xf32, #tpu.memory_space<vmem>>, vector<16xf32>,
        tpu.vector_store %arg8[%parallel_loop3A_1010, %parallel_loop3A_1011], %parallel_loop3A_1007 {strides = array<i32>} : memref<24x640xf32, #tpu.memory_space<vmem>>, vector<16xf32>,
      } {sc.loop_unroll_factor = 4 : i64, sc.parallel_access}
    }
    %scan3A_465 = arith.constant 24 : i32
    %mul3A_466 = arith.constant 8 : i32
    %mul3A_467 = arith.muli %select_n3A, %mul3A_466 : i32
    %dma_start3A_468 = arith.constant 8 : i32
    %dma_start3A_469 = arith.constant 0 : i32
    %dma_start3A_470 = arith.constant 0 : i32
    %dma_start3A_471 = tpu.memref_slice %arg7[%dma_start3A_469, %dma_start3A_470] : memref<24x640xf32, #tpu.memory_space<vmem>> -> memref<16x640xf32, #tpu.memory_space<vmem>>
    %dma_start3A_472 = arith.constant 0 : i32
    %dma_start3A_473 = tpu.memref_slice %arg4[%dma_start3A_468, %mul3A_467, %dma_start3A_472] : memref<16x592x640xf32, #tpu.memory_space<hbm>> -> memref<1x16x640xf32, #tpu.memory_space<hbm>>
    %dma_start3A_474 = tpu.memref_squeeze %dma_start3A_473 : memref<1x16x640xf32, #tpu.memory_space<hbm>> -> memref<16x640xf32, #tpu.memory_space<hbm>>
    %dma_start3A_475 = arith.constant 0 : i32
    %dma_start3A_476 = tpu.memref_slice %arg4[%dma_start3A_468, %mul3A_467, %dma_start3A_475] : memref<16x592x640xf32, #tpu.memory_space<hbm>> -> memref<1x16x640xf32, #tpu.memory_space<hbm>>
    %dma_start3A_477 = tpu.memref_squeeze %dma_start3A_476 : memref<1x16x640xf32, #tpu.memory_space<hbm>> -> memref<16x640xf32, #tpu.memory_space<hbm>>
    %dma_start3A_478 = arith.constant 0 : i32
    %dma_start3A_479 = arith.constant 0 : i32
    %dma_start3A_480 = tpu.memref_slice %arg7[%dma_start3A_478, %dma_start3A_479] : memref<24x640xf32, #tpu.memory_space<vmem>> -> memref<16x640xf32, #tpu.memory_space<vmem>>
    tpu.enqueue_dma source(%dma_start3A_480 : memref<16x640xf32, #tpu.memory_space<vmem>>) target(%dma_start3A_477 : memref<16x640xf32, #tpu.memory_space<hbm>>) target_semaphore(%arg12 : memref<!tpu.dma_semaphore, #tpu.memory_space<semaphore_mem>>)
    %mul3A_481 = arith.constant 8 : i32
    %mul3A_482 = arith.muli %select_n3A_14, %mul3A_481 : i32
    %dma_start3A_483 = arith.constant 8 : i32
    %dma_start3A_484 = arith.constant 16 : i32
    %dma_start3A_485 = arith.constant 0 : i32
    %dma_start3A_486 = tpu.memref_slice %arg7[%dma_start3A_484, %dma_start3A_485] : memref<24x640xf32, #tpu.memory_space<vmem>> -> memref<8x640xf32, #tpu.memory_space<vmem>>
    %dma_start3A_487 = arith.constant 0 : i32
    %dma_start3A_488 = tpu.memref_slice %arg4[%dma_start3A_483, %mul3A_482, %dma_start3A_487] : memref<16x592x640xf32, #tpu.memory_space<hbm>> -> memref<1x8x640xf32, #tpu.memory_space<hbm>>
    %dma_start3A_489 = tpu.memref_squeeze %dma_start3A_488 : memref<1x8x640xf32, #tpu.memory_space<hbm>> -> memref<8x640xf32, #tpu.memory_space<hbm>>
    %dma_start3A_490 = arith.constant 0 : i32
    %dma_start3A_491 = tpu.memref_slice %arg4[%dma_start3A_483, %mul3A_482, %dma_start3A_490] : memref<16x592x640xf32, #tpu.memory_space<hbm>> -> memref<1x8x640xf32, #tpu.memory_space<hbm>>
    %dma_start3A_492 = tpu.memref_squeeze %dma_start3A_491 : memref<1x8x640xf32, #tpu.memory_space<hbm>> -> memref<8x640xf32, #tpu.memory_space<hbm>>
    %dma_start3A_493 = arith.constant 16 : i32
    %dma_start3A_494 = arith.constant 0 : i32
    %dma_start3A_495 = tpu.memref_slice %arg7[%dma_start3A_493, %dma_start3A_494] : memref<24x640xf32, #tpu.memory_space<vmem>> -> memref<8x640xf32, #tpu.memory_space<vmem>>
    tpu.enqueue_dma source(%dma_start3A_495 : memref<8x640xf32, #tpu.memory_space<vmem>>) target(%dma_start3A_492 : memref<8x640xf32, #tpu.memory_space<hbm>>) target_semaphore(%arg12 : memref<!tpu.dma_semaphore, #tpu.memory_space<semaphore_mem>>)
    %mul3A_496 = arith.constant 8 : i32
    %mul3A_497 = arith.muli %select_n3A, %mul3A_496 : i32
    %dma_start3A_498 = arith.constant 9 : i32
    %dma_start3A_499 = arith.constant 0 : i32
    %dma_start3A_500 = arith.constant 0 : i32
    %dma_start3A_501 = tpu.memref_slice %arg8[%dma_start3A_499, %dma_start3A_500] : memref<24x640xf32, #tpu.memory_space<vmem>> -> memref<16x640xf32, #tpu.memory_space<vmem>>
    %dma_start3A_502 = arith.constant 0 : i32
    %dma_start3A_503 = tpu.memref_slice %arg4[%dma_start3A_498, %mul3A_497, %dma_start3A_502] : memref<16x592x640xf32, #tpu.memory_space<hbm>> -> memref<1x16x640xf32, #tpu.memory_space<hbm>>
    %dma_start3A_504 = tpu.memref_squeeze %dma_start3A_503 : memref<1x16x640xf32, #tpu.memory_space<hbm>> -> memref<16x640xf32, #tpu.memory_space<hbm>>
    %dma_start3A_505 = arith.constant 0 : i32
    %dma_start3A_506 = tpu.memref_slice %arg4[%dma_start3A_498, %mul3A_497, %dma_start3A_505] : memref<16x592x640xf32, #tpu.memory_space<hbm>> -> memref<1x16x640xf32, #tpu.memory_space<hbm>>
    %dma_start3A_507 = tpu.memref_squeeze %dma_start3A_506 : memref<1x16x640xf32, #tpu.memory_space<hbm>> -> memref<16x640xf32, #tpu.memory_space<hbm>>
    %dma_start3A_508 = arith.constant 0 : i32
    %dma_start3A_509 = arith.constant 0 : i32
    %dma_start3A_510 = tpu.memref_slice %arg8[%dma_start3A_508, %dma_start3A_509] : memref<24x640xf32, #tpu.memory_space<vmem>> -> memref<16x640xf32, #tpu.memory_space<vmem>>
    tpu.enqueue_dma source(%dma_start3A_510 : memref<16x640xf32, #tpu.memory_space<vmem>>) target(%dma_start3A_507 : memref<16x640xf32, #tpu.memory_space<hbm>>) target_semaphore(%arg12 : memref<!tpu.dma_semaphore, #tpu.memory_space<semaphore_mem>>)
    %mul3A_511 = arith.constant 8 : i32
    %mul3A_512 = arith.muli %select_n3A_14, %mul3A_511 : i32
    %dma_start3A_513 = arith.constant 9 : i32
    %dma_start3A_514 = arith.constant 16 : i32
    %dma_start3A_515 = arith.constant 0 : i32
    %dma_start3A_516 = tpu.memref_slice %arg8[%dma_start3A_514, %dma_start3A_515] : memref<24x640xf32, #tpu.memory_space<vmem>> -> memref<8x640xf32, #tpu.memory_space<vmem>>
    %dma_start3A_517 = arith.constant 0 : i32
    %dma_start3A_518 = tpu.memref_slice %arg4[%dma_start3A_513, %mul3A_512, %dma_start3A_517] : memref<16x592x640xf32, #tpu.memory_space<hbm>> -> memref<1x8x640xf32, #tpu.memory_space<hbm>>
    %dma_start3A_519 = tpu.memref_squeeze %dma_start3A_518 : memref<1x8x640xf32, #tpu.memory_space<hbm>> -> memref<8x640xf32, #tpu.memory_space<hbm>>
    %dma_start3A_520 = arith.constant 0 : i32
    %dma_start3A_521 = tpu.memref_slice %arg4[%dma_start3A_513, %mul3A_512, %dma_start3A_520] : memref<16x592x640xf32, #tpu.memory_space<hbm>> -> memref<1x8x640xf32, #tpu.memory_space<hbm>>
    %dma_start3A_522 = tpu.memref_squeeze %dma_start3A_521 : memref<1x8x640xf32, #tpu.memory_space<hbm>> -> memref<8x640xf32, #tpu.memory_space<hbm>>
    %dma_start3A_523 = arith.constant 16 : i32
    %dma_start3A_524 = arith.constant 0 : i32
    %dma_start3A_525 = tpu.memref_slice %arg8[%dma_start3A_523, %dma_start3A_524] : memref<24x640xf32, #tpu.memory_space<vmem>> -> memref<8x640xf32, #tpu.memory_space<vmem>>
    tpu.enqueue_dma source(%dma_start3A_525 : memref<8x640xf32, #tpu.memory_space<vmem>>) target(%dma_start3A_522 : memref<8x640xf32, #tpu.memory_space<hbm>>) target_semaphore(%arg12 : memref<!tpu.dma_semaphore, #tpu.memory_space<semaphore_mem>>)
    %dma_wait3A_526 = arith.constant 6 : i32
    %dma_wait3A_527 = arith.constant 0 : i32
    %dma_wait3A_528 = arith.constant 0 : i32
    %dma_wait3A_529 = tpu.memref_slice %arg9[%dma_wait3A_527, %dma_wait3A_528] : memref<24x640xf32, #tpu.memory_space<vmem>> -> memref<16x640xf32, #tpu.memory_space<vmem>>
    %dma_wait3A_530 = arith.constant 0 : i32
    %dma_wait3A_531 = tpu.memref_slice %arg4[%dma_wait3A_526, %mul3A_349, %dma_wait3A_530] : memref<16x592x640xf32, #tpu.memory_space<hbm>> -> memref<1x16x640xf32, #tpu.memory_space<hbm>>
    %dma_wait3A_532 = tpu.memref_squeeze %dma_wait3A_531 : memref<1x16x640xf32, #tpu.memory_space<hbm>> -> memref<16x640xf32, #tpu.memory_space<hbm>>
    %dma_wait3A_533 = arith.constant 0 : i32
    %dma_wait3A_534 = tpu.memref_slice %arg4[%dma_wait3A_526, %mul3A_349, %dma_wait3A_533] : memref<16x592x640xf32, #tpu.memory_space<hbm>> -> memref<1x16x640xf32, #tpu.memory_space<hbm>>
    %dma_wait3A_535 = tpu.memref_squeeze %dma_wait3A_534 : memref<1x16x640xf32, #tpu.memory_space<hbm>> -> memref<16x640xf32, #tpu.memory_space<hbm>>
    %dma_wait3A_536 = arith.constant 0 : i32
    %dma_wait3A_537 = arith.constant 0 : i32
    %dma_wait3A_538 = tpu.memref_slice %arg9[%dma_wait3A_536, %dma_wait3A_537] : memref<24x640xf32, #tpu.memory_space<vmem>> -> memref<16x640xf32, #tpu.memory_space<vmem>>
    tpu.wait_dma2 semaphore(%arg13 : memref<!tpu.dma_semaphore, #tpu.memory_space<semaphore_mem>>) src(%dma_wait3A_538 : memref<16x640xf32, #tpu.memory_space<vmem>>) dst(%dma_wait3A_535 : memref<16x640xf32, #tpu.memory_space<hbm>>)
    %dma_wait3A_539 = arith.constant 6 : i32
    %dma_wait3A_540 = arith.constant 16 : i32
    %dma_wait3A_541 = arith.constant 0 : i32
    %dma_wait3A_542 = tpu.memref_slice %arg9[%dma_wait3A_540, %dma_wait3A_541] : memref<24x640xf32, #tpu.memory_space<vmem>> -> memref<8x640xf32, #tpu.memory_space<vmem>>
    %dma_wait3A_543 = arith.constant 0 : i32
    %dma_wait3A_544 = tpu.memref_slice %arg4[%dma_wait3A_539, %mul3A_364, %dma_wait3A_543] : memref<16x592x640xf32, #tpu.memory_space<hbm>> -> memref<1x8x640xf32, #tpu.memory_space<hbm>>
    %dma_wait3A_545 = tpu.memref_squeeze %dma_wait3A_544 : memref<1x8x640xf32, #tpu.memory_space<hbm>> -> memref<8x640xf32, #tpu.memory_space<hbm>>
    %dma_wait3A_546 = arith.constant 0 : i32
    %dma_wait3A_547 = tpu.memref_slice %arg4[%dma_wait3A_539, %mul3A_364, %dma_wait3A_546] : memref<16x592x640xf32, #tpu.memory_space<hbm>> -> memref<1x8x640xf32, #tpu.memory_space<hbm>>
    %dma_wait3A_548 = tpu.memref_squeeze %dma_wait3A_547 : memref<1x8x640xf32, #tpu.memory_space<hbm>> -> memref<8x640xf32, #tpu.memory_space<hbm>>
    %dma_wait3A_549 = arith.constant 16 : i32
    %dma_wait3A_550 = arith.constant 0 : i32
    %dma_wait3A_551 = tpu.memref_slice %arg9[%dma_wait3A_549, %dma_wait3A_550] : memref<24x640xf32, #tpu.memory_space<vmem>> -> memref<8x640xf32, #tpu.memory_space<vmem>>
    tpu.wait_dma2 semaphore(%arg13 : memref<!tpu.dma_semaphore, #tpu.memory_space<semaphore_mem>>) src(%dma_wait3A_551 : memref<8x640xf32, #tpu.memory_space<vmem>>) dst(%dma_wait3A_548 : memref<8x640xf32, #tpu.memory_space<hbm>>)
    %dma_wait3A_552 = arith.constant 7 : i32
    %dma_wait3A_553 = arith.constant 0 : i32
    %dma_wait3A_554 = arith.constant 0 : i32
    %dma_wait3A_555 = tpu.memref_slice %arg10[%dma_wait3A_553, %dma_wait3A_554] : memref<24x640xf32, #tpu.memory_space<vmem>> -> memref<16x640xf32, #tpu.memory_space<vmem>>
    %dma_wait3A_556 = arith.constant 0 : i32
    %dma_wait3A_557 = tpu.memref_slice %arg4[%dma_wait3A_552, %mul3A_379, %dma_wait3A_556] : memref<16x592x640xf32, #tpu.memory_space<hbm>> -> memref<1x16x640xf32, #tpu.memory_space<hbm>>
    %dma_wait3A_558 = tpu.memref_squeeze %dma_wait3A_557 : memref<1x16x640xf32, #tpu.memory_space<hbm>> -> memref<16x640xf32, #tpu.memory_space<hbm>>
    %dma_wait3A_559 = arith.constant 0 : i32
    %dma_wait3A_560 = tpu.memref_slice %arg4[%dma_wait3A_552, %mul3A_379, %dma_wait3A_559] : memref<16x592x640xf32, #tpu.memory_space<hbm>> -> memref<1x16x640xf32, #tpu.memory_space<hbm>>
    %dma_wait3A_561 = tpu.memref_squeeze %dma_wait3A_560 : memref<1x16x640xf32, #tpu.memory_space<hbm>> -> memref<16x640xf32, #tpu.memory_space<hbm>>
    %dma_wait3A_562 = arith.constant 0 : i32
    %dma_wait3A_563 = arith.constant 0 : i32
    %dma_wait3A_564 = tpu.memref_slice %arg10[%dma_wait3A_562, %dma_wait3A_563] : memref<24x640xf32, #tpu.memory_space<vmem>> -> memref<16x640xf32, #tpu.memory_space<vmem>>
    tpu.wait_dma2 semaphore(%arg13 : memref<!tpu.dma_semaphore, #tpu.memory_space<semaphore_mem>>) src(%dma_wait3A_564 : memref<16x640xf32, #tpu.memory_space<vmem>>) dst(%dma_wait3A_561 : memref<16x640xf32, #tpu.memory_space<hbm>>)
    %dma_wait3A_565 = arith.constant 7 : i32
    %dma_wait3A_566 = arith.constant 16 : i32
    %dma_wait3A_567 = arith.constant 0 : i32
    %dma_wait3A_568 = tpu.memref_slice %arg10[%dma_wait3A_566, %dma_wait3A_567] : memref<24x640xf32, #tpu.memory_space<vmem>> -> memref<8x640xf32, #tpu.memory_space<vmem>>
    %dma_wait3A_569 = arith.constant 0 : i32
    %dma_wait3A_570 = tpu.memref_slice %arg4[%dma_wait3A_565, %mul3A_394, %dma_wait3A_569] : memref<16x592x640xf32, #tpu.memory_space<hbm>> -> memref<1x8x640xf32, #tpu.memory_space<hbm>>
    %dma_wait3A_571 = tpu.memref_squeeze %dma_wait3A_570 : memref<1x8x640xf32, #tpu.memory_space<hbm>> -> memref<8x640xf32, #tpu.memory_space<hbm>>
    %dma_wait3A_572 = arith.constant 0 : i32
    %dma_wait3A_573 = tpu.memref_slice %arg4[%dma_wait3A_565, %mul3A_394, %dma_wait3A_572] : memref<16x592x640xf32, #tpu.memory_space<hbm>> -> memref<1x8x640xf32, #tpu.memory_space<hbm>>
    %dma_wait3A_574 = tpu.memref_squeeze %dma_wait3A_573 : memref<1x8x640xf32, #tpu.memory_space<hbm>> -> memref<8x640xf32, #tpu.memory_space<hbm>>
    %dma_wait3A_575 = arith.constant 16 : i32
    %dma_wait3A_576 = arith.constant 0 : i32
    %dma_wait3A_577 = tpu.memref_slice %arg10[%dma_wait3A_575, %dma_wait3A_576] : memref<24x640xf32, #tpu.memory_space<vmem>> -> memref<8x640xf32, #tpu.memory_space<vmem>>
    tpu.wait_dma2 semaphore(%arg13 : memref<!tpu.dma_semaphore, #tpu.memory_space<semaphore_mem>>) src(%dma_wait3A_577 : memref<8x640xf32, #tpu.memory_space<vmem>>) dst(%dma_wait3A_574 : memref<8x640xf32, #tpu.memory_space<hbm>>)
    %scan3A_578 = arith.constant 0 : i32
    %scan3A_579 = arith.constant 0 : i32
    %scan3A_580 = arith.constant 24 : i32
    %scan3A_581 = arith.addi %scan3A_579, %scan3A_580 : i32
    %scan3A_582 = arith.constant 1 : i32
    scf.for %scan3A_984 = %scan3A_579 to %scan3A_581 step %scan3A_582  : i32 {
      %mul3A_985 = arith.constant 640 : i32
      %mul3A_986 = arith.muli %scan3A_984, %mul3A_985 : i32
      %parallel_loop3A = arith.constant 0 : i32
      %parallel_loop3A_987 = arith.constant 40 : i32
      %parallel_loop3A_988 = arith.constant 1 : i32
      scf.for %parallel_loop3A_989 = %parallel_loop3A to %parallel_loop3A_987 step %parallel_loop3A_988  : i32 {
        %parallel_loop3A_990 = arith.constant 16 : i32
        %parallel_loop3A_991 = arith.muli %parallel_loop3A_989, %parallel_loop3A_990 : i32
        %parallel_loop3A_992 = arith.addi %mul3A_986, %parallel_loop3A_991 : i32
        %parallel_loop3A_993 = arith.index_cast %parallel_loop3A_992 : i32 to index
        %parallel_loop3A_994 = tpu.vector_load %arg6[%parallel_loop3A_993] {strides = array<i32>} : memref<15360xi32, #tpu.memory_space<vmem>>, vector<16xi32>,
        %parallel_loop3A_995 = arith.constant 22120 : i32
        %parallel_loop3A_996 = vector.broadcast %parallel_loop3A_995 : i32 to vector<16xi32>
        %parallel_loop3A_997 = arith.addi %parallel_loop3A_994, %parallel_loop3A_996 : vector<16xi32>
        %parallel_loop3A_998 = tpu.vector_load_idx %arg5[%parallel_loop3A_997] : memref<35392xf32, #tpu.memory_space<vmem>>[vector<16xi32>], vector<16xf32>,
        %parallel_loop3A_999 = arith.constant 16 : i32
        %parallel_loop3A_1000 = arith.muli %parallel_loop3A_989, %parallel_loop3A_999 : i32
        %parallel_loop3A_1001 = arith.index_cast %scan3A_984 : i32 to index
        %parallel_loop3A_1002 = arith.index_cast %parallel_loop3A_1000 : i32 to index
        %parallel_loop3A_1003 = tpu.vector_load %arg9[%parallel_loop3A_1001, %parallel_loop3A_1002] {strides = array<i32>} : memref<24x640xf32, #tpu.memory_space<vmem>>, vector<16xf32>,
        tpu.vector_store %arg9[%parallel_loop3A_1001, %parallel_loop3A_1002], %parallel_loop3A_998 {strides = array<i32>} : memref<24x640xf32, #tpu.memory_space<vmem>>, vector<16xf32>,
        %parallel_loop3A_1004 = arith.constant 24332 : i32
        %parallel_loop3A_1005 = vector.broadcast %parallel_loop3A_1004 : i32 to vector<16xi32>
        %parallel_loop3A_1006 = arith.addi %parallel_loop3A_994, %parallel_loop3A_1005 : vector<16xi32>
        %parallel_loop3A_1007 = tpu.vector_load_idx %arg5[%parallel_loop3A_1006] : memref<35392xf32, #tpu.memory_space<vmem>>[vector<16xi32>], vector<16xf32>,
        %parallel_loop3A_1008 = arith.constant 16 : i32
        %parallel_loop3A_1009 = arith.muli %parallel_loop3A_989, %parallel_loop3A_1008 : i32
        %parallel_loop3A_1010 = arith.index_cast %scan3A_984 : i32 to index
        %parallel_loop3A_1011 = arith.index_cast %parallel_loop3A_1009 : i32 to index
        %parallel_loop3A_1012 = tpu.vector_load %arg10[%parallel_loop3A_1010, %parallel_loop3A_1011] {strides = array<i32>} : memref<24x640xf32, #tpu.memory_space<vmem>>, vector<16xf32>,
        tpu.vector_store %arg10[%parallel_loop3A_1010, %parallel_loop3A_1011], %parallel_loop3A_1007 {strides = array<i32>} : memref<24x640xf32, #tpu.memory_space<vmem>>, vector<16xf32>,
      } {sc.loop_unroll_factor = 4 : i64, sc.parallel_access}
    }
    %scan3A_583 = arith.constant 24 : i32
    %mul3A_584 = arith.constant 8 : i32
    %mul3A_585 = arith.muli %select_n3A, %mul3A_584 : i32
    %dma_start3A_586 = arith.constant 10 : i32
    %dma_start3A_587 = arith.constant 0 : i32
    %dma_start3A_588 = arith.constant 0 : i32
    %dma_start3A_589 = tpu.memref_slice %arg9[%dma_start3A_587, %dma_start3A_588] : memref<24x640xf32, #tpu.memory_space<vmem>> -> memref<16x640xf32, #tpu.memory_space<vmem>>
    %dma_start3A_590 = arith.constant 0 : i32
    %dma_start3A_591 = tpu.memref_slice %arg4[%dma_start3A_586, %mul3A_585, %dma_start3A_590] : memref<16x592x640xf32, #tpu.memory_space<hbm>> -> memref<1x16x640xf32, #tpu.memory_space<hbm>>
    %dma_start3A_592 = tpu.memref_squeeze %dma_start3A_591 : memref<1x16x640xf32, #tpu.memory_space<hbm>> -> memref<16x640xf32, #tpu.memory_space<hbm>>
    %dma_start3A_593 = arith.constant 0 : i32
    %dma_start3A_594 = tpu.memref_slice %arg4[%dma_start3A_586, %mul3A_585, %dma_start3A_593] : memref<16x592x640xf32, #tpu.memory_space<hbm>> -> memref<1x16x640xf32, #tpu.memory_space<hbm>>
    %dma_start3A_595 = tpu.memref_squeeze %dma_start3A_594 : memref<1x16x640xf32, #tpu.memory_space<hbm>> -> memref<16x640xf32, #tpu.memory_space<hbm>>
    %dma_start3A_596 = arith.constant 0 : i32
    %dma_start3A_597 = arith.constant 0 : i32
    %dma_start3A_598 = tpu.memref_slice %arg9[%dma_start3A_596, %dma_start3A_597] : memref<24x640xf32, #tpu.memory_space<vmem>> -> memref<16x640xf32, #tpu.memory_space<vmem>>
    tpu.enqueue_dma source(%dma_start3A_598 : memref<16x640xf32, #tpu.memory_space<vmem>>) target(%dma_start3A_595 : memref<16x640xf32, #tpu.memory_space<hbm>>) target_semaphore(%arg13 : memref<!tpu.dma_semaphore, #tpu.memory_space<semaphore_mem>>)
    %mul3A_599 = arith.constant 8 : i32
    %mul3A_600 = arith.muli %select_n3A_14, %mul3A_599 : i32
    %dma_start3A_601 = arith.constant 10 : i32
    %dma_start3A_602 = arith.constant 16 : i32
    %dma_start3A_603 = arith.constant 0 : i32
    %dma_start3A_604 = tpu.memref_slice %arg9[%dma_start3A_602, %dma_start3A_603] : memref<24x640xf32, #tpu.memory_space<vmem>> -> memref<8x640xf32, #tpu.memory_space<vmem>>
    %dma_start3A_605 = arith.constant 0 : i32
    %dma_start3A_606 = tpu.memref_slice %arg4[%dma_start3A_601, %mul3A_600, %dma_start3A_605] : memref<16x592x640xf32, #tpu.memory_space<hbm>> -> memref<1x8x640xf32, #tpu.memory_space<hbm>>
    %dma_start3A_607 = tpu.memref_squeeze %dma_start3A_606 : memref<1x8x640xf32, #tpu.memory_space<hbm>> -> memref<8x640xf32, #tpu.memory_space<hbm>>
    %dma_start3A_608 = arith.constant 0 : i32
    %dma_start3A_609 = tpu.memref_slice %arg4[%dma_start3A_601, %mul3A_600, %dma_start3A_608] : memref<16x592x640xf32, #tpu.memory_space<hbm>> -> memref<1x8x640xf32, #tpu.memory_space<hbm>>
    %dma_start3A_610 = tpu.memref_squeeze %dma_start3A_609 : memref<1x8x640xf32, #tpu.memory_space<hbm>> -> memref<8x640xf32, #tpu.memory_space<hbm>>
    %dma_start3A_611 = arith.constant 16 : i32
    %dma_start3A_612 = arith.constant 0 : i32
    %dma_start3A_613 = tpu.memref_slice %arg9[%dma_start3A_611, %dma_start3A_612] : memref<24x640xf32, #tpu.memory_space<vmem>> -> memref<8x640xf32, #tpu.memory_space<vmem>>
    tpu.enqueue_dma source(%dma_start3A_613 : memref<8x640xf32, #tpu.memory_space<vmem>>) target(%dma_start3A_610 : memref<8x640xf32, #tpu.memory_space<hbm>>) target_semaphore(%arg13 : memref<!tpu.dma_semaphore, #tpu.memory_space<semaphore_mem>>)
    %mul3A_614 = arith.constant 8 : i32
    %mul3A_615 = arith.muli %select_n3A, %mul3A_614 : i32
    %dma_start3A_616 = arith.constant 11 : i32
    %dma_start3A_617 = arith.constant 0 : i32
    %dma_start3A_618 = arith.constant 0 : i32
    %dma_start3A_619 = tpu.memref_slice %arg10[%dma_start3A_617, %dma_start3A_618] : memref<24x640xf32, #tpu.memory_space<vmem>> -> memref<16x640xf32, #tpu.memory_space<vmem>>
    %dma_start3A_620 = arith.constant 0 : i32
    %dma_start3A_621 = tpu.memref_slice %arg4[%dma_start3A_616, %mul3A_615, %dma_start3A_620] : memref<16x592x640xf32, #tpu.memory_space<hbm>> -> memref<1x16x640xf32, #tpu.memory_space<hbm>>
    %dma_start3A_622 = tpu.memref_squeeze %dma_start3A_621 : memref<1x16x640xf32, #tpu.memory_space<hbm>> -> memref<16x640xf32, #tpu.memory_space<hbm>>
    %dma_start3A_623 = arith.constant 0 : i32
    %dma_start3A_624 = tpu.memref_slice %arg4[%dma_start3A_616, %mul3A_615, %dma_start3A_623] : memref<16x592x640xf32, #tpu.memory_space<hbm>> -> memref<1x16x640xf32, #tpu.memory_space<hbm>>
    %dma_start3A_625 = tpu.memref_squeeze %dma_start3A_624 : memref<1x16x640xf32, #tpu.memory_space<hbm>> -> memref<16x640xf32, #tpu.memory_space<hbm>>
    %dma_start3A_626 = arith.constant 0 : i32
    %dma_start3A_627 = arith.constant 0 : i32
    %dma_start3A_628 = tpu.memref_slice %arg10[%dma_start3A_626, %dma_start3A_627] : memref<24x640xf32, #tpu.memory_space<vmem>> -> memref<16x640xf32, #tpu.memory_space<vmem>>
    tpu.enqueue_dma source(%dma_start3A_628 : memref<16x640xf32, #tpu.memory_space<vmem>>) target(%dma_start3A_625 : memref<16x640xf32, #tpu.memory_space<hbm>>) target_semaphore(%arg13 : memref<!tpu.dma_semaphore, #tpu.memory_space<semaphore_mem>>)
    %mul3A_629 = arith.constant 8 : i32
    %mul3A_630 = arith.muli %select_n3A_14, %mul3A_629 : i32
    %dma_start3A_631 = arith.constant 11 : i32
    %dma_start3A_632 = arith.constant 16 : i32
    %dma_start3A_633 = arith.constant 0 : i32
    %dma_start3A_634 = tpu.memref_slice %arg10[%dma_start3A_632, %dma_start3A_633] : memref<24x640xf32, #tpu.memory_space<vmem>> -> memref<8x640xf32, #tpu.memory_space<vmem>>
    %dma_start3A_635 = arith.constant 0 : i32
    %dma_start3A_636 = tpu.memref_slice %arg4[%dma_start3A_631, %mul3A_630, %dma_start3A_635] : memref<16x592x640xf32, #tpu.memory_space<hbm>> -> memref<1x8x640xf32, #tpu.memory_space<hbm>>
    %dma_start3A_637 = tpu.memref_squeeze %dma_start3A_636 : memref<1x8x640xf32, #tpu.memory_space<hbm>> -> memref<8x640xf32, #tpu.memory_space<hbm>>
    %dma_start3A_638 = arith.constant 0 : i32
    %dma_start3A_639 = tpu.memref_slice %arg4[%dma_start3A_631, %mul3A_630, %dma_start3A_638] : memref<16x592x640xf32, #tpu.memory_space<hbm>> -> memref<1x8x640xf32, #tpu.memory_space<hbm>>
    %dma_start3A_640 = tpu.memref_squeeze %dma_start3A_639 : memref<1x8x640xf32, #tpu.memory_space<hbm>> -> memref<8x640xf32, #tpu.memory_space<hbm>>
    %dma_start3A_641 = arith.constant 16 : i32
    %dma_start3A_642 = arith.constant 0 : i32
    %dma_start3A_643 = tpu.memref_slice %arg10[%dma_start3A_641, %dma_start3A_642] : memref<24x640xf32, #tpu.memory_space<vmem>> -> memref<8x640xf32, #tpu.memory_space<vmem>>
    tpu.enqueue_dma source(%dma_start3A_643 : memref<8x640xf32, #tpu.memory_space<vmem>>) target(%dma_start3A_640 : memref<8x640xf32, #tpu.memory_space<hbm>>) target_semaphore(%arg13 : memref<!tpu.dma_semaphore, #tpu.memory_space<semaphore_mem>>)
    %dma_wait3A_644 = arith.constant 8 : i32
    %dma_wait3A_645 = arith.constant 0 : i32
    %dma_wait3A_646 = arith.constant 0 : i32
    %dma_wait3A_647 = tpu.memref_slice %arg7[%dma_wait3A_645, %dma_wait3A_646] : memref<24x640xf32, #tpu.memory_space<vmem>> -> memref<16x640xf32, #tpu.memory_space<vmem>>
    %dma_wait3A_648 = arith.constant 0 : i32
    %dma_wait3A_649 = tpu.memref_slice %arg4[%dma_wait3A_644, %mul3A_467, %dma_wait3A_648] : memref<16x592x640xf32, #tpu.memory_space<hbm>> -> memref<1x16x640xf32, #tpu.memory_space<hbm>>
    %dma_wait3A_650 = tpu.memref_squeeze %dma_wait3A_649 : memref<1x16x640xf32, #tpu.memory_space<hbm>> -> memref<16x640xf32, #tpu.memory_space<hbm>>
    %dma_wait3A_651 = arith.constant 0 : i32
    %dma_wait3A_652 = tpu.memref_slice %arg4[%dma_wait3A_644, %mul3A_467, %dma_wait3A_651] : memref<16x592x640xf32, #tpu.memory_space<hbm>> -> memref<1x16x640xf32, #tpu.memory_space<hbm>>
    %dma_wait3A_653 = tpu.memref_squeeze %dma_wait3A_652 : memref<1x16x640xf32, #tpu.memory_space<hbm>> -> memref<16x640xf32, #tpu.memory_space<hbm>>
    %dma_wait3A_654 = arith.constant 0 : i32
    %dma_wait3A_655 = arith.constant 0 : i32
    %dma_wait3A_656 = tpu.memref_slice %arg7[%dma_wait3A_654, %dma_wait3A_655] : memref<24x640xf32, #tpu.memory_space<vmem>> -> memref<16x640xf32, #tpu.memory_space<vmem>>
    tpu.wait_dma2 semaphore(%arg12 : memref<!tpu.dma_semaphore, #tpu.memory_space<semaphore_mem>>) src(%dma_wait3A_656 : memref<16x640xf32, #tpu.memory_space<vmem>>) dst(%dma_wait3A_653 : memref<16x640xf32, #tpu.memory_space<hbm>>)
    %dma_wait3A_657 = arith.constant 8 : i32
    %dma_wait3A_658 = arith.constant 16 : i32
    %dma_wait3A_659 = arith.constant 0 : i32
    %dma_wait3A_660 = tpu.memref_slice %arg7[%dma_wait3A_658, %dma_wait3A_659] : memref<24x640xf32, #tpu.memory_space<vmem>> -> memref<8x640xf32, #tpu.memory_space<vmem>>
    %dma_wait3A_661 = arith.constant 0 : i32
    %dma_wait3A_662 = tpu.memref_slice %arg4[%dma_wait3A_657, %mul3A_482, %dma_wait3A_661] : memref<16x592x640xf32, #tpu.memory_space<hbm>> -> memref<1x8x640xf32, #tpu.memory_space<hbm>>
    %dma_wait3A_663 = tpu.memref_squeeze %dma_wait3A_662 : memref<1x8x640xf32, #tpu.memory_space<hbm>> -> memref<8x640xf32, #tpu.memory_space<hbm>>
    %dma_wait3A_664 = arith.constant 0 : i32
    %dma_wait3A_665 = tpu.memref_slice %arg4[%dma_wait3A_657, %mul3A_482, %dma_wait3A_664] : memref<16x592x640xf32, #tpu.memory_space<hbm>> -> memref<1x8x640xf32, #tpu.memory_space<hbm>>
    %dma_wait3A_666 = tpu.memref_squeeze %dma_wait3A_665 : memref<1x8x640xf32, #tpu.memory_space<hbm>> -> memref<8x640xf32, #tpu.memory_space<hbm>>
    %dma_wait3A_667 = arith.constant 16 : i32
    %dma_wait3A_668 = arith.constant 0 : i32
    %dma_wait3A_669 = tpu.memref_slice %arg7[%dma_wait3A_667, %dma_wait3A_668] : memref<24x640xf32, #tpu.memory_space<vmem>> -> memref<8x640xf32, #tpu.memory_space<vmem>>
    tpu.wait_dma2 semaphore(%arg12 : memref<!tpu.dma_semaphore, #tpu.memory_space<semaphore_mem>>) src(%dma_wait3A_669 : memref<8x640xf32, #tpu.memory_space<vmem>>) dst(%dma_wait3A_666 : memref<8x640xf32, #tpu.memory_space<hbm>>)
    %dma_wait3A_670 = arith.constant 9 : i32
    %dma_wait3A_671 = arith.constant 0 : i32
    %dma_wait3A_672 = arith.constant 0 : i32
    %dma_wait3A_673 = tpu.memref_slice %arg8[%dma_wait3A_671, %dma_wait3A_672] : memref<24x640xf32, #tpu.memory_space<vmem>> -> memref<16x640xf32, #tpu.memory_space<vmem>>
    %dma_wait3A_674 = arith.constant 0 : i32
    %dma_wait3A_675 = tpu.memref_slice %arg4[%dma_wait3A_670, %mul3A_497, %dma_wait3A_674] : memref<16x592x640xf32, #tpu.memory_space<hbm>> -> memref<1x16x640xf32, #tpu.memory_space<hbm>>
    %dma_wait3A_676 = tpu.memref_squeeze %dma_wait3A_675 : memref<1x16x640xf32, #tpu.memory_space<hbm>> -> memref<16x640xf32, #tpu.memory_space<hbm>>
    %dma_wait3A_677 = arith.constant 0 : i32
    %dma_wait3A_678 = tpu.memref_slice %arg4[%dma_wait3A_670, %mul3A_497, %dma_wait3A_677] : memref<16x592x640xf32, #tpu.memory_space<hbm>> -> memref<1x16x640xf32, #tpu.memory_space<hbm>>
    %dma_wait3A_679 = tpu.memref_squeeze %dma_wait3A_678 : memref<1x16x640xf32, #tpu.memory_space<hbm>> -> memref<16x640xf32, #tpu.memory_space<hbm>>
    %dma_wait3A_680 = arith.constant 0 : i32
    %dma_wait3A_681 = arith.constant 0 : i32
    %dma_wait3A_682 = tpu.memref_slice %arg8[%dma_wait3A_680, %dma_wait3A_681] : memref<24x640xf32, #tpu.memory_space<vmem>> -> memref<16x640xf32, #tpu.memory_space<vmem>>
    tpu.wait_dma2 semaphore(%arg12 : memref<!tpu.dma_semaphore, #tpu.memory_space<semaphore_mem>>) src(%dma_wait3A_682 : memref<16x640xf32, #tpu.memory_space<vmem>>) dst(%dma_wait3A_679 : memref<16x640xf32, #tpu.memory_space<hbm>>)
    %dma_wait3A_683 = arith.constant 9 : i32
    %dma_wait3A_684 = arith.constant 16 : i32
    %dma_wait3A_685 = arith.constant 0 : i32
    %dma_wait3A_686 = tpu.memref_slice %arg8[%dma_wait3A_684, %dma_wait3A_685] : memref<24x640xf32, #tpu.memory_space<vmem>> -> memref<8x640xf32, #tpu.memory_space<vmem>>
    %dma_wait3A_687 = arith.constant 0 : i32
    %dma_wait3A_688 = tpu.memref_slice %arg4[%dma_wait3A_683, %mul3A_512, %dma_wait3A_687] : memref<16x592x640xf32, #tpu.memory_space<hbm>> -> memref<1x8x640xf32, #tpu.memory_space<hbm>>
    %dma_wait3A_689 = tpu.memref_squeeze %dma_wait3A_688 : memref<1x8x640xf32, #tpu.memory_space<hbm>> -> memref<8x640xf32, #tpu.memory_space<hbm>>
    %dma_wait3A_690 = arith.constant 0 : i32
    %dma_wait3A_691 = tpu.memref_slice %arg4[%dma_wait3A_683, %mul3A_512, %dma_wait3A_690] : memref<16x592x640xf32, #tpu.memory_space<hbm>> -> memref<1x8x640xf32, #tpu.memory_space<hbm>>
    %dma_wait3A_692 = tpu.memref_squeeze %dma_wait3A_691 : memref<1x8x640xf32, #tpu.memory_space<hbm>> -> memref<8x640xf32, #tpu.memory_space<hbm>>
    %dma_wait3A_693 = arith.constant 16 : i32
    %dma_wait3A_694 = arith.constant 0 : i32
    %dma_wait3A_695 = tpu.memref_slice %arg8[%dma_wait3A_693, %dma_wait3A_694] : memref<24x640xf32, #tpu.memory_space<vmem>> -> memref<8x640xf32, #tpu.memory_space<vmem>>
    tpu.wait_dma2 semaphore(%arg12 : memref<!tpu.dma_semaphore, #tpu.memory_space<semaphore_mem>>) src(%dma_wait3A_695 : memref<8x640xf32, #tpu.memory_space<vmem>>) dst(%dma_wait3A_692 : memref<8x640xf32, #tpu.memory_space<hbm>>)
    %scan3A_696 = arith.constant 0 : i32
    %scan3A_697 = arith.constant 0 : i32
    %scan3A_698 = arith.constant 24 : i32
    %scan3A_699 = arith.addi %scan3A_697, %scan3A_698 : i32
    %scan3A_700 = arith.constant 1 : i32
    scf.for %scan3A_984 = %scan3A_697 to %scan3A_699 step %scan3A_700  : i32 {
      %mul3A_985 = arith.constant 640 : i32
      %mul3A_986 = arith.muli %scan3A_984, %mul3A_985 : i32
      %parallel_loop3A = arith.constant 0 : i32
      %parallel_loop3A_987 = arith.constant 40 : i32
      %parallel_loop3A_988 = arith.constant 1 : i32
      scf.for %parallel_loop3A_989 = %parallel_loop3A to %parallel_loop3A_987 step %parallel_loop3A_988  : i32 {
        %parallel_loop3A_990 = arith.constant 16 : i32
        %parallel_loop3A_991 = arith.muli %parallel_loop3A_989, %parallel_loop3A_990 : i32
        %parallel_loop3A_992 = arith.addi %mul3A_986, %parallel_loop3A_991 : i32
        %parallel_loop3A_993 = arith.index_cast %parallel_loop3A_992 : i32 to index
        %parallel_loop3A_994 = tpu.vector_load %arg6[%parallel_loop3A_993] {strides = array<i32>} : memref<15360xi32, #tpu.memory_space<vmem>>, vector<16xi32>,
        %parallel_loop3A_995 = arith.constant 26544 : i32
        %parallel_loop3A_996 = vector.broadcast %parallel_loop3A_995 : i32 to vector<16xi32>
        %parallel_loop3A_997 = arith.addi %parallel_loop3A_994, %parallel_loop3A_996 : vector<16xi32>
        %parallel_loop3A_998 = tpu.vector_load_idx %arg5[%parallel_loop3A_997] : memref<35392xf32, #tpu.memory_space<vmem>>[vector<16xi32>], vector<16xf32>,
        %parallel_loop3A_999 = arith.constant 16 : i32
        %parallel_loop3A_1000 = arith.muli %parallel_loop3A_989, %parallel_loop3A_999 : i32
        %parallel_loop3A_1001 = arith.index_cast %scan3A_984 : i32 to index
        %parallel_loop3A_1002 = arith.index_cast %parallel_loop3A_1000 : i32 to index
        %parallel_loop3A_1003 = tpu.vector_load %arg7[%parallel_loop3A_1001, %parallel_loop3A_1002] {strides = array<i32>} : memref<24x640xf32, #tpu.memory_space<vmem>>, vector<16xf32>,
        tpu.vector_store %arg7[%parallel_loop3A_1001, %parallel_loop3A_1002], %parallel_loop3A_998 {strides = array<i32>} : memref<24x640xf32, #tpu.memory_space<vmem>>, vector<16xf32>,
        %parallel_loop3A_1004 = arith.constant 28756 : i32
        %parallel_loop3A_1005 = vector.broadcast %parallel_loop3A_1004 : i32 to vector<16xi32>
        %parallel_loop3A_1006 = arith.addi %parallel_loop3A_994, %parallel_loop3A_1005 : vector<16xi32>
        %parallel_loop3A_1007 = tpu.vector_load_idx %arg5[%parallel_loop3A_1006] : memref<35392xf32, #tpu.memory_space<vmem>>[vector<16xi32>], vector<16xf32>,
        %parallel_loop3A_1008 = arith.constant 16 : i32
        %parallel_loop3A_1009 = arith.muli %parallel_loop3A_989, %parallel_loop3A_1008 : i32
        %parallel_loop3A_1010 = arith.index_cast %scan3A_984 : i32 to index
        %parallel_loop3A_1011 = arith.index_cast %parallel_loop3A_1009 : i32 to index
        %parallel_loop3A_1012 = tpu.vector_load %arg8[%parallel_loop3A_1010, %parallel_loop3A_1011] {strides = array<i32>} : memref<24x640xf32, #tpu.memory_space<vmem>>, vector<16xf32>,
        tpu.vector_store %arg8[%parallel_loop3A_1010, %parallel_loop3A_1011], %parallel_loop3A_1007 {strides = array<i32>} : memref<24x640xf32, #tpu.memory_space<vmem>>, vector<16xf32>,
      } {sc.loop_unroll_factor = 4 : i64, sc.parallel_access}
    }
    %scan3A_701 = arith.constant 24 : i32
    %mul3A_702 = arith.constant 8 : i32
    %mul3A_703 = arith.muli %select_n3A, %mul3A_702 : i32
    %dma_start3A_704 = arith.constant 12 : i32
    %dma_start3A_705 = arith.constant 0 : i32
    %dma_start3A_706 = arith.constant 0 : i32
    %dma_start3A_707 = tpu.memref_slice %arg7[%dma_start3A_705, %dma_start3A_706] : memref<24x640xf32, #tpu.memory_space<vmem>> -> memref<16x640xf32, #tpu.memory_space<vmem>>
    %dma_start3A_708 = arith.constant 0 : i32
    %dma_start3A_709 = tpu.memref_slice %arg4[%dma_start3A_704, %mul3A_703, %dma_start3A_708] : memref<16x592x640xf32, #tpu.memory_space<hbm>> -> memref<1x16x640xf32, #tpu.memory_space<hbm>>
    %dma_start3A_710 = tpu.memref_squeeze %dma_start3A_709 : memref<1x16x640xf32, #tpu.memory_space<hbm>> -> memref<16x640xf32, #tpu.memory_space<hbm>>
    %dma_start3A_711 = arith.constant 0 : i32
    %dma_start3A_712 = tpu.memref_slice %arg4[%dma_start3A_704, %mul3A_703, %dma_start3A_711] : memref<16x592x640xf32, #tpu.memory_space<hbm>> -> memref<1x16x640xf32, #tpu.memory_space<hbm>>
    %dma_start3A_713 = tpu.memref_squeeze %dma_start3A_712 : memref<1x16x640xf32, #tpu.memory_space<hbm>> -> memref<16x640xf32, #tpu.memory_space<hbm>>
    %dma_start3A_714 = arith.constant 0 : i32
    %dma_start3A_715 = arith.constant 0 : i32
    %dma_start3A_716 = tpu.memref_slice %arg7[%dma_start3A_714, %dma_start3A_715] : memref<24x640xf32, #tpu.memory_space<vmem>> -> memref<16x640xf32, #tpu.memory_space<vmem>>
    tpu.enqueue_dma source(%dma_start3A_716 : memref<16x640xf32, #tpu.memory_space<vmem>>) target(%dma_start3A_713 : memref<16x640xf32, #tpu.memory_space<hbm>>) target_semaphore(%arg12 : memref<!tpu.dma_semaphore, #tpu.memory_space<semaphore_mem>>)
    %mul3A_717 = arith.constant 8 : i32
    %mul3A_718 = arith.muli %select_n3A_14, %mul3A_717 : i32
    %dma_start3A_719 = arith.constant 12 : i32
    %dma_start3A_720 = arith.constant 16 : i32
    %dma_start3A_721 = arith.constant 0 : i32
    %dma_start3A_722 = tpu.memref_slice %arg7[%dma_start3A_720, %dma_start3A_721] : memref<24x640xf32, #tpu.memory_space<vmem>> -> memref<8x640xf32, #tpu.memory_space<vmem>>
    %dma_start3A_723 = arith.constant 0 : i32
    %dma_start3A_724 = tpu.memref_slice %arg4[%dma_start3A_719, %mul3A_718, %dma_start3A_723] : memref<16x592x640xf32, #tpu.memory_space<hbm>> -> memref<1x8x640xf32, #tpu.memory_space<hbm>>
    %dma_start3A_725 = tpu.memref_squeeze %dma_start3A_724 : memref<1x8x640xf32, #tpu.memory_space<hbm>> -> memref<8x640xf32, #tpu.memory_space<hbm>>
    %dma_start3A_726 = arith.constant 0 : i32
    %dma_start3A_727 = tpu.memref_slice %arg4[%dma_start3A_719, %mul3A_718, %dma_start3A_726] : memref<16x592x640xf32, #tpu.memory_space<hbm>> -> memref<1x8x640xf32, #tpu.memory_space<hbm>>
    %dma_start3A_728 = tpu.memref_squeeze %dma_start3A_727 : memref<1x8x640xf32, #tpu.memory_space<hbm>> -> memref<8x640xf32, #tpu.memory_space<hbm>>
    %dma_start3A_729 = arith.constant 16 : i32
    %dma_start3A_730 = arith.constant 0 : i32
    %dma_start3A_731 = tpu.memref_slice %arg7[%dma_start3A_729, %dma_start3A_730] : memref<24x640xf32, #tpu.memory_space<vmem>> -> memref<8x640xf32, #tpu.memory_space<vmem>>
    tpu.enqueue_dma source(%dma_start3A_731 : memref<8x640xf32, #tpu.memory_space<vmem>>) target(%dma_start3A_728 : memref<8x640xf32, #tpu.memory_space<hbm>>) target_semaphore(%arg12 : memref<!tpu.dma_semaphore, #tpu.memory_space<semaphore_mem>>)
    %mul3A_732 = arith.constant 8 : i32
    %mul3A_733 = arith.muli %select_n3A, %mul3A_732 : i32
    %dma_start3A_734 = arith.constant 13 : i32
    %dma_start3A_735 = arith.constant 0 : i32
    %dma_start3A_736 = arith.constant 0 : i32
    %dma_start3A_737 = tpu.memref_slice %arg8[%dma_start3A_735, %dma_start3A_736] : memref<24x640xf32, #tpu.memory_space<vmem>> -> memref<16x640xf32, #tpu.memory_space<vmem>>
    %dma_start3A_738 = arith.constant 0 : i32
    %dma_start3A_739 = tpu.memref_slice %arg4[%dma_start3A_734, %mul3A_733, %dma_start3A_738] : memref<16x592x640xf32, #tpu.memory_space<hbm>> -> memref<1x16x640xf32, #tpu.memory_space<hbm>>
    %dma_start3A_740 = tpu.memref_squeeze %dma_start3A_739 : memref<1x16x640xf32, #tpu.memory_space<hbm>> -> memref<16x640xf32, #tpu.memory_space<hbm>>
    %dma_start3A_741 = arith.constant 0 : i32
    %dma_start3A_742 = tpu.memref_slice %arg4[%dma_start3A_734, %mul3A_733, %dma_start3A_741] : memref<16x592x640xf32, #tpu.memory_space<hbm>> -> memref<1x16x640xf32, #tpu.memory_space<hbm>>
    %dma_start3A_743 = tpu.memref_squeeze %dma_start3A_742 : memref<1x16x640xf32, #tpu.memory_space<hbm>> -> memref<16x640xf32, #tpu.memory_space<hbm>>
    %dma_start3A_744 = arith.constant 0 : i32
    %dma_start3A_745 = arith.constant 0 : i32
    %dma_start3A_746 = tpu.memref_slice %arg8[%dma_start3A_744, %dma_start3A_745] : memref<24x640xf32, #tpu.memory_space<vmem>> -> memref<16x640xf32, #tpu.memory_space<vmem>>
    tpu.enqueue_dma source(%dma_start3A_746 : memref<16x640xf32, #tpu.memory_space<vmem>>) target(%dma_start3A_743 : memref<16x640xf32, #tpu.memory_space<hbm>>) target_semaphore(%arg12 : memref<!tpu.dma_semaphore, #tpu.memory_space<semaphore_mem>>)
    %mul3A_747 = arith.constant 8 : i32
    %mul3A_748 = arith.muli %select_n3A_14, %mul3A_747 : i32
    %dma_start3A_749 = arith.constant 13 : i32
    %dma_start3A_750 = arith.constant 16 : i32
    %dma_start3A_751 = arith.constant 0 : i32
    %dma_start3A_752 = tpu.memref_slice %arg8[%dma_start3A_750, %dma_start3A_751] : memref<24x640xf32, #tpu.memory_space<vmem>> -> memref<8x640xf32, #tpu.memory_space<vmem>>
    %dma_start3A_753 = arith.constant 0 : i32
    %dma_start3A_754 = tpu.memref_slice %arg4[%dma_start3A_749, %mul3A_748, %dma_start3A_753] : memref<16x592x640xf32, #tpu.memory_space<hbm>> -> memref<1x8x640xf32, #tpu.memory_space<hbm>>
    %dma_start3A_755 = tpu.memref_squeeze %dma_start3A_754 : memref<1x8x640xf32, #tpu.memory_space<hbm>> -> memref<8x640xf32, #tpu.memory_space<hbm>>
    %dma_start3A_756 = arith.constant 0 : i32
    %dma_start3A_757 = tpu.memref_slice %arg4[%dma_start3A_749, %mul3A_748, %dma_start3A_756] : memref<16x592x640xf32, #tpu.memory_space<hbm>> -> memref<1x8x640xf32, #tpu.memory_space<hbm>>
    %dma_start3A_758 = tpu.memref_squeeze %dma_start3A_757 : memref<1x8x640xf32, #tpu.memory_space<hbm>> -> memref<8x640xf32, #tpu.memory_space<hbm>>
    %dma_start3A_759 = arith.constant 16 : i32
    %dma_start3A_760 = arith.constant 0 : i32
    %dma_start3A_761 = tpu.memref_slice %arg8[%dma_start3A_759, %dma_start3A_760] : memref<24x640xf32, #tpu.memory_space<vmem>> -> memref<8x640xf32, #tpu.memory_space<vmem>>
    tpu.enqueue_dma source(%dma_start3A_761 : memref<8x640xf32, #tpu.memory_space<vmem>>) target(%dma_start3A_758 : memref<8x640xf32, #tpu.memory_space<hbm>>) target_semaphore(%arg12 : memref<!tpu.dma_semaphore, #tpu.memory_space<semaphore_mem>>)
    %dma_wait3A_762 = arith.constant 10 : i32
    %dma_wait3A_763 = arith.constant 0 : i32
    %dma_wait3A_764 = arith.constant 0 : i32
    %dma_wait3A_765 = tpu.memref_slice %arg9[%dma_wait3A_763, %dma_wait3A_764] : memref<24x640xf32, #tpu.memory_space<vmem>> -> memref<16x640xf32, #tpu.memory_space<vmem>>
    %dma_wait3A_766 = arith.constant 0 : i32
    %dma_wait3A_767 = tpu.memref_slice %arg4[%dma_wait3A_762, %mul3A_585, %dma_wait3A_766] : memref<16x592x640xf32, #tpu.memory_space<hbm>> -> memref<1x16x640xf32, #tpu.memory_space<hbm>>
    %dma_wait3A_768 = tpu.memref_squeeze %dma_wait3A_767 : memref<1x16x640xf32, #tpu.memory_space<hbm>> -> memref<16x640xf32, #tpu.memory_space<hbm>>
    %dma_wait3A_769 = arith.constant 0 : i32
    %dma_wait3A_770 = tpu.memref_slice %arg4[%dma_wait3A_762, %mul3A_585, %dma_wait3A_769] : memref<16x592x640xf32, #tpu.memory_space<hbm>> -> memref<1x16x640xf32, #tpu.memory_space<hbm>>
    %dma_wait3A_771 = tpu.memref_squeeze %dma_wait3A_770 : memref<1x16x640xf32, #tpu.memory_space<hbm>> -> memref<16x640xf32, #tpu.memory_space<hbm>>
    %dma_wait3A_772 = arith.constant 0 : i32
    %dma_wait3A_773 = arith.constant 0 : i32
    %dma_wait3A_774 = tpu.memref_slice %arg9[%dma_wait3A_772, %dma_wait3A_773] : memref<24x640xf32, #tpu.memory_space<vmem>> -> memref<16x640xf32, #tpu.memory_space<vmem>>
    tpu.wait_dma2 semaphore(%arg13 : memref<!tpu.dma_semaphore, #tpu.memory_space<semaphore_mem>>) src(%dma_wait3A_774 : memref<16x640xf32, #tpu.memory_space<vmem>>) dst(%dma_wait3A_771 : memref<16x640xf32, #tpu.memory_space<hbm>>)
    %dma_wait3A_775 = arith.constant 10 : i32
    %dma_wait3A_776 = arith.constant 16 : i32
    %dma_wait3A_777 = arith.constant 0 : i32
    %dma_wait3A_778 = tpu.memref_slice %arg9[%dma_wait3A_776, %dma_wait3A_777] : memref<24x640xf32, #tpu.memory_space<vmem>> -> memref<8x640xf32, #tpu.memory_space<vmem>>
    %dma_wait3A_779 = arith.constant 0 : i32
    %dma_wait3A_780 = tpu.memref_slice %arg4[%dma_wait3A_775, %mul3A_600, %dma_wait3A_779] : memref<16x592x640xf32, #tpu.memory_space<hbm>> -> memref<1x8x640xf32, #tpu.memory_space<hbm>>
    %dma_wait3A_781 = tpu.memref_squeeze %dma_wait3A_780 : memref<1x8x640xf32, #tpu.memory_space<hbm>> -> memref<8x640xf32, #tpu.memory_space<hbm>>
    %dma_wait3A_782 = arith.constant 0 : i32
    %dma_wait3A_783 = tpu.memref_slice %arg4[%dma_wait3A_775, %mul3A_600, %dma_wait3A_782] : memref<16x592x640xf32, #tpu.memory_space<hbm>> -> memref<1x8x640xf32, #tpu.memory_space<hbm>>
    %dma_wait3A_784 = tpu.memref_squeeze %dma_wait3A_783 : memref<1x8x640xf32, #tpu.memory_space<hbm>> -> memref<8x640xf32, #tpu.memory_space<hbm>>
    %dma_wait3A_785 = arith.constant 16 : i32
    %dma_wait3A_786 = arith.constant 0 : i32
    %dma_wait3A_787 = tpu.memref_slice %arg9[%dma_wait3A_785, %dma_wait3A_786] : memref<24x640xf32, #tpu.memory_space<vmem>> -> memref<8x640xf32, #tpu.memory_space<vmem>>
    tpu.wait_dma2 semaphore(%arg13 : memref<!tpu.dma_semaphore, #tpu.memory_space<semaphore_mem>>) src(%dma_wait3A_787 : memref<8x640xf32, #tpu.memory_space<vmem>>) dst(%dma_wait3A_784 : memref<8x640xf32, #tpu.memory_space<hbm>>)
    %dma_wait3A_788 = arith.constant 11 : i32
    %dma_wait3A_789 = arith.constant 0 : i32
    %dma_wait3A_790 = arith.constant 0 : i32
    %dma_wait3A_791 = tpu.memref_slice %arg10[%dma_wait3A_789, %dma_wait3A_790] : memref<24x640xf32, #tpu.memory_space<vmem>> -> memref<16x640xf32, #tpu.memory_space<vmem>>
    %dma_wait3A_792 = arith.constant 0 : i32
    %dma_wait3A_793 = tpu.memref_slice %arg4[%dma_wait3A_788, %mul3A_615, %dma_wait3A_792] : memref<16x592x640xf32, #tpu.memory_space<hbm>> -> memref<1x16x640xf32, #tpu.memory_space<hbm>>
    %dma_wait3A_794 = tpu.memref_squeeze %dma_wait3A_793 : memref<1x16x640xf32, #tpu.memory_space<hbm>> -> memref<16x640xf32, #tpu.memory_space<hbm>>
    %dma_wait3A_795 = arith.constant 0 : i32
    %dma_wait3A_796 = tpu.memref_slice %arg4[%dma_wait3A_788, %mul3A_615, %dma_wait3A_795] : memref<16x592x640xf32, #tpu.memory_space<hbm>> -> memref<1x16x640xf32, #tpu.memory_space<hbm>>
    %dma_wait3A_797 = tpu.memref_squeeze %dma_wait3A_796 : memref<1x16x640xf32, #tpu.memory_space<hbm>> -> memref<16x640xf32, #tpu.memory_space<hbm>>
    %dma_wait3A_798 = arith.constant 0 : i32
    %dma_wait3A_799 = arith.constant 0 : i32
    %dma_wait3A_800 = tpu.memref_slice %arg10[%dma_wait3A_798, %dma_wait3A_799] : memref<24x640xf32, #tpu.memory_space<vmem>> -> memref<16x640xf32, #tpu.memory_space<vmem>>
    tpu.wait_dma2 semaphore(%arg13 : memref<!tpu.dma_semaphore, #tpu.memory_space<semaphore_mem>>) src(%dma_wait3A_800 : memref<16x640xf32, #tpu.memory_space<vmem>>) dst(%dma_wait3A_797 : memref<16x640xf32, #tpu.memory_space<hbm>>)
    %dma_wait3A_801 = arith.constant 11 : i32
    %dma_wait3A_802 = arith.constant 16 : i32
    %dma_wait3A_803 = arith.constant 0 : i32
    %dma_wait3A_804 = tpu.memref_slice %arg10[%dma_wait3A_802, %dma_wait3A_803] : memref<24x640xf32, #tpu.memory_space<vmem>> -> memref<8x640xf32, #tpu.memory_space<vmem>>
    %dma_wait3A_805 = arith.constant 0 : i32
    %dma_wait3A_806 = tpu.memref_slice %arg4[%dma_wait3A_801, %mul3A_630, %dma_wait3A_805] : memref<16x592x640xf32, #tpu.memory_space<hbm>> -> memref<1x8x640xf32, #tpu.memory_space<hbm>>
    %dma_wait3A_807 = tpu.memref_squeeze %dma_wait3A_806 : memref<1x8x640xf32, #tpu.memory_space<hbm>> -> memref<8x640xf32, #tpu.memory_space<hbm>>
    %dma_wait3A_808 = arith.constant 0 : i32
    %dma_wait3A_809 = tpu.memref_slice %arg4[%dma_wait3A_801, %mul3A_630, %dma_wait3A_808] : memref<16x592x640xf32, #tpu.memory_space<hbm>> -> memref<1x8x640xf32, #tpu.memory_space<hbm>>
    %dma_wait3A_810 = tpu.memref_squeeze %dma_wait3A_809 : memref<1x8x640xf32, #tpu.memory_space<hbm>> -> memref<8x640xf32, #tpu.memory_space<hbm>>
    %dma_wait3A_811 = arith.constant 16 : i32
    %dma_wait3A_812 = arith.constant 0 : i32
    %dma_wait3A_813 = tpu.memref_slice %arg10[%dma_wait3A_811, %dma_wait3A_812] : memref<24x640xf32, #tpu.memory_space<vmem>> -> memref<8x640xf32, #tpu.memory_space<vmem>>
    tpu.wait_dma2 semaphore(%arg13 : memref<!tpu.dma_semaphore, #tpu.memory_space<semaphore_mem>>) src(%dma_wait3A_813 : memref<8x640xf32, #tpu.memory_space<vmem>>) dst(%dma_wait3A_810 : memref<8x640xf32, #tpu.memory_space<hbm>>)
    %scan3A_814 = arith.constant 0 : i32
    %scan3A_815 = arith.constant 0 : i32
    %scan3A_816 = arith.constant 24 : i32
    %scan3A_817 = arith.addi %scan3A_815, %scan3A_816 : i32
    %scan3A_818 = arith.constant 1 : i32
    scf.for %scan3A_984 = %scan3A_815 to %scan3A_817 step %scan3A_818  : i32 {
      %mul3A_985 = arith.constant 640 : i32
      %mul3A_986 = arith.muli %scan3A_984, %mul3A_985 : i32
      %parallel_loop3A = arith.constant 0 : i32
      %parallel_loop3A_987 = arith.constant 40 : i32
      %parallel_loop3A_988 = arith.constant 1 : i32
      scf.for %parallel_loop3A_989 = %parallel_loop3A to %parallel_loop3A_987 step %parallel_loop3A_988  : i32 {
        %parallel_loop3A_990 = arith.constant 16 : i32
        %parallel_loop3A_991 = arith.muli %parallel_loop3A_989, %parallel_loop3A_990 : i32
        %parallel_loop3A_992 = arith.addi %mul3A_986, %parallel_loop3A_991 : i32
        %parallel_loop3A_993 = arith.index_cast %parallel_loop3A_992 : i32 to index
        %parallel_loop3A_994 = tpu.vector_load %arg6[%parallel_loop3A_993] {strides = array<i32>} : memref<15360xi32, #tpu.memory_space<vmem>>, vector<16xi32>,
        %parallel_loop3A_995 = arith.constant 30968 : i32
        %parallel_loop3A_996 = vector.broadcast %parallel_loop3A_995 : i32 to vector<16xi32>
        %parallel_loop3A_997 = arith.addi %parallel_loop3A_994, %parallel_loop3A_996 : vector<16xi32>
        %parallel_loop3A_998 = tpu.vector_load_idx %arg5[%parallel_loop3A_997] : memref<35392xf32, #tpu.memory_space<vmem>>[vector<16xi32>], vector<16xf32>,
        %parallel_loop3A_999 = arith.constant 16 : i32
        %parallel_loop3A_1000 = arith.muli %parallel_loop3A_989, %parallel_loop3A_999 : i32
        %parallel_loop3A_1001 = arith.index_cast %scan3A_984 : i32 to index
        %parallel_loop3A_1002 = arith.index_cast %parallel_loop3A_1000 : i32 to index
        %parallel_loop3A_1003 = tpu.vector_load %arg9[%parallel_loop3A_1001, %parallel_loop3A_1002] {strides = array<i32>} : memref<24x640xf32, #tpu.memory_space<vmem>>, vector<16xf32>,
        tpu.vector_store %arg9[%parallel_loop3A_1001, %parallel_loop3A_1002], %parallel_loop3A_998 {strides = array<i32>} : memref<24x640xf32, #tpu.memory_space<vmem>>, vector<16xf32>,
        %parallel_loop3A_1004 = arith.constant 33180 : i32
        %parallel_loop3A_1005 = vector.broadcast %parallel_loop3A_1004 : i32 to vector<16xi32>
        %parallel_loop3A_1006 = arith.addi %parallel_loop3A_994, %parallel_loop3A_1005 : vector<16xi32>
        %parallel_loop3A_1007 = tpu.vector_load_idx %arg5[%parallel_loop3A_1006] : memref<35392xf32, #tpu.memory_space<vmem>>[vector<16xi32>], vector<16xf32>,
        %parallel_loop3A_1008 = arith.constant 16 : i32
        %parallel_loop3A_1009 = arith.muli %parallel_loop3A_989, %parallel_loop3A_1008 : i32
        %parallel_loop3A_1010 = arith.index_cast %scan3A_984 : i32 to index
        %parallel_loop3A_1011 = arith.index_cast %parallel_loop3A_1009 : i32 to index
        %parallel_loop3A_1012 = tpu.vector_load %arg10[%parallel_loop3A_1010, %parallel_loop3A_1011] {strides = array<i32>} : memref<24x640xf32, #tpu.memory_space<vmem>>, vector<16xf32>,
        tpu.vector_store %arg10[%parallel_loop3A_1010, %parallel_loop3A_1011], %parallel_loop3A_1007 {strides = array<i32>} : memref<24x640xf32, #tpu.memory_space<vmem>>, vector<16xf32>,
      } {sc.loop_unroll_factor = 4 : i64, sc.parallel_access}
    }
    %scan3A_819 = arith.constant 24 : i32
    %mul3A_820 = arith.constant 8 : i32
    %mul3A_821 = arith.muli %select_n3A, %mul3A_820 : i32
    %dma_start3A_822 = arith.constant 14 : i32
    %dma_start3A_823 = arith.constant 0 : i32
    %dma_start3A_824 = arith.constant 0 : i32
    %dma_start3A_825 = tpu.memref_slice %arg9[%dma_start3A_823, %dma_start3A_824] : memref<24x640xf32, #tpu.memory_space<vmem>> -> memref<16x640xf32, #tpu.memory_space<vmem>>
    %dma_start3A_826 = arith.constant 0 : i32
    %dma_start3A_827 = tpu.memref_slice %arg4[%dma_start3A_822, %mul3A_821, %dma_start3A_826] : memref<16x592x640xf32, #tpu.memory_space<hbm>> -> memref<1x16x640xf32, #tpu.memory_space<hbm>>
    %dma_start3A_828 = tpu.memref_squeeze %dma_start3A_827 : memref<1x16x640xf32, #tpu.memory_space<hbm>> -> memref<16x640xf32, #tpu.memory_space<hbm>>
    %dma_start3A_829 = arith.constant 0 : i32
    %dma_start3A_830 = tpu.memref_slice %arg4[%dma_start3A_822, %mul3A_821, %dma_start3A_829] : memref<16x592x640xf32, #tpu.memory_space<hbm>> -> memref<1x16x640xf32, #tpu.memory_space<hbm>>
    %dma_start3A_831 = tpu.memref_squeeze %dma_start3A_830 : memref<1x16x640xf32, #tpu.memory_space<hbm>> -> memref<16x640xf32, #tpu.memory_space<hbm>>
    %dma_start3A_832 = arith.constant 0 : i32
    %dma_start3A_833 = arith.constant 0 : i32
    %dma_start3A_834 = tpu.memref_slice %arg9[%dma_start3A_832, %dma_start3A_833] : memref<24x640xf32, #tpu.memory_space<vmem>> -> memref<16x640xf32, #tpu.memory_space<vmem>>
    tpu.enqueue_dma source(%dma_start3A_834 : memref<16x640xf32, #tpu.memory_space<vmem>>) target(%dma_start3A_831 : memref<16x640xf32, #tpu.memory_space<hbm>>) target_semaphore(%arg13 : memref<!tpu.dma_semaphore, #tpu.memory_space<semaphore_mem>>)
    %mul3A_835 = arith.constant 8 : i32
    %mul3A_836 = arith.muli %select_n3A_14, %mul3A_835 : i32
    %dma_start3A_837 = arith.constant 14 : i32
    %dma_start3A_838 = arith.constant 16 : i32
    %dma_start3A_839 = arith.constant 0 : i32
    %dma_start3A_840 = tpu.memref_slice %arg9[%dma_start3A_838, %dma_start3A_839] : memref<24x640xf32, #tpu.memory_space<vmem>> -> memref<8x640xf32, #tpu.memory_space<vmem>>
    %dma_start3A_841 = arith.constant 0 : i32
    %dma_start3A_842 = tpu.memref_slice %arg4[%dma_start3A_837, %mul3A_836, %dma_start3A_841] : memref<16x592x640xf32, #tpu.memory_space<hbm>> -> memref<1x8x640xf32, #tpu.memory_space<hbm>>
    %dma_start3A_843 = tpu.memref_squeeze %dma_start3A_842 : memref<1x8x640xf32, #tpu.memory_space<hbm>> -> memref<8x640xf32, #tpu.memory_space<hbm>>
    %dma_start3A_844 = arith.constant 0 : i32
    %dma_start3A_845 = tpu.memref_slice %arg4[%dma_start3A_837, %mul3A_836, %dma_start3A_844] : memref<16x592x640xf32, #tpu.memory_space<hbm>> -> memref<1x8x640xf32, #tpu.memory_space<hbm>>
    %dma_start3A_846 = tpu.memref_squeeze %dma_start3A_845 : memref<1x8x640xf32, #tpu.memory_space<hbm>> -> memref<8x640xf32, #tpu.memory_space<hbm>>
    %dma_start3A_847 = arith.constant 16 : i32
    %dma_start3A_848 = arith.constant 0 : i32
    %dma_start3A_849 = tpu.memref_slice %arg9[%dma_start3A_847, %dma_start3A_848] : memref<24x640xf32, #tpu.memory_space<vmem>> -> memref<8x640xf32, #tpu.memory_space<vmem>>
    tpu.enqueue_dma source(%dma_start3A_849 : memref<8x640xf32, #tpu.memory_space<vmem>>) target(%dma_start3A_846 : memref<8x640xf32, #tpu.memory_space<hbm>>) target_semaphore(%arg13 : memref<!tpu.dma_semaphore, #tpu.memory_space<semaphore_mem>>)
    %mul3A_850 = arith.constant 8 : i32
    %mul3A_851 = arith.muli %select_n3A, %mul3A_850 : i32
    %dma_start3A_852 = arith.constant 15 : i32
    %dma_start3A_853 = arith.constant 0 : i32
    %dma_start3A_854 = arith.constant 0 : i32
    %dma_start3A_855 = tpu.memref_slice %arg10[%dma_start3A_853, %dma_start3A_854] : memref<24x640xf32, #tpu.memory_space<vmem>> -> memref<16x640xf32, #tpu.memory_space<vmem>>
    %dma_start3A_856 = arith.constant 0 : i32
    %dma_start3A_857 = tpu.memref_slice %arg4[%dma_start3A_852, %mul3A_851, %dma_start3A_856] : memref<16x592x640xf32, #tpu.memory_space<hbm>> -> memref<1x16x640xf32, #tpu.memory_space<hbm>>
    %dma_start3A_858 = tpu.memref_squeeze %dma_start3A_857 : memref<1x16x640xf32, #tpu.memory_space<hbm>> -> memref<16x640xf32, #tpu.memory_space<hbm>>
    %dma_start3A_859 = arith.constant 0 : i32
    %dma_start3A_860 = tpu.memref_slice %arg4[%dma_start3A_852, %mul3A_851, %dma_start3A_859] : memref<16x592x640xf32, #tpu.memory_space<hbm>> -> memref<1x16x640xf32, #tpu.memory_space<hbm>>
    %dma_start3A_861 = tpu.memref_squeeze %dma_start3A_860 : memref<1x16x640xf32, #tpu.memory_space<hbm>> -> memref<16x640xf32, #tpu.memory_space<hbm>>
    %dma_start3A_862 = arith.constant 0 : i32
    %dma_start3A_863 = arith.constant 0 : i32
    %dma_start3A_864 = tpu.memref_slice %arg10[%dma_start3A_862, %dma_start3A_863] : memref<24x640xf32, #tpu.memory_space<vmem>> -> memref<16x640xf32, #tpu.memory_space<vmem>>
    tpu.enqueue_dma source(%dma_start3A_864 : memref<16x640xf32, #tpu.memory_space<vmem>>) target(%dma_start3A_861 : memref<16x640xf32, #tpu.memory_space<hbm>>) target_semaphore(%arg13 : memref<!tpu.dma_semaphore, #tpu.memory_space<semaphore_mem>>)
    %mul3A_865 = arith.constant 8 : i32
    %mul3A_866 = arith.muli %select_n3A_14, %mul3A_865 : i32
    %dma_start3A_867 = arith.constant 15 : i32
    %dma_start3A_868 = arith.constant 16 : i32
    %dma_start3A_869 = arith.constant 0 : i32
    %dma_start3A_870 = tpu.memref_slice %arg10[%dma_start3A_868, %dma_start3A_869] : memref<24x640xf32, #tpu.memory_space<vmem>> -> memref<8x640xf32, #tpu.memory_space<vmem>>
    %dma_start3A_871 = arith.constant 0 : i32
    %dma_start3A_872 = tpu.memref_slice %arg4[%dma_start3A_867, %mul3A_866, %dma_start3A_871] : memref<16x592x640xf32, #tpu.memory_space<hbm>> -> memref<1x8x640xf32, #tpu.memory_space<hbm>>
    %dma_start3A_873 = tpu.memref_squeeze %dma_start3A_872 : memref<1x8x640xf32, #tpu.memory_space<hbm>> -> memref<8x640xf32, #tpu.memory_space<hbm>>
    %dma_start3A_874 = arith.constant 0 : i32
    %dma_start3A_875 = tpu.memref_slice %arg4[%dma_start3A_867, %mul3A_866, %dma_start3A_874] : memref<16x592x640xf32, #tpu.memory_space<hbm>> -> memref<1x8x640xf32, #tpu.memory_space<hbm>>
    %dma_start3A_876 = tpu.memref_squeeze %dma_start3A_875 : memref<1x8x640xf32, #tpu.memory_space<hbm>> -> memref<8x640xf32, #tpu.memory_space<hbm>>
    %dma_start3A_877 = arith.constant 16 : i32
    %dma_start3A_878 = arith.constant 0 : i32
    %dma_start3A_879 = tpu.memref_slice %arg10[%dma_start3A_877, %dma_start3A_878] : memref<24x640xf32, #tpu.memory_space<vmem>> -> memref<8x640xf32, #tpu.memory_space<vmem>>
    tpu.enqueue_dma source(%dma_start3A_879 : memref<8x640xf32, #tpu.memory_space<vmem>>) target(%dma_start3A_876 : memref<8x640xf32, #tpu.memory_space<hbm>>) target_semaphore(%arg13 : memref<!tpu.dma_semaphore, #tpu.memory_space<semaphore_mem>>)
    %dma_wait3A_880 = arith.constant 12 : i32
    %dma_wait3A_881 = arith.constant 0 : i32
    %dma_wait3A_882 = arith.constant 0 : i32
    %dma_wait3A_883 = tpu.memref_slice %arg7[%dma_wait3A_881, %dma_wait3A_882] : memref<24x640xf32, #tpu.memory_space<vmem>> -> memref<16x640xf32, #tpu.memory_space<vmem>>
    %dma_wait3A_884 = arith.constant 0 : i32
    %dma_wait3A_885 = tpu.memref_slice %arg4[%dma_wait3A_880, %mul3A_703, %dma_wait3A_884] : memref<16x592x640xf32, #tpu.memory_space<hbm>> -> memref<1x16x640xf32, #tpu.memory_space<hbm>>
    %dma_wait3A_886 = tpu.memref_squeeze %dma_wait3A_885 : memref<1x16x640xf32, #tpu.memory_space<hbm>> -> memref<16x640xf32, #tpu.memory_space<hbm>>
    %dma_wait3A_887 = arith.constant 0 : i32
    %dma_wait3A_888 = tpu.memref_slice %arg4[%dma_wait3A_880, %mul3A_703, %dma_wait3A_887] : memref<16x592x640xf32, #tpu.memory_space<hbm>> -> memref<1x16x640xf32, #tpu.memory_space<hbm>>
    %dma_wait3A_889 = tpu.memref_squeeze %dma_wait3A_888 : memref<1x16x640xf32, #tpu.memory_space<hbm>> -> memref<16x640xf32, #tpu.memory_space<hbm>>
    %dma_wait3A_890 = arith.constant 0 : i32
    %dma_wait3A_891 = arith.constant 0 : i32
    %dma_wait3A_892 = tpu.memref_slice %arg7[%dma_wait3A_890, %dma_wait3A_891] : memref<24x640xf32, #tpu.memory_space<vmem>> -> memref<16x640xf32, #tpu.memory_space<vmem>>
    tpu.wait_dma2 semaphore(%arg12 : memref<!tpu.dma_semaphore, #tpu.memory_space<semaphore_mem>>) src(%dma_wait3A_892 : memref<16x640xf32, #tpu.memory_space<vmem>>) dst(%dma_wait3A_889 : memref<16x640xf32, #tpu.memory_space<hbm>>)
    %dma_wait3A_893 = arith.constant 12 : i32
    %dma_wait3A_894 = arith.constant 16 : i32
    %dma_wait3A_895 = arith.constant 0 : i32
    %dma_wait3A_896 = tpu.memref_slice %arg7[%dma_wait3A_894, %dma_wait3A_895] : memref<24x640xf32, #tpu.memory_space<vmem>> -> memref<8x640xf32, #tpu.memory_space<vmem>>
    %dma_wait3A_897 = arith.constant 0 : i32
    %dma_wait3A_898 = tpu.memref_slice %arg4[%dma_wait3A_893, %mul3A_718, %dma_wait3A_897] : memref<16x592x640xf32, #tpu.memory_space<hbm>> -> memref<1x8x640xf32, #tpu.memory_space<hbm>>
    %dma_wait3A_899 = tpu.memref_squeeze %dma_wait3A_898 : memref<1x8x640xf32, #tpu.memory_space<hbm>> -> memref<8x640xf32, #tpu.memory_space<hbm>>
    %dma_wait3A_900 = arith.constant 0 : i32
    %dma_wait3A_901 = tpu.memref_slice %arg4[%dma_wait3A_893, %mul3A_718, %dma_wait3A_900] : memref<16x592x640xf32, #tpu.memory_space<hbm>> -> memref<1x8x640xf32, #tpu.memory_space<hbm>>
    %dma_wait3A_902 = tpu.memref_squeeze %dma_wait3A_901 : memref<1x8x640xf32, #tpu.memory_space<hbm>> -> memref<8x640xf32, #tpu.memory_space<hbm>>
    %dma_wait3A_903 = arith.constant 16 : i32
    %dma_wait3A_904 = arith.constant 0 : i32
    %dma_wait3A_905 = tpu.memref_slice %arg7[%dma_wait3A_903, %dma_wait3A_904] : memref<24x640xf32, #tpu.memory_space<vmem>> -> memref<8x640xf32, #tpu.memory_space<vmem>>
    tpu.wait_dma2 semaphore(%arg12 : memref<!tpu.dma_semaphore, #tpu.memory_space<semaphore_mem>>) src(%dma_wait3A_905 : memref<8x640xf32, #tpu.memory_space<vmem>>) dst(%dma_wait3A_902 : memref<8x640xf32, #tpu.memory_space<hbm>>)
    %dma_wait3A_906 = arith.constant 13 : i32
    %dma_wait3A_907 = arith.constant 0 : i32
    %dma_wait3A_908 = arith.constant 0 : i32
    %dma_wait3A_909 = tpu.memref_slice %arg8[%dma_wait3A_907, %dma_wait3A_908] : memref<24x640xf32, #tpu.memory_space<vmem>> -> memref<16x640xf32, #tpu.memory_space<vmem>>
    %dma_wait3A_910 = arith.constant 0 : i32
    %dma_wait3A_911 = tpu.memref_slice %arg4[%dma_wait3A_906, %mul3A_733, %dma_wait3A_910] : memref<16x592x640xf32, #tpu.memory_space<hbm>> -> memref<1x16x640xf32, #tpu.memory_space<hbm>>
    %dma_wait3A_912 = tpu.memref_squeeze %dma_wait3A_911 : memref<1x16x640xf32, #tpu.memory_space<hbm>> -> memref<16x640xf32, #tpu.memory_space<hbm>>
    %dma_wait3A_913 = arith.constant 0 : i32
    %dma_wait3A_914 = tpu.memref_slice %arg4[%dma_wait3A_906, %mul3A_733, %dma_wait3A_913] : memref<16x592x640xf32, #tpu.memory_space<hbm>> -> memref<1x16x640xf32, #tpu.memory_space<hbm>>
    %dma_wait3A_915 = tpu.memref_squeeze %dma_wait3A_914 : memref<1x16x640xf32, #tpu.memory_space<hbm>> -> memref<16x640xf32, #tpu.memory_space<hbm>>
    %dma_wait3A_916 = arith.constant 0 : i32
    %dma_wait3A_917 = arith.constant 0 : i32
    %dma_wait3A_918 = tpu.memref_slice %arg8[%dma_wait3A_916, %dma_wait3A_917] : memref<24x640xf32, #tpu.memory_space<vmem>> -> memref<16x640xf32, #tpu.memory_space<vmem>>
    tpu.wait_dma2 semaphore(%arg12 : memref<!tpu.dma_semaphore, #tpu.memory_space<semaphore_mem>>) src(%dma_wait3A_918 : memref<16x640xf32, #tpu.memory_space<vmem>>) dst(%dma_wait3A_915 : memref<16x640xf32, #tpu.memory_space<hbm>>)
    %dma_wait3A_919 = arith.constant 13 : i32
    %dma_wait3A_920 = arith.constant 16 : i32
    %dma_wait3A_921 = arith.constant 0 : i32
    %dma_wait3A_922 = tpu.memref_slice %arg8[%dma_wait3A_920, %dma_wait3A_921] : memref<24x640xf32, #tpu.memory_space<vmem>> -> memref<8x640xf32, #tpu.memory_space<vmem>>
    %dma_wait3A_923 = arith.constant 0 : i32
    %dma_wait3A_924 = tpu.memref_slice %arg4[%dma_wait3A_919, %mul3A_748, %dma_wait3A_923] : memref<16x592x640xf32, #tpu.memory_space<hbm>> -> memref<1x8x640xf32, #tpu.memory_space<hbm>>
    %dma_wait3A_925 = tpu.memref_squeeze %dma_wait3A_924 : memref<1x8x640xf32, #tpu.memory_space<hbm>> -> memref<8x640xf32, #tpu.memory_space<hbm>>
    %dma_wait3A_926 = arith.constant 0 : i32
    %dma_wait3A_927 = tpu.memref_slice %arg4[%dma_wait3A_919, %mul3A_748, %dma_wait3A_926] : memref<16x592x640xf32, #tpu.memory_space<hbm>> -> memref<1x8x640xf32, #tpu.memory_space<hbm>>
    %dma_wait3A_928 = tpu.memref_squeeze %dma_wait3A_927 : memref<1x8x640xf32, #tpu.memory_space<hbm>> -> memref<8x640xf32, #tpu.memory_space<hbm>>
    %dma_wait3A_929 = arith.constant 16 : i32
    %dma_wait3A_930 = arith.constant 0 : i32
    %dma_wait3A_931 = tpu.memref_slice %arg8[%dma_wait3A_929, %dma_wait3A_930] : memref<24x640xf32, #tpu.memory_space<vmem>> -> memref<8x640xf32, #tpu.memory_space<vmem>>
    tpu.wait_dma2 semaphore(%arg12 : memref<!tpu.dma_semaphore, #tpu.memory_space<semaphore_mem>>) src(%dma_wait3A_931 : memref<8x640xf32, #tpu.memory_space<vmem>>) dst(%dma_wait3A_928 : memref<8x640xf32, #tpu.memory_space<hbm>>)
    %dma_wait3A_932 = arith.constant 14 : i32
    %dma_wait3A_933 = arith.constant 0 : i32
    %dma_wait3A_934 = arith.constant 0 : i32
    %dma_wait3A_935 = tpu.memref_slice %arg9[%dma_wait3A_933, %dma_wait3A_934] : memref<24x640xf32, #tpu.memory_space<vmem>> -> memref<16x640xf32, #tpu.memory_space<vmem>>
    %dma_wait3A_936 = arith.constant 0 : i32
    %dma_wait3A_937 = tpu.memref_slice %arg4[%dma_wait3A_932, %mul3A_821, %dma_wait3A_936] : memref<16x592x640xf32, #tpu.memory_space<hbm>> -> memref<1x16x640xf32, #tpu.memory_space<hbm>>
    %dma_wait3A_938 = tpu.memref_squeeze %dma_wait3A_937 : memref<1x16x640xf32, #tpu.memory_space<hbm>> -> memref<16x640xf32, #tpu.memory_space<hbm>>
    %dma_wait3A_939 = arith.constant 0 : i32
    %dma_wait3A_940 = tpu.memref_slice %arg4[%dma_wait3A_932, %mul3A_821, %dma_wait3A_939] : memref<16x592x640xf32, #tpu.memory_space<hbm>> -> memref<1x16x640xf32, #tpu.memory_space<hbm>>
    %dma_wait3A_941 = tpu.memref_squeeze %dma_wait3A_940 : memref<1x16x640xf32, #tpu.memory_space<hbm>> -> memref<16x640xf32, #tpu.memory_space<hbm>>
    %dma_wait3A_942 = arith.constant 0 : i32
    %dma_wait3A_943 = arith.constant 0 : i32
    %dma_wait3A_944 = tpu.memref_slice %arg9[%dma_wait3A_942, %dma_wait3A_943] : memref<24x640xf32, #tpu.memory_space<vmem>> -> memref<16x640xf32, #tpu.memory_space<vmem>>
    tpu.wait_dma2 semaphore(%arg13 : memref<!tpu.dma_semaphore, #tpu.memory_space<semaphore_mem>>) src(%dma_wait3A_944 : memref<16x640xf32, #tpu.memory_space<vmem>>) dst(%dma_wait3A_941 : memref<16x640xf32, #tpu.memory_space<hbm>>)
    %dma_wait3A_945 = arith.constant 14 : i32
    %dma_wait3A_946 = arith.constant 16 : i32
    %dma_wait3A_947 = arith.constant 0 : i32
    %dma_wait3A_948 = tpu.memref_slice %arg9[%dma_wait3A_946, %dma_wait3A_947] : memref<24x640xf32, #tpu.memory_space<vmem>> -> memref<8x640xf32, #tpu.memory_space<vmem>>
    %dma_wait3A_949 = arith.constant 0 : i32
    %dma_wait3A_950 = tpu.memref_slice %arg4[%dma_wait3A_945, %mul3A_836, %dma_wait3A_949] : memref<16x592x640xf32, #tpu.memory_space<hbm>> -> memref<1x8x640xf32, #tpu.memory_space<hbm>>
    %dma_wait3A_951 = tpu.memref_squeeze %dma_wait3A_950 : memref<1x8x640xf32, #tpu.memory_space<hbm>> -> memref<8x640xf32, #tpu.memory_space<hbm>>
    %dma_wait3A_952 = arith.constant 0 : i32
    %dma_wait3A_953 = tpu.memref_slice %arg4[%dma_wait3A_945, %mul3A_836, %dma_wait3A_952] : memref<16x592x640xf32, #tpu.memory_space<hbm>> -> memref<1x8x640xf32, #tpu.memory_space<hbm>>
    %dma_wait3A_954 = tpu.memref_squeeze %dma_wait3A_953 : memref<1x8x640xf32, #tpu.memory_space<hbm>> -> memref<8x640xf32, #tpu.memory_space<hbm>>
    %dma_wait3A_955 = arith.constant 16 : i32
    %dma_wait3A_956 = arith.constant 0 : i32
    %dma_wait3A_957 = tpu.memref_slice %arg9[%dma_wait3A_955, %dma_wait3A_956] : memref<24x640xf32, #tpu.memory_space<vmem>> -> memref<8x640xf32, #tpu.memory_space<vmem>>
    tpu.wait_dma2 semaphore(%arg13 : memref<!tpu.dma_semaphore, #tpu.memory_space<semaphore_mem>>) src(%dma_wait3A_957 : memref<8x640xf32, #tpu.memory_space<vmem>>) dst(%dma_wait3A_954 : memref<8x640xf32, #tpu.memory_space<hbm>>)
    %dma_wait3A_958 = arith.constant 15 : i32
    %dma_wait3A_959 = arith.constant 0 : i32
    %dma_wait3A_960 = arith.constant 0 : i32
    %dma_wait3A_961 = tpu.memref_slice %arg10[%dma_wait3A_959, %dma_wait3A_960] : memref<24x640xf32, #tpu.memory_space<vmem>> -> memref<16x640xf32, #tpu.memory_space<vmem>>
    %dma_wait3A_962 = arith.constant 0 : i32
    %dma_wait3A_963 = tpu.memref_slice %arg4[%dma_wait3A_958, %mul3A_851, %dma_wait3A_962] : memref<16x592x640xf32, #tpu.memory_space<hbm>> -> memref<1x16x640xf32, #tpu.memory_space<hbm>>
    %dma_wait3A_964 = tpu.memref_squeeze %dma_wait3A_963 : memref<1x16x640xf32, #tpu.memory_space<hbm>> -> memref<16x640xf32, #tpu.memory_space<hbm>>
    %dma_wait3A_965 = arith.constant 0 : i32
    %dma_wait3A_966 = tpu.memref_slice %arg4[%dma_wait3A_958, %mul3A_851, %dma_wait3A_965] : memref<16x592x640xf32, #tpu.memory_space<hbm>> -> memref<1x16x640xf32, #tpu.memory_space<hbm>>
    %dma_wait3A_967 = tpu.memref_squeeze %dma_wait3A_966 : memref<1x16x640xf32, #tpu.memory_space<hbm>> -> memref<16x640xf32, #tpu.memory_space<hbm>>
    %dma_wait3A_968 = arith.constant 0 : i32
    %dma_wait3A_969 = arith.constant 0 : i32
    %dma_wait3A_970 = tpu.memref_slice %arg10[%dma_wait3A_968, %dma_wait3A_969] : memref<24x640xf32, #tpu.memory_space<vmem>> -> memref<16x640xf32, #tpu.memory_space<vmem>>
    tpu.wait_dma2 semaphore(%arg13 : memref<!tpu.dma_semaphore, #tpu.memory_space<semaphore_mem>>) src(%dma_wait3A_970 : memref<16x640xf32, #tpu.memory_space<vmem>>) dst(%dma_wait3A_967 : memref<16x640xf32, #tpu.memory_space<hbm>>)
    %dma_wait3A_971 = arith.constant 15 : i32
    %dma_wait3A_972 = arith.constant 16 : i32
    %dma_wait3A_973 = arith.constant 0 : i32
    %dma_wait3A_974 = tpu.memref_slice %arg10[%dma_wait3A_972, %dma_wait3A_973] : memref<24x640xf32, #tpu.memory_space<vmem>> -> memref<8x640xf32, #tpu.memory_space<vmem>>
    %dma_wait3A_975 = arith.constant 0 : i32
    %dma_wait3A_976 = tpu.memref_slice %arg4[%dma_wait3A_971, %mul3A_866, %dma_wait3A_975] : memref<16x592x640xf32, #tpu.memory_space<hbm>> -> memref<1x8x640xf32, #tpu.memory_space<hbm>>
    %dma_wait3A_977 = tpu.memref_squeeze %dma_wait3A_976 : memref<1x8x640xf32, #tpu.memory_space<hbm>> -> memref<8x640xf32, #tpu.memory_space<hbm>>
    %dma_wait3A_978 = arith.constant 0 : i32
    %dma_wait3A_979 = tpu.memref_slice %arg4[%dma_wait3A_971, %mul3A_866, %dma_wait3A_978] : memref<16x592x640xf32, #tpu.memory_space<hbm>> -> memref<1x8x640xf32, #tpu.memory_space<hbm>>
    %dma_wait3A_980 = tpu.memref_squeeze %dma_wait3A_979 : memref<1x8x640xf32, #tpu.memory_space<hbm>> -> memref<8x640xf32, #tpu.memory_space<hbm>>
    %dma_wait3A_981 = arith.constant 16 : i32
    %dma_wait3A_982 = arith.constant 0 : i32
    %dma_wait3A_983 = tpu.memref_slice %arg10[%dma_wait3A_981, %dma_wait3A_982] : memref<24x640xf32, #tpu.memory_space<vmem>> -> memref<8x640xf32, #tpu.memory_space<vmem>>
    tpu.wait_dma2 semaphore(%arg13 : memref<!tpu.dma_semaphore, #tpu.memory_space<semaphore_mem>>) src(%dma_wait3A_983 : memref<8x640xf32, #tpu.memory_space<vmem>>) dst(%dma_wait3A_980 : memref<8x640xf32, #tpu.memory_space<hbm>>)
    return
  }
}

module attributes {stable_mosaic.version = 14 : i64} {
  func.func @_add_body0(%arg0: i32, %arg1: i32, %arg2: memref<1x1x577x577xf32, #tpu.memory_space<vmem>>, %arg3: memref<1x592x640xf32, #tpu.memory_space<vmem>>, %arg4: memref<1x1x577x577xf32, #tpu.memory_space<vmem>>) attributes {dimension_semantics = [#tpu.dimension_semantics<arbitrary>, #tpu.dimension_semantics<arbitrary>], iteration_bounds = array<i64: 16, 4>, scalar_prefetch = 0 : i64, scratch_operands = 0 : i64, tpu.core_type = #tpu.core_type<tc>, window_params = [{transform_indices = @transform_0, window_bounds = array<i64: 1, 1, 577, 577>}, {transform_indices = @transform_1, window_bounds = array<i64: 1, 592, 640>}, {transform_indices = @transform_2, window_bounds = array<i64: 1, 1, 577, 577>}]} {
    %get3A = arith.constant 0 : index
    %get3A_0 = arith.constant 0 : index
    %get3A_1 = arith.constant 0 : index
    %get3A_2 = arith.constant 0 : index
    %get3A_3 = vector.load %arg2[%get3A, %get3A_0, %get3A_1, %get3A_2] : memref<1x1x577x577xf32, #tpu.memory_space<vmem>>, vector<1x1x577x577xf32>
    %get3A_4 = vector.shape_cast %get3A_3 : vector<1x1x577x577xf32> to vector<577x577xf32>
    %get3A_5 = arith.constant 0 : index
    %get3A_6 = arith.constant 0 : index
    %get3A_7 = arith.constant 0 : index
    %get3A_8 = vector.load %arg3[%get3A_5, %get3A_6, %get3A_7] : memref<1x592x640xf32, #tpu.memory_space<vmem>>, vector<1x577x577xf32>
    %get3A_9 = vector.shape_cast %get3A_8 : vector<1x577x577xf32> to vector<577x577xf32>
    %add3A = arith.addf %get3A_4, %get3A_9 : vector<577x577xf32>
    %swap3A = arith.constant 0 : index
    %swap3A_10 = arith.constant 0 : index
    %swap3A_11 = arith.constant 0 : index
    %swap3A_12 = arith.constant 0 : index
    %swap3A_13 = vector.load %arg4[%swap3A, %swap3A_10, %swap3A_11, %swap3A_12] : memref<1x1x577x577xf32, #tpu.memory_space<vmem>>, vector<1x1x577x577xf32>
    %swap3A_14 = vector.shape_cast %swap3A_13 : vector<1x1x577x577xf32> to vector<577x577xf32>
    %swap3A_15 = vector.shape_cast %add3A : vector<577x577xf32> to vector<1x1x577x577xf32>
    tpu.vector_store %arg4[%swap3A, %swap3A_10, %swap3A_11, %swap3A_12], %swap3A_15 {strides = array<i32>} : memref<1x1x577x577xf32, #tpu.memory_space<vmem>>, vector<1x1x577x577xf32>,
    return
  }
  func.func @transform_0(%arg0: i32, %arg1: i32) -> (i32, i32, i32, i32) {
    %add3A = arith.constant 0 : i32
    %add3A_0 = arith.addi %add3A, %arg0 : i32
    %c0_i32 = arith.constant 0 : i32
    %c0_i32_1 = arith.constant 0 : i32
    %c0_i32_2 = arith.constant 0 : i32
    return %arg1, %add3A_0, %c0_i32, %c0_i32_1 : i32, i32, i32, i32
  }
  func.func @transform_1(%arg0: i32, %arg1: i32) -> (i32, i32, i32) {
    %c0_i32 = arith.constant 0 : i32
    %c0_i32_0 = arith.constant 0 : i32
    %c0_i32_1 = arith.constant 0 : i32
    return %arg0, %c0_i32, %c0_i32_0 : i32, i32, i32
  }
  func.func @transform_2(%arg0: i32, %arg1: i32) -> (i32, i32, i32, i32) {
    %add3A = arith.constant 0 : i32
    %add3A_0 = arith.addi %add3A, %arg0 : i32
    %c0_i32 = arith.constant 0 : i32
    %c0_i32_1 = arith.constant 0 : i32
    %c0_i32_2 = arith.constant 0 : i32
    return %arg1, %add3A_0, %c0_i32, %c0_i32_1 : i32, i32, i32, i32
  }
}

</mosaic_0001>

<sc_bundles>
// kernel: kernel.4.cloned.1.call-start
scs
__scs_entry_jumppad:
0x0: {  	(pc) =	sbr.rel $0x88, $3  }
0x1: {  	(tag) =	ssettag $0x0;
	lr =	simm.s32 $0x1  }
0x2: {  	[smem:$0x3F9F] =	sst lr;
	_ =	strace $0xD0000000  }
0x3: {  	_ = 	snop  }
0x4: {  	_ = 	snop  }
0x5: {  	_ = 	snop  }
0x6: {  	_ = 	snop  }
0x7: {  	_ = 	snop  }
__scs_overlays_trampoline_lowered:
0x8: {  	[smem:$0x3FAE] =	sst s0  }
0x9: {  	[smem:$0x3FAF] =	sst s1  }
0xa: {  	[smem:$0x3FB0] =	sst s2  }
0xb: {  	[smem:$0x3FB1] =	sst s3  }
0xc: {  	[smem:$0x3FB2] =	sst s4  }
0xd: {  	[smem:$0x3FB3] =	sst s5  }
0xe: {  	[smem:$0x3FB4] =	sst s6  }
0xf: {  	[smem:$0x3FB5] =	sst s7  }
0x10: {  	[smem:$0x3FB6] =	sst s8  }
0x11: {  	[smem:$0x3FB7] =	sst s9;
	s0 =	simm.s32 @!p0 $0x0  }
0x12: {  	s1 =	sld [smem:$0x3F9D];
	s0 =	simm.s32 @p0 $0x1  }
0x13: {  	[smem:$0x3FB8] =	sst s0;
	s0 =	simm.s32 @!p1 $0x0  }
0x14: {  	s2 =	sld [smem:$0x3F9C];
	s0 =	simm.s32 @p1 $0x1  }
0x15: {  	[smem:$0x3FB9] =	sst s0;
	s0 =	simm.s32 @!p2 $0x0  }
0x16: {  	s3 =	sld [smem:$0x3FDB];
	s0 =	simm.s32 @p2 $0x1  }
0x17: {  	s4 =	simm.s32 $0x1BF5;
	[smem:$0x3FBB] =	sst s0  }
0x18: {  	s0 =	sld [smem:$0x3F9E];
	_ =	swait.ge [sflag:s4], $0x0  }
0x19: {  	s7 =	sld [smem:$0x3F9F]  }
0x1a: {  	s8 =	sadd.s32 $0xFFFFE003, lr  }
0x1b: {  	s9 =	sadd.s32 $0xFFFFFEF7, lr;
	s5 =	simm.s32 $0xFFFFFFFF;
	p2 =	slt.u32 s8, $0xFFFFF086  }
0x1c: {  	p1 =	slt.u32 s9, $0xF7A;
	s5 =	simm.s32 @!p2 $0x0  }
0x1d: {  	s5 =	simm.s32 @p1 $0x1;
	p0 =	seq.s32 s7, s2  }
0x1e: {  	s7 =	smul.u32 @!p0 $0xF7A, s2;
	p2 =	seq.s32 @!p0 s5, $0x0  }
0x1f: {  	s9 =	smul.u32 $0xF7A, s1;
	s8 =	simm.s32 @!p0 $0x1BF5;
	p2 =	por !p2, p0  }
0x20: {  	[sflag:s8] =	ssyncset.s32 @!p0 $0xFFFFF086;
	s6 =	sadd.s32 @!p0 s3, s7;
	s7 =	simm.s32 @!p0 $0x108  }
0x21: {  	s3 =	sadd.s32 s3, s9;
	s6 =	sadd.s32 @!p0 $0x88, s6;
	s7 =	simm.s32 @p2 $0x1082  }
0x22: {  	[simem:s7], [sflag:s8] =	dma.local @!p0 [hbm:s6], $0xF7A  }
0x23: {  	s9 =	sor.u32 $0xD0000000, s2;
	s6 =	simm.s32 $0x108;
	_ =	swait.ge @!p0 [sflag:s8], $0x0  }
0x24: {  	s3 =	sadd.s32 $0x88, s3;
	s6 =	simm.s32 @!p1 $0x1082;
	[sflag:s4] =	ssyncset.s32 $0xFFFFF086  }
0x25: {  	[simem:s6], [sflag:s4] =	dma.local [hbm:s3], $0xF7A  }
0x26: {  	[smem:$0x3F9F] =	sst s1;
	(tag) =	ssettag s2;
	_ =	strace s9  }
0x27: {  	s1 =	sld [smem:$0x3FAF]  }
0x28: {  	s2 =	sld [smem:$0x3FB0]  }
0x29: {  	s4 =	sld [smem:$0x3FB2]  }
0x2a: {  	p0 =	seq.s32 s5, $0x0;
	s5 =	sld [smem:$0x3FB3]  }
0x2b: {  	s6 =	sld [smem:$0x3FB4]  }
0x2c: {  	s7 =	sld [smem:$0x3FB5]  }
0x2d: {  	s3 =	simm.s32 $0x108;
	s8 =	sld [smem:$0x3FB6]  }
0x2e: {  	s3 =	simm.s32 @!p0 $0x1082;
	s9 =	sld [smem:$0x3FB7]  }
0x2f: {  	lr =	sadd.s32 s0, s3;
	s0 =	sld [smem:$0x3FAE]  }
0x30: {  	s3 =	sld [smem:$0x3FB1]  }
0x31: {  	[smem:$0x3FBA] =	sst s10  }
0x32: {  	s10 =	sld [smem:$0x3FB8];
	_ =	sdelay $0x3  }
0x33: {  	p0 =	seq.s32 s10, $0x1;
	s10 =	sld [smem:$0x3FBA];
	_ =	sdelay $0x3  }
0x34: {  	[smem:$0x3FBA] =	sst s10  }
0x35: {  	s10 =	sld [smem:$0x3FB9];
	_ =	sdelay $0x3  }
0x36: {  	p1 =	seq.s32 s10, $0x1;
	s10 =	sld [smem:$0x3FBA];
	_ =	sdelay $0x3  }
0x37: {  	[smem:$0x3FBA] =	sst s10  }
0x38: {  	s10 =	sld [smem:$0x3FBB]  }
0x39: {  	_ = 	snop;
	(pc) =	sbr.ind lr, $3  }
0x3a: {  	_ = 	snop  }
0x3b: {  	_ = 	snop  }
0x3c: {  	p2 =	seq.s32 s10, $0x1;
	s10 =	sld [smem:$0x3FBA]  }
0x3d: {  	_ =	shalt  }
0x3e: {  	_ =	shalt  }
0x3f: {  	_ =	shalt  }
0x40: {  	_ =	shalt  }
0x41: {  	_ =	shalt  }
0x42: {  	_ =	shalt  }
0x43: {  	_ =	shalt  }
0x44: {  	_ =	shalt  }
0x45: {  	_ =	shalt  }
0x46: {  	_ =	shalt  }
0x47: {  	_ =	shalt  }
0x48: {  	_ =	shalt  }
0x49: {  	_ =	shalt  }
0x4a: {  	_ =	shalt  }
0x4b: {  	_ =	shalt  }
0x4c: {  	_ =	shalt  }
0x4d: {  	_ =	shalt  }
0x4e: {  	_ =	shalt  }
0x4f: {  	_ =	shalt  }
0x50: {  	_ =	shalt  }
0x51: {  	_ =	shalt  }
0x52: {  	_ =	shalt  }
0x53: {  	_ =	shalt  }
0x54: {  	_ =	shalt  }
0x55: {  	_ =	shalt  }
0x56: {  	_ =	shalt  }
0x57: {  	_ =	shalt  }
0x58: {  	_ =	shalt  }
0x59: {  	_ =	shalt  }
0x5a: {  	_ =	shalt  }
0x5b: {  	_ =	shalt  }
0x5c: {  	_ =	shalt  }
0x5d: {  	_ =	shalt  }
0x5e: {  	_ =	shalt  }
0x5f: {  	_ =	shalt  }
0x60: {  	_ =	shalt  }
0x61: {  	_ =	shalt  }
0x62: {  	_ =	shalt  }
0x63: {  	_ =	shalt  }
0x64: {  	_ =	shalt  }
0x65: {  	_ =	shalt  }
0x66: {  	_ =	shalt  }
0x67: {  	_ =	shalt  }
0x68: {  	_ =	shalt  }
0x69: {  	_ =	shalt  }
0x6a: {  	_ =	shalt  }
0x6b: {  	_ =	shalt  }
0x6c: {  	_ =	shalt  }
0x6d: {  	_ =	shalt  }
0x6e: {  	_ =	shalt  }
0x6f: {  	_ =	shalt  }
0x70: {  	_ =	shalt  }
0x71: {  	_ =	shalt  }
0x72: {  	_ =	shalt  }
0x73: {  	_ =	shalt  }
0x74: {  	_ =	shalt  }
0x75: {  	_ =	shalt  }
0x76: {  	_ =	shalt  }
0x77: {  	_ =	shalt  }
0x78: {  	_ =	shalt  }
0x79: {  	_ =	shalt  }
0x7a: {  	_ =	shalt  }
0x7b: {  	_ =	shalt  }
0x7c: {  	_ =	shalt  }
0x7d: {  	_ =	shalt  }
0x7e: {  	_ =	shalt  }
0x7f: {  	_ =	shalt  }
0x80: {  	_ =	shalt  }
0x81: {  	_ =	shalt  }
0x82: {  	_ =	shalt  }
0x83: {  	_ =	shalt  }
0x84: {  	_ =	shalt  }
0x85: {  	_ =	shalt  }
0x86: {  	_ =	shalt  }
0x87: {  	_ =	shalt  }
.Lfunc_end0:
.L_simem_size_0:
called_computation_lowered:
.L_overlay_start_0:
0x88: {  	s2 =	sld [smem:$0x3FD9]  }
0x89: {  	s3 =	sld [smem:$0x3FFE];
	_ =	sdelay $0x1  }
0x8a: {  	s1 =	srdreg.scid  }
0x8b: {  	s0 =	sand.u32 $0x1, s1  }
0x8c: {  	s17 =	sshll.u32 s0, $0xA;
	s2 =	sadd.s32 s3, s2  }
0x8d: {  	s2 =	sadd.s32 s2, s17  }
0x8e: {  	[smem:$0x3FC6] =	sst s2  }
0x8f: {  	_ = 	snop  }
0x90: {  	s2 =	sld [smem:$0x3FD0];
	(tm) =	ssettm $0x1  }
0x91: {  	s18 =	sld [smem:$0x3FFB];
	_ =	sdelay $0x3  }
0x92: {  	_ =	strace s18  }
0x93: {  	s3 =	sld [smem:$0x3FFC];
	_ =	sdelay $0x3  }
0x94: {  	_ =	strace s3  }
0x95: {  	s3 =	sld [smem:$0x3FFD];
	_ =	sdelay $0x3  }
0x96: {  	_ =	strace s3  }
0x97: {  	_ =	strace $0x8FFFFFFF  }
0x98: {  	s19 =	sld [smem:$0x3FDB];
	_ =	sdelay $0x1  }
0x99: {  	s4 =	simm.s32 $_scs_section_size  }
0x9a: {  	s5 =	simm.s32 $_size__tile_overlayer_lowered;
	s6 =	simm.s32 $_tile_overlayer_lowered  }
0x9b: {  	s22 =	simm.s32 $0x1BFF;
	s21 =	sshll.u32 s6, $0x1;
	s3 =	sadd.s32 s4, s19  }
0x9c: {  	s7 =	simm.s32 $0x0;
	s20 =	sshll.u32 s5, $0x1;
	s5 =	sadd.s32 s21, s3  }
0x9d: {  	[timem:s7], [sflag:s22] =	dma.local [hbm:s5], s20  }
0x9e: {  	_ =	swait.ge [sflag:s22], s20  }
0x9f: {  	s4 =	ssub.s32 $0x0, s20;
	[sflag:s22] =	ssyncset.done $0x0  }
0xa0: {  	[sflag:s22] =	ssyncadd.s32 s4;
	_ =	sdelay $0x1  }
0xa1: {  	s23 =	simm.s32 $0x1B8B  }
0xa2: {  	_ =	swait.ge [sflag:s23], $0x1  }
0xa3: {  	[sflag:s23] =	ssyncset.done $0x0  }
0xa4: {  	s25 =	simm.s32 $0x1B8E;
	s24 =	sld [smem:$0x3FFE];
	[sflag:s23] =	ssyncadd.s32 $0xFFFFFFFF  }
0xa5: {  	s26 =	simm.s32 $execute0_lowered;
	[smem:$0x3FD2] =	sst s25  }
0xa6: {  	s5 =	sshll.u32 s26, $0x1;
	_ =	strace $0x80000046;
	[dreg:$0x1] =	wrdreg $0xFFFFFFFF  }
0xa7: {  	s28 =	simm.s32 $_size_execute0_lowered;
	s3 =	sadd.s32 s3, s5;
	[dreg:$0x0] =	wrdreg $0x0  }
0xa8: {  	s5 =	sshll.u32 s28, $0x1;
	[dreg:$0x2] =	wrdreg s3  }
0xa9: {  	[dreg:$0x3] =	wrdreg s5  }
0xaa: {  	[dreg:$0x4] =	wrdreg $0xC0  }
0xab: {  	_ =	task [dreg:s7], $0x5FFFF  }
0xac: {  	[dreg:$0x1] =	wrdreg $0xFFFFFFFF  }
0xad: {  	[dreg:$0x0] =	wrdreg $0x60  }
0xae: {  	[dreg:$0x2] =	wrdreg s24  }
0xaf: {  	[dreg:$0x3] =	wrdreg s2  }
0xb0: {  	[dreg:$0x4] =	wrdreg $0x9  }
0xb1: {  	_ =	task.clear_ibuf [dreg:s7], $0x5FFFF;
	_ =	strace $0x90000046  }
0xb2: {  	s29 =	simm.s32 $0x9;
	_ =	strace $0x80000048  }
0xb3: {  	_ =	swait.ge [sflag:s29], $0x1  }
0xb4: {  	[sflag:s29] =	ssyncadd.s32 $0xFFFFFFFF  }
0xb5: {  	_ =	strace $0x90000048  }
0xb6: {  	_ =	sfence  }
0xb7: {  	s30 =	sld [smem:$0x0];
	_ =	sdelay $0x2  }
0xb8: {  	s31 =	sshll.u32 s1, $0xD;
	s1 =	sshrl.u32 s1, $0x2  }
0xb9: {  	s3 =	sand.u32 $0x4000, s31;
	s1 =	sadd.s32 s1, s30  }
0xba: {  	s0 =	sor.u32 s3, s0;
	s1 =	sshll.u32 s1, $0x11  }
0xbb: {  	s0 =	sor.u32 s1, s0  }
0xbc: {  	s0 =	sadd.s32 $0x8F2B, s0  }
0xbd: {  	[sflag:s0] =	ssyncadd.remote.s32 $0x1  }
0xbe: {  	_ =	sfence.sel $0xFFFF  }
0xbf: {  	[dreg:$0x0] =	wrdreg $0xFFFFFFFF;
	(pc) =	sbr.abs _section_cstart, $3  }
0xc0: {  	[dreg:$0x1] =	wrdreg $0xFFFFFFFF  }
0xc1: {  	_ =	task.clear_ibuf [dreg:s7], $0x2FFFF;
	_ =	strace $0x9FFFFFFF  }
0xc2: {  	(tm) =	ssettm $0x7FFFFFFF  }
0xc3: {  	_ =	shalt  }
tec
execute0_lowered:
.L_overlay_start_1:
0x0: {  	(tag) =	ssettag $0x1  }
0x1: {  	s1 =	srdreg.scid;
	s2 =	stileid.u32  }
0x2: {  	s0 =	rddreg [dreg:$0x0];
	s1 =	sand.u32 $0x1, s1;
	s2 =	sshll.u32 s2, $0x1  }
0x3: {  	s3 =	rddreg [dreg:$0x1];
	s4 =	sor.u32 s1, s2  }
0x4: {  	s25 =	sadd.s32 $0x400, s0;
	s5 =	smul.u32 $0x3, s4;
	s6 =	sshll.u32 s4, $0x1  }
0x5: {  	s0 =	sadd.s32 $0x1600, s0;
	p0 =	slt.u32 s4, $0x9;
	s4 =	sadd.s32 $0x9, s6  }
0x6: {  	s2 =	simm.s32 $0x0;
	s1 =	ssub.s32 $0x2, s1;
	s4 =	smov.u32 @p0 s5  }
0x7: {  	[smem:$0x7FF] =	sst s2;
	s5 =	sadd.s32 $0x2, s5;
	s26 =	smul.u32 $0x280, s4  }
0x8: {  	s7 =	sshrl.u32 s1, $0x1;
	s5 =	simm.s32 @!p0 $0x49;
	s4 =	smul.u32 $0x1400, s4  }
0x9: {  	_ =	strace $0x80000047;
	s1 =	ssub.s32 s1, s7;
	s8 =	smul.u32 $0x1400, s5  }
0xa: {  	[dreg:$0x3] =	wrdreg s25;
	s1 =	smax.u32 s1, $0x1;
	s5 =	smul.u32 $0x280, s5  }
0xb: {  	[dreg:$0x19] =	wrdreg s1;
	s6 =	sadd.s32 s0, s26  }
0xc: {  	s4 =	sshrl.u32 s4, $0x3;
	[dreg:$0x4] =	wrdreg s6;
	s0 =	sadd.s32 s0, s5  }
0xd: {  	s6 =	sadd.s32 s3, s4;
	[dreg:$0x6] =	wrdreg s0  }
0xe: {  	s29 =	sadd.s32 $0xB900, s6;
	[dreg:$0x5] =	wrdreg s6  }
0xf: {  	s31 =	sadd.s32 $0x17200, s6;
	[dreg:$0x8] =	wrdreg s29  }
0x10: {  	s5 =	sadd.s32 $0x22B00, s6;
	[dreg:$0xa] =	wrdreg s31  }
0x11: {  	s28 =	sshrl.u32 s8, $0x3;
	s8 =	sadd.s32 $0x2E400, s6;
	[dreg:$0xc] =	wrdreg s5  }
0x12: {  	s10 =	sadd.s32 $0x39D00, s6;
	[dreg:$0xe] =	wrdreg s8  }
0x13: {  	s12 =	sadd.s32 $0x45600, s6;
	[dreg:$0x10] =	wrdreg s10  }
0x14: {  	s14 =	sadd.s32 $0x50F00, s6;
	[dreg:$0x12] =	wrdreg s12  }
0x15: {  	s16 =	sadd.s32 $0x5C800, s6;
	[dreg:$0x14] =	wrdreg s14  }
0x16: {  	s18 =	sadd.s32 $0x68100, s6;
	[dreg:$0x16] =	wrdreg s16  }
0x17: {  	s20 =	sadd.s32 $0x73A00, s6;
	[dreg:$0x18] =	wrdreg s18  }
0x18: {  	s22 =	sadd.s32 $0x7F300, s6;
	[dreg:$0x1b] =	wrdreg s20  }
0x19: {  	s24 =	sadd.s32 $0x8AC00, s6;
	[dreg:$0x1d] =	wrdreg s22  }
0x1a: {  	s26 =	sadd.s32 $0x96500, s6;
	[dreg:$0x1f] =	wrdreg s24  }
0x1b: {  	s0 =	sadd.s32 s3, s28;
	[smem:$0x7F8] =	sst s26  }
0x1c: {  	s30 =	sadd.s32 $0xB900, s0;
	[dreg:$0x7] =	wrdreg s0  }
0x1d: {  	s4 =	sadd.s32 $0x17200, s0;
	[dreg:$0x9] =	wrdreg s30  }
0x1e: {  	s7 =	sadd.s32 $0x22B00, s0;
	[dreg:$0xb] =	wrdreg s4  }
0x1f: {  	s9 =	sadd.s32 $0x2E400, s0;
	[dreg:$0xd] =	wrdreg s7  }
0x20: {  	s11 =	sadd.s32 $0x39D00, s0;
	[dreg:$0xf] =	wrdreg s9  }
0x21: {  	s13 =	sadd.s32 $0x45600, s0;
	[dreg:$0x11] =	wrdreg s11  }
0x22: {  	s15 =	sadd.s32 $0x50F00, s0;
	[dreg:$0x13] =	wrdreg s13  }
0x23: {  	s17 =	sadd.s32 $0x5C800, s0;
	[dreg:$0x15] =	wrdreg s15  }
0x24: {  	s19 =	sadd.s32 $0x68100, s0;
	[dreg:$0x17] =	wrdreg s17  }
0x25: {  	s21 =	sadd.s32 $0x73A00, s0;
	[dreg:$0x1a] =	wrdreg s19  }
0x26: {  	s23 =	sadd.s32 $0x7F300, s0;
	[dreg:$0x1c] =	wrdreg s21  }
0x27: {  	s25 =	sadd.s32 $0x8AC00, s0;
	[dreg:$0x1e] =	wrdreg s23  }
0x28: {  	s28 =	sadd.s32 $0x96500, s0;
	[smem:$0x7F7] =	sst s25  }
0x29: {  	s29 =	sadd.s32 $0xA1E00, s6;
	[smem:$0x7F9] =	sst s28  }
0x2a: {  	s31 =	sadd.s32 $0xAD700, s6;
	[smem:$0x7FA] =	sst s29  }
0x2b: {  	s12 =	simm.s32 $0x1;
	s30 =	sadd.s32 $0xA1E00, s0;
	[smem:$0x7FC] =	sst s31  }
0x2c: {  	s22 =	simm.s32 $0x3;
	s0 =	sadd.s32 $0xAD700, s0;
	[smem:$0x7FB] =	sst s30  }
0x2d: {  	s21 =	simm.s32 $0x2;
	s23 =	simm.s32 $0x0;
	[smem:$0x7FD] =	sst s0  }
.LBB2_1:
0x2e: {  	s0 =	rddreg [dreg:$0x3];
	s28 =	simm.s32 $0x4  }
0x2f: {  	[tilespmem:s2], [sflag:$0x4] =	stream.linear.gather [hbm4b:s0+s2], $0x8A80, $0x38;
	[tilespmem:$0x1B680] =	vst v63  }
0x30: {  	_ =	swait.ge [sflag:s28], $0x8A80  }
0x31: {  	[sflag:s28] =	ssyncset.done $0x0  }
0x32: {  	s1 =	simm.s32 $0x8A80;
	s29 =	rddreg [dreg:$0x4];
	[sflag:s28] =	ssyncadd.s32 $0xFFFF7580  }
0x33: {  	[tilespmem:s1], [sflag:$0x1] =	stream.linear.gather [hbm4b:s29+s2], $0x2800, $0x38;
	[tilespmem:$0x1B680] =	vst v63  }
0x34: {  	s31 =	simm.s32 $0xB280;
	s30 =	rddreg [dreg:$0x6]  }
0x35: {  	[tilespmem:s31], [sflag:$0x1] =	stream.linear.gather [hbm4b:s30+s2], $0x1400, $0x38;
	[tilespmem:$0x1B680] =	vst v63  }
0x36: {  	_ =	swait.ge [sflag:s12], $0x2800  }
0x37: {  	[sflag:s12] =	ssyncset.done $0x0  }
0x38: {  	[sflag:s12] =	ssyncadd.s32 $0xFFFFD800  }
0x39: {  	_ =	swait.ge [sflag:s12], $0x1400  }
0x3a: {  	[sflag:s12] =	ssyncset.done $0x0  }
0x3b: {  	s24 =	simm.s32 $0x0;
	s25 =	simm.s32 $0x0;
	[sflag:s12] =	ssyncadd.s32 $0xFFFFEC00  }
.LBB2_2:
0x3c: {  	s0 =	simm.s32 $0x0;
	s1 =	sadd.s32 $0x0, s24  }
0x3d: {  	s1 =	sand.u32 $0xFF80, s1;
	s3 =	sand.u32 $0x40, s0  }
0x3e: {  	s4 =	sadd.s32 $0x8A80, s1;
	s6 =	sor.u32 $0x30, s3  }
0x3f: {  	s7 =	sor.u32 $0x10, s3;
	s1 =	sor.u32 s6, s4  }
0x40: {  	s15 =	simm.s32 $0x40;
	s16 =	sadd.s32 $0x40, s24;
	s13 =	sor.u32 s7, s4;
	v0 =	vld [tilespmem:s1+$0x0]  }
0x41: {  	s9 =	sand.u32 $0xFF80, s16;
	s5 =	sor.u32 s3, s4;
	v2 =	vld [tilespmem:s13+$0x0];
	s1 =	sor.u32 $0x20, s3  }
0x42: {  	s17 =	sadd.s32 $0x8A80, s9;
	v1 =	vld [tilespmem:s5+$0x0];
	s5 =	sand.u32 $0x40, s15;
	s4 =	sor.u32 s1, s4  }
0x43: {  	s11 =	sor.u32 $0x10, s5;
	s10 =	sor.u32 s5, s17;
	v4 =	vld [tilespmem:s4+$0x0]  }
0x44: {  	s9 =	sor.u32 $0x30, s5;
	v8 =	vld [tilespmem:s10+$0x0];
	s19 =	sor.u32 s11, s17  }
0x45: {  	s14 =	sshrl.u32 s25, $0x3;
	s30 =	sor.u32 $0x20, s5;
	s18 =	sor.u32 s9, s17;
	v9 =	vld [tilespmem:s19+$0x0]  }
0x46: {  	s26 =	smul.u32 $0x1400, s14;
	s14 =	sor.u32 s30, s17;
	v7 =	vld [tilespmem:s18+$0x0]  }
0x47: {  	v12 =	vld [tilespmem:s14+$0x0]  }
0x48: {  	v3 =	vld.idx.msk [tilespmem:v0+s2+$0x0], $0xffff  }
0x49: {  	s8 =	sshll.u32 s25, $0x7;
	s0 =	sand.u32 $0x1C00, s0;
	v0 =	vadd.s32 $0x8A4, v0;
	v6 =	vld.idx.msk [tilespmem:v2+s2+$0x0], $0xffff  }
0x4a: {  	s28 =	sand.u32 $0x380, s8;
	s0 =	sadd.s32 s26, s0;
	v5 =	vld.idx.msk [tilespmem:v1+s2+$0x0], $0xffff;
	v2 =	vadd.s32 $0x8A4, v2  }
0x4b: {  	s8 =	sor.u32 s28, s0;
	v10 =	vld.idx.msk [tilespmem:v4+s2+$0x0], $0xffff  }
0x4c: {  	s20 =	sor.u32 s6, s8;
	v11 =	vld.idx.msk [tilespmem:v8+s2+$0x0], $0xffff  }
0x4d: {  	s16 =	sadd.s32 $0x80, s24;
	s15 =	simm.s32 $0x80;
	s31 =	sor.u32 s7, s8;
	v1 =	vadd.s32 $0x8A4, v1;
	v14 =	vld.idx.msk [tilespmem:v9+s2+$0x0], $0xffff;
	[tilespmem:s20+$0xC680] =	vst v3  }
0x4e: {  	s29 =	sor.u32 s3, s8;
	s0 =	sand.u32 $0x40, s15;
	s4 =	sand.u32 $0xFF80, s16;
	[tilespmem:s31+$0xC680] =	vst v6;
	v0 =	vld.idx.msk [tilespmem:v0+s2+$0x0], $0xffff  }
0x4f: {  	s3 =	simm.s32 $0x200;
	s6 =	sor.u32 $0x30, s0;
	s17 =	sadd.s32 $0x8A80, s4;
	v13 =	vld.idx.msk [tilespmem:v2+s2+$0x0], $0xffff  }
0x50: {  	s18 =	sand.u32 $0x1C00, s3;
	s13 =	sor.u32 s6, s17;
	v2 =	vld.idx.msk [tilespmem:v7+s2+$0x0], $0xffff  }
0x51: {  	s1 =	sor.u32 s1, s8;
	s14 =	sadd.s32 s26, s18;
	[tilespmem:s29+$0xC680] =	vst v5;
	v3 =	vld [tilespmem:s13+$0x0];
	v7 =	vadd.s32 $0x8A4, v7  }
0x52: {  	s4 =	sor.u32 $0x10, s0;
	s15 =	sor.u32 s0, s17;
	s19 =	sor.u32 s28, s14;
	v1 =	vld.idx.msk [tilespmem:v1+s2+$0x0], $0xffff  }
0x53: {  	s10 =	sor.u32 s9, s19;
	s9 =	sor.u32 $0x20, s0;
	v8 =	vadd.s32 $0x8A4, v8;
	v5 =	vld [tilespmem:s15+$0x0];
	[tilespmem:s20+$0x10280] =	vst v0;
	s20 =	sor.u32 s4, s17  }
0x54: {  	s7 =	sor.u32 s9, s17;
	v15 =	vadd.s32 $0x8A4, v9;
	[tilespmem:s1+$0xC680] =	vst v10;
	v6 =	vld [tilespmem:s20+$0x0]  }
0x55: {  	s5 =	sor.u32 s5, s19;
	v9 =	vld [tilespmem:s7+$0x0];
	[tilespmem:s10+$0xC680] =	vst v2  }
0x56: {  	[tilespmem:s5+$0xC680] =	vst v11;
	v10 =	vld.idx.msk [tilespmem:v7+s2+$0x0], $0xffff  }
0x57: {  	v11 =	vld.idx.msk [tilespmem:v12+s2+$0x0], $0xffff;
	[tilespmem:s29+$0x10280] =	vst v1;
	s29 =	sor.u32 s11, s19  }
0x58: {  	v8 =	vld.idx.msk [tilespmem:v8+s2+$0x0], $0xffff;
	v2 =	vadd.s32 $0x8A4, v4;
	[tilespmem:s29+$0xC680] =	vst v14  }
0x59: {  	s8 =	sor.u32 s30, s19;
	s7 =	simm.s32 $0x8;
	v0 =	vadd.s32 $0x8A4, v12;
	[tilespmem:s31+$0x10280] =	vst v13;
	v4 =	vadd.s32 $0x8A4, v5;
	s11 =	simm.s32 $0xC0;
	v7 =	vld.idx.msk [tilespmem:v15+s2+$0x0], $0xffff;
	v1 =	vadd.s32 $0x8A4, v6  }
.LBB2_3:
0x5a: {  	s13 =	sadd.s32 s11, s24;
	s7 =	sadd.s32 $0x4, s7;
	v12 =	vld.idx.msk [tilespmem:v3+s2+$0x0], $0xffff;
	s3 =	sadd.s32 $0x200, s3  }
0x5b: {  	s14 =	sand.u32 $0x40, s11;
	s13 =	sand.u32 $0xFF80, s13;
	p0 =	slt.u32 s7, $0x24;
	v13 =	vld.idx.msk [tilespmem:v5+s2+$0x0], $0xffff;
	v5 =	vadd.s32 $0x8A4, v9;
	[tilespmem:s10+$0x10280] =	vst v10;
	v14 =	vmov v9  }
0x5c: {  	s15 =	sand.u32 $0x1C00, s3;
	v9 =	vadd.s32 $0x8A4, v3;
	s10 =	sadd.s32 $0x8A80, s13;
	s13 =	sor.u32 $0x30, s14;
	v15 =	vld.idx.msk [tilespmem:v6+s2+$0x0], $0xffff  }
0x5d: {  	s30 =	sor.u32 $0x10, s14;
	s15 =	sadd.s32 s26, s15;
	s31 =	sor.u32 s13, s10;
	[tilespmem:s8+$0xC680] =	vst v11;
	v16 =	vld.idx.msk [tilespmem:v2+s2+$0x0], $0xffff;
	v2 =	vmov v0;
	v0 =	vmov v5  }
0x5e: {  	s17 =	sor.u32 $0x20, s14;
	s16 =	sor.u32 s14, s10;
	s15 =	sor.u32 s28, s15;
	v3 =	vld [tilespmem:s31+$0x0];
	[tilespmem:s5+$0x10280] =	vst v8  }
0x5f: {  	s5 =	sor.u32 s30, s10;
	v5 =	vld [tilespmem:s16+$0x0];
	s16 =	sor.u32 s17, s10;
	s10 =	sor.u32 s6, s15;
	[tilespmem:s29+$0x10280] =	vst v7  }
0x60: {  	s29 =	sor.u32 s4, s15;
	v6 =	vld [tilespmem:s5+$0x0];
	s5 =	sor.u32 s0, s15;
	s15 =	sor.u32 s9, s15;
	[tilespmem:s10+$0xC680] =	vst v12  }
.Ltmp0:
0x61: {  	s6 =	smov.u32 s13;
	s0 =	smov.u32 s14;
	[tilespmem:s5+$0xC680] =	vst v13;
	v10 =	vld.idx.msk [tilespmem:v9+s2+$0x0], $0xffff;
	(pc) =	sbr.rel @p0 .LBB2_3-.Ltmp0, $4  }
0x62: {  	s4 =	smov.u32 s30;
	s9 =	smov.u32 s17;
	v9 =	vld [tilespmem:s16+$0x0];
	[tilespmem:s29+$0xC680] =	vst v15  }
0x63: {  	v11 =	vld.idx.msk [tilespmem:v14+s2+$0x0], $0xffff;
	[tilespmem:s1+$0x10280] =	vst v16;
	s1 =	smov.u32 s8;
	s8 =	smov.u32 s15  }
0x64: {  	v8 =	vld.idx.msk [tilespmem:v4+s2+$0x0], $0xffff;
	v4 =	vadd.s32 $0x8A4, v5  }
0x65: {  	s11 =	sadd.s32 $0x40, s11;
	v7 =	vld.idx.msk [tilespmem:v1+s2+$0x0], $0xffff;
	v1 =	vadd.s32 $0x8A4, v6  }
0x66: {  	_ =	sdelay $0x3  }
0x67: {  	v12 =	vld.idx.msk [tilespmem:v3+s2+$0x0], $0xffff;
	s3 =	sadd.s32 $0x200, s3  }
0x68: {  	v5 =	vld.idx.msk [tilespmem:v5+s2+$0x0], $0xffff;
	v60 =	vadd.s32 $0x8A4, v3;
	[tilespmem:s10+$0x10280] =	vst v10;
	s3 =	sand.u32 $0x1C00, s3  }
0x69: {  	v6 =	vld.idx.msk [tilespmem:v6+s2+$0x0], $0xffff;
	s3 =	sadd.s32 s26, s3;
	[tilespmem:s8+$0xC680] =	vst v11  }
0x6a: {  	v61 =	vld.idx.msk [tilespmem:v9+s2+$0x0], $0xffff;
	s3 =	sor.u32 s28, s3;
	[tilespmem:s5+$0x10280] =	vst v8  }
0x6b: {  	v2 =	vld.idx.msk [tilespmem:v2+s2+$0x0], $0xffff;
	v62 =	vadd.s32 $0x8A4, v9;
	s31 =	sor.u32 s6, s3;
	[tilespmem:s29+$0x10280] =	vst v7  }
0x6c: {  	v0 =	vld.idx.msk [tilespmem:v0+s2+$0x0], $0xffff;
	s0 =	sor.u32 s0, s3;
	[tilespmem:s31+$0xC680] =	vst v12  }
0x6d: {  	s4 =	sor.u32 s4, s3;
	[tilespmem:s0+$0xC680] =	vst v5;
	v3 =	vld.idx.msk [tilespmem:v60+s2+$0x0], $0xffff  }
0x6e: {  	s3 =	sor.u32 s9, s3;
	[tilespmem:s4+$0xC680] =	vst v6;
	v4 =	vld.idx.msk [tilespmem:v4+s2+$0x0], $0xffff  }
0x6f: {  	s25 =	sadd.s32 $0x1, s25;
	v1 =	vld.idx.msk [tilespmem:v1+s2+$0x0], $0xffff;
	[tilespmem:s3+$0xC680] =	vst v61  }
0x70: {  	p0 =	sne.s32 s25, $0x18;
	[tilespmem:s1+$0x10280] =	vst v2;
	v63 =	vld.idx.msk [tilespmem:v62+s2+$0x0], $0xffff  }
.Ltmp1:
0x71: {  	[tilespmem:s8+$0x10280] =	vst v0;
	(pc) =	sbr.rel @p0 .LBB2_2-.Ltmp1, $4  }
0x72: {  	[tilespmem:s31+$0x10280] =	vst v3  }
0x73: {  	[tilespmem:s0+$0x10280] =	vst v4  }
0x74: {  	[tilespmem:s4+$0x10280] =	vst v1  }
0x75: {  	s24 =	sadd.s32 $0x280, s24;
	[tilespmem:s3+$0x10280] =	vst v63  }
0x76: {  	s0 =	rddreg [dreg:$0x5]  }
0x77: {  	s24 =	simm.s32 $0x0;
	s1 =	simm.s32 $0xC680;
	s25 =	rddreg [dreg:$0x7]  }
0x78: {  	[hbm4b:s0+s24] =	stream.linear.scatter [tilespmem:s1], [sflag:$0x2], $0x2800, $0x38;
	[tilespmem:$0x1B680] =	vst v63  }
0x79: {  	s26 =	simm.s32 $0xEE80;
	s28 =	rddreg [dreg:$0x8]  }
0x7a: {  	[hbm4b:s25+s24] =	stream.linear.scatter [tilespmem:s26], [sflag:$0x2], $0x1400, $0x38;
	[tilespmem:$0x1B680] =	vst v63  }
0x7b: {  	s29 =	simm.s32 $0x10280;
	s30 =	rddreg [dreg:$0x9]  }
0x7c: {  	[hbm4b:s28+s24] =	stream.linear.scatter [tilespmem:s29], [sflag:$0x2], $0x2800, $0x38;
	[tilespmem:$0x1B680] =	vst v63  }
0x7d: {  	s31 =	simm.s32 $0x12A80;
	s25 =	simm.s32 $0x0;
	s26 =	simm.s32 $0x0  }
0x7e: {  	[hbm4b:s30+s24] =	stream.linear.scatter [tilespmem:s31], [sflag:$0x2], $0x1400, $0x38;
	[tilespmem:$0x1B680] =	vst v63  }
.LBB2_6:
0x7f: {  	s0 =	sadd.s32 $0x0, s25;
	s1 =	sand.u32 $0x40, s24  }
0x80: {  	s19 =	simm.s32 $0x40;
	s7 =	sadd.s32 $0x40, s25;
	s0 =	sand.u32 $0xFF80, s0  }
0x81: {  	s9 =	sshrl.u32 s26, $0x3;
	s3 =	sor.u32 $0x30, s1;
	s0 =	sadd.s32 $0x8A80, s0  }
0x82: {  	s13 =	sshll.u32 s26, $0x7;
	s14 =	sand.u32 $0x1C00, s24;
	s4 =	sor.u32 s3, s0  }
0x83: {  	s16 =	simm.s32 $0x80;
	s18 =	sor.u32 $0x10, s1;
	s17 =	sor.u32 s1, s0;
	v0 =	vld [tilespmem:s4+$0x0]  }
0x84: {  	s5 =	sor.u32 $0x20, s1;
	s7 =	sand.u32 $0xFF80, s7;
	s28 =	smul.u32 $0x1400, s9;
	v1 =	vld [tilespmem:s17+$0x0]  }
0x85: {  	s29 =	sand.u32 $0x380, s13;
	s31 =	sand.u32 $0x40, s16;
	s20 =	sadd.s32 $0x8A80, s7  }
0x86: {  	s6 =	sor.u32 s18, s0;
	s0 =	sor.u32 s5, s0;
	s9 =	sadd.s32 s28, s14  }
0x87: {  	v3 =	vld [tilespmem:s6+$0x0];
	s6 =	sand.u32 $0x40, s19;
	s9 =	sor.u32 s29, s9;
	s17 =	sadd.s32 $0x80, s25  }
0x88: {  	v4 =	vld [tilespmem:s0+$0x0];
	s7 =	sor.u32 $0x30, s6;
	s10 =	sor.u32 s6, s20;
	s11 =	sor.u32 $0x20, s6;
	v2 =	vadd.s32 $0x1148, v0  }
0x89: {  	s13 =	sor.u32 s1, s9;
	s1 =	sand.u32 $0xFF80, s17;
	s8 =	sor.u32 s7, s20;
	v8 =	vld [tilespmem:s10+$0x0];
	v5 =	vadd.s32 $0x1148, v1  }
0x8a: {  	s0 =	sor.u32 s11, s20;
	s14 =	sadd.s32 $0x8A80, s1;
	s1 =	sor.u32 $0x10, s31;
	v6 =	vld [tilespmem:s8+$0x0]  }
0x8b: {  	v11 =	vld [tilespmem:s0+$0x0];
	s19 =	sor.u32 s1, s14  }
0x8c: {  	v19 =	vld [tilespmem:s19+$0x0];
	v7 =	vadd.s32 $0x1148, v3  }
0x8d: {  	s8 =	sor.u32 $0x10, s6;
	v9 =	vadd.s32 $0x1148, v4;
	v2 =	vld.idx.msk [tilespmem:v2+s2+$0x0], $0xffff  }
0x8e: {  	s15 =	sor.u32 s8, s20;
	v0 =	vadd.s32 $0x19EC, v0;
	v5 =	vld.idx.msk [tilespmem:v5+s2+$0x0], $0xffff  }
0x8f: {  	v1 =	vadd.s32 $0x19EC, v1;
	v10 =	vld [tilespmem:s15+$0x0];
	s15 =	sor.u32 s31, s14  }
0x90: {  	v17 =	vld [tilespmem:s15+$0x0];
	v12 =	vadd.s32 $0x1148, v6  }
0x91: {  	s10 =	sor.u32 s3, s9;
	v7 =	vld.idx.msk [tilespmem:v7+s2+$0x0], $0xffff  }
0x92: {  	v9 =	vld.idx.msk [tilespmem:v9+s2+$0x0], $0xffff;
	[tilespmem:s10+$0x13E80] =	vst v2;
	v2 =	vadd.s32 $0x1148, v8  }
0x93: {  	[tilespmem:s13+$0x13E80] =	vst v5;
	v13 =	vld.idx.msk [tilespmem:v0+s2+$0x0], $0xffff  }
0x94: {  	s3 =	sor.u32 $0x30, s31;
	v5 =	vadd.s32 $0x1148, v10;
	v14 =	vld.idx.msk [tilespmem:v1+s2+$0x0], $0xffff  }
0x95: {  	s30 =	sor.u32 s18, s9;
	s18 =	sor.u32 s3, s14;
	v1 =	vld.idx.msk [tilespmem:v12+s2+$0x0], $0xffff  }
0x96: {  	s4 =	simm.s32 $0x200;
	s0 =	sor.u32 $0x20, s31;
	v16 =	vadd.s32 $0x1148, v11;
	v0 =	vld [tilespmem:s18+$0x0]  }
0x97: {  	s16 =	sand.u32 $0x1C00, s4;
	s14 =	sor.u32 s0, s14;
	v15 =	vld.idx.msk [tilespmem:v2+s2+$0x0], $0xffff;
	v2 =	vadd.s32 $0x19EC, v6  }
0x98: {  	s16 =	sadd.s32 s28, s16;
	s9 =	sor.u32 s5, s9;
	v18 =	vadd.s32 $0x19EC, v8;
	[tilespmem:s30+$0x13E80] =	vst v7;
	v6 =	vld [tilespmem:s14+$0x0]  }
0x99: {  	s20 =	sor.u32 s29, s16;
	[tilespmem:s9+$0x13E80] =	vst v9;
	v8 =	vld.idx.msk [tilespmem:v5+s2+$0x0], $0xffff;
	v5 =	vadd.s32 $0x19EC, v3  }
0x9a: {  	s7 =	sor.u32 s7, s20;
	v3 =	vadd.s32 $0x19EC, v4;
	[tilespmem:s10+$0x17A80] =	vst v13  }
0x9b: {  	[tilespmem:s7+$0x13E80] =	vst v1;
	v1 =	vadd.s32 $0x19EC, v10;
	s10 =	sor.u32 s6, s20;
	v12 =	vadd.s32 $0x1148, v0;
	v10 =	vld.idx.msk [tilespmem:v16+s2+$0x0], $0xffff  }
0x9c: {  	s5 =	simm.s32 $0x8;
	v7 =	vadd.s32 $0x1148, v19;
	v13 =	vadd.s32 $0x1148, v17;
	v9 =	vld.idx.msk [tilespmem:v2+s2+$0x0], $0xffff;
	[tilespmem:s10+$0x13E80] =	vst v15  }
0x9d: {  	v4 =	vadd.s32 $0x19EC, v17;
	[tilespmem:s13+$0x17A80] =	vst v14;
	s6 =	sor.u32 s8, s20;
	s8 =	sor.u32 s11, s20;
	v14 =	vadd.s32 $0x19EC, v19;
	s11 =	simm.s32 $0xC0;
	v2 =	vadd.s32 $0x19EC, v11;
	v11 =	vld.idx.msk [tilespmem:v18+s2+$0x0], $0xffff  }
.LBB2_7:
0x9e: {  	s13 =	sadd.s32 s11, s25;
	s5 =	sadd.s32 $0x4, s5;
	v15 =	vadd.s32 $0x1148, v6;
	v6 =	vadd.s32 $0x19EC, v6;
	v16 =	vld.idx.msk [tilespmem:v5+s2+$0x0], $0xffff;
	v5 =	vmovc v1;
	v1 =	vmov v14  }
0x9f: {  	s14 =	sand.u32 $0x40, s11;
	s13 =	sand.u32 $0xFF80, s13;
	p0 =	slt.u32 s5, $0x24;
	v14 =	vld.idx.msk [tilespmem:v3+s2+$0x0], $0xffff;
	v3 =	vmov v2;
	v2 =	vmov v6  }
0xa0: {  	s15 =	sor.u32 $0x10, s14;
	s16 =	sor.u32 $0x30, s14;
	s13 =	sadd.s32 $0x8A80, s13;
	v12 =	vld.idx.msk [tilespmem:v12+s2+$0x0], $0xffff;
	[tilespmem:s6+$0x13E80] =	vst v8  }
0xa1: {  	s4 =	sadd.s32 $0x200, s4;
	s17 =	sor.u32 $0x20, s14;
	s18 =	sor.u32 s16, s13;
	v13 =	vld.idx.msk [tilespmem:v13+s2+$0x0], $0xffff;
	[tilespmem:s7+$0x17A80] =	vst v9  }
0xa2: {  	s20 =	sand.u32 $0x1C00, s4;
	s7 =	sor.u32 s14, s13;
	s19 =	sor.u32 s15, s13;
	v9 =	vadd.s32 $0x19EC, v0;
	v0 =	vld [tilespmem:s18+$0x0];
	[tilespmem:s8+$0x13E80] =	vst v10  }
0xa3: {  	v10 =	vld [tilespmem:s7+$0x0];
	s7 =	sor.u32 s17, s13;
	s13 =	sadd.s32 s28, s20  }
0xa4: {  	[tilespmem:s10+$0x17A80] =	vst v11;
	s13 =	sor.u32 s29, s13  }
0xa5: {  	v11 =	vld [tilespmem:s19+$0x0];
	[tilespmem:s30+$0x17A80] =	vst v16;
	s30 =	smov.u32 s6;
	s10 =	sor.u32 s31, s13  }
.Ltmp2:
0xa6: {  	v6 =	vld [tilespmem:s7+$0x0];
	s6 =	sor.u32 s1, s13;
	s7 =	sor.u32 s3, s13;
	[tilespmem:s9+$0x17A80] =	vst v14;
	(pc) =	sbr.rel @p0 .LBB2_7-.Ltmp2, $4  }
0xa7: {  	s13 =	sor.u32 s0, s13;
	s31 =	smov.u32 s14;
	s1 =	smov.u32 s15;
	v8 =	vld.idx.msk [tilespmem:v7+s2+$0x0], $0xffff;
	[tilespmem:s7+$0x13E80] =	vst v12  }
0xa8: {  	s3 =	smov.u32 s16;
	s0 =	smov.u32 s17;
	s9 =	smov.u32 s8;
	v12 =	vadd.s32 $0x1148, v0;
	[tilespmem:s10+$0x13E80] =	vst v13;
	v9 =	vld.idx.msk [tilespmem:v9+s2+$0x0], $0xffff  }
0xa9: {  	s8 =	smov.u32 s13;
	v13 =	vadd.s32 $0x1148, v10;
	v16 =	vadd.s32 $0x19EC, v10;
	v10 =	vld.idx.msk [tilespmem:v15+s2+$0x0], $0xffff  }
0xaa: {  	s11 =	sadd.s32 $0x40, s11;
	v7 =	vadd.s32 $0x1148, v11;
	v14 =	vadd.s32 $0x19EC, v11;
	v11 =	vld.idx.msk [tilespmem:v4+s2+$0x0], $0xffff;
	v4 =	vmov v16  }
0xab: {  	_ =	sdelay $0x3  }
0xac: {  	v15 =	vadd.s32 $0x1148, v6;
	v12 =	vld.idx.msk [tilespmem:v12+s2+$0x0], $0xffff;
	s4 =	sadd.s32 $0x200, s4  }
0xad: {  	v59 =	vld.idx.msk [tilespmem:v13+s2+$0x0], $0xffff;
	[tilespmem:s6+$0x13E80] =	vst v8;
	s4 =	sand.u32 $0x1C00, s4  }
0xae: {  	v5 =	vld.idx.msk [tilespmem:v5+s2+$0x0], $0xffff;
	[tilespmem:s7+$0x17A80] =	vst v9;
	s4 =	sadd.s32 s28, s4  }
0xaf: {  	v0 =	vadd.s32 $0x19EC, v0;
	v3 =	vld.idx.msk [tilespmem:v3+s2+$0x0], $0xffff;
	[tilespmem:s8+$0x13E80] =	vst v10;
	s4 =	sor.u32 s29, s4  }
0xb0: {  	v7 =	vld.idx.msk [tilespmem:v7+s2+$0x0], $0xffff;
	[tilespmem:s10+$0x17A80] =	vst v11;
	s3 =	sor.u32 s3, s4  }
0xb1: {  	s5 =	sor.u32 s31, s4;
	[tilespmem:s3+$0x13E80] =	vst v12;
	v60 =	vld.idx.msk [tilespmem:v15+s2+$0x0], $0xffff  }
0xb2: {  	v61 =	vadd.s32 $0x19EC, v6;
	v1 =	vld.idx.msk [tilespmem:v1+s2+$0x0], $0xffff;
	[tilespmem:s5+$0x13E80] =	vst v59  }
0xb3: {  	v2 =	vld.idx.msk [tilespmem:v2+s2+$0x0], $0xffff;
	[tilespmem:s30+$0x17A80] =	vst v5  }
0xb4: {  	s1 =	sor.u32 s1, s4;
	[tilespmem:s9+$0x17A80] =	vst v3;
	v0 =	vld.idx.msk [tilespmem:v0+s2+$0x0], $0xffff  }
0xb5: {  	s0 =	sor.u32 s0, s4;
	[tilespmem:s1+$0x13E80] =	vst v7;
	v4 =	vld.idx.msk [tilespmem:v4+s2+$0x0], $0xffff  }
0xb6: {  	s26 =	sadd.s32 $0x1, s26;
	v62 =	vld.idx.msk [tilespmem:v14+s2+$0x0], $0xffff;
	[tilespmem:s0+$0x13E80] =	vst v60  }
0xb7: {  	p0 =	sne.s32 s26, $0x18;
	[tilespmem:s6+$0x17A80] =	vst v1;
	v63 =	vld.idx.msk [tilespmem:v61+s2+$0x0], $0xffff  }
.Ltmp3:
0xb8: {  	[tilespmem:s8+$0x17A80] =	vst v2;
	(pc) =	sbr.rel @p0 .LBB2_6-.Ltmp3, $4  }
0xb9: {  	[tilespmem:s3+$0x17A80] =	vst v0  }
0xba: {  	[tilespmem:s5+$0x17A80] =	vst v4  }
0xbb: {  	[tilespmem:s1+$0x17A80] =	vst v62  }
0xbc: {  	s25 =	sadd.s32 $0x280, s25;
	[tilespmem:s0+$0x17A80] =	vst v63  }
0xbd: {  	s24 =	simm.s32 $0x0;
	s0 =	rddreg [dreg:$0xa];
	s1 =	simm.s32 $0x13E80  }
0xbe: {  	[hbm4b:s0+s24] =	stream.linear.scatter [tilespmem:s1], [sflag:$0x3], $0x2800, $0x38;
	[tilespmem:$0x1B680] =	vst v63  }
0xbf: {  	s25 =	rddreg [dreg:$0xb];
	s26 =	simm.s32 $0x16680  }
0xc0: {  	[hbm4b:s25+s24] =	stream.linear.scatter [tilespmem:s26], [sflag:$0x3], $0x1400, $0x38;
	[tilespmem:$0x1B680] =	vst v63  }
0xc1: {  	s28 =	rddreg [dreg:$0xc];
	s29 =	simm.s32 $0x17A80  }
0xc2: {  	[hbm4b:s28+s24] =	stream.linear.scatter [tilespmem:s29], [sflag:$0x3], $0x2800, $0x38;
	[tilespmem:$0x1B680] =	vst v63  }
0xc3: {  	s30 =	rddreg [dreg:$0xd];
	s31 =	simm.s32 $0x1A280  }
0xc4: {  	[hbm4b:s30+s24] =	stream.linear.scatter [tilespmem:s31], [sflag:$0x3], $0x1400, $0x38;
	[tilespmem:$0x1B680] =	vst v63  }
0xc5: {  	_ =	swait.ge [sflag:s21], $0x2800  }
0xc6: {  	[sflag:s21] =	ssyncset.done $0x0  }
0xc7: {  	[sflag:s21] =	ssyncadd.s32 $0xFFFFD800  }
0xc8: {  	_ =	swait.ge [sflag:s21], $0x1400  }
0xc9: {  	[sflag:s21] =	ssyncset.done $0x0  }
0xca: {  	[sflag:s21] =	ssyncadd.s32 $0xFFFFEC00  }
0xcb: {  	_ =	swait.ge [sflag:s21], $0x2800  }
0xcc: {  	[sflag:s21] =	ssyncset.done $0x0  }
0xcd: {  	[sflag:s21] =	ssyncadd.s32 $0xFFFFD800  }
0xce: {  	_ =	swait.ge [sflag:s21], $0x1400  }
0xcf: {  	[sflag:s21] =	ssyncset.done $0x0  }
0xd0: {  	s25 =	simm.s32 $0x0;
	s26 =	simm.s32 $0x0;
	[sflag:s21] =	ssyncadd.s32 $0xFFFFEC00  }
.LBB2_10:
0xd1: {  	s0 =	sadd.s32 $0x0, s25;
	s1 =	sand.u32 $0x40, s24  }
0xd2: {  	s19 =	simm.s32 $0x40;
	s7 =	sadd.s32 $0x40, s25;
	s0 =	sand.u32 $0xFF80, s0  }
0xd3: {  	s9 =	sshrl.u32 s26, $0x3;
	s3 =	sor.u32 $0x30, s1;
	s0 =	sadd.s32 $0x8A80, s0  }
0xd4: {  	s13 =	sshll.u32 s26, $0x7;
	s14 =	sand.u32 $0x1C00, s24;
	s4 =	sor.u32 s3, s0  }
0xd5: {  	s16 =	simm.s32 $0x80;
	s18 =	sor.u32 $0x10, s1;
	s17 =	sor.u32 s1, s0;
	v0 =	vld [tilespmem:s4+$0x0]  }
0xd6: {  	s5 =	sor.u32 $0x20, s1;
	s7 =	sand.u32 $0xFF80, s7;
	s28 =	smul.u32 $0x1400, s9;
	v1 =	vld [tilespmem:s17+$0x0]  }
0xd7: {  	s29 =	sand.u32 $0x380, s13;
	s31 =	sand.u32 $0x40, s16;
	s20 =	sadd.s32 $0x8A80, s7  }
0xd8: {  	s6 =	sor.u32 s18, s0;
	s0 =	sor.u32 s5, s0;
	s9 =	sadd.s32 s28, s14  }
0xd9: {  	v3 =	vld [tilespmem:s6+$0x0];
	s6 =	sand.u32 $0x40, s19;
	s9 =	sor.u32 s29, s9;
	s17 =	sadd.s32 $0x80, s25  }
0xda: {  	v4 =	vld [tilespmem:s0+$0x0];
	s7 =	sor.u32 $0x30, s6;
	s10 =	sor.u32 s6, s20;
	s11 =	sor.u32 $0x20, s6;
	v2 =	vadd.s32 $0x2290, v0  }
0xdb: {  	s13 =	sor.u32 s1, s9;
	s1 =	sand.u32 $0xFF80, s17;
	s8 =	sor.u32 s7, s20;
	v8 =	vld [tilespmem:s10+$0x0];
	v5 =	vadd.s32 $0x2290, v1  }
0xdc: {  	s0 =	sor.u32 s11, s20;
	s14 =	sadd.s32 $0x8A80, s1;
	s1 =	sor.u32 $0x10, s31;
	v6 =	vld [tilespmem:s8+$0x0]  }
0xdd: {  	v11 =	vld [tilespmem:s0+$0x0];
	s19 =	sor.u32 s1, s14  }
0xde: {  	v19 =	vld [tilespmem:s19+$0x0];
	v7 =	vadd.s32 $0x2290, v3  }
0xdf: {  	s8 =	sor.u32 $0x10, s6;
	v9 =	vadd.s32 $0x2290, v4;
	v2 =	vld.idx.msk [tilespmem:v2+s2+$0x0], $0xffff  }
0xe0: {  	s15 =	sor.u32 s8, s20;
	v0 =	vadd.s32 $0x2B34, v0;
	v5 =	vld.idx.msk [tilespmem:v5+s2+$0x0], $0xffff  }
0xe1: {  	v1 =	vadd.s32 $0x2B34, v1;
	v10 =	vld [tilespmem:s15+$0x0];
	s15 =	sor.u32 s31, s14  }
0xe2: {  	v17 =	vld [tilespmem:s15+$0x0];
	v12 =	vadd.s32 $0x2290, v6  }
0xe3: {  	s10 =	sor.u32 s3, s9;
	v7 =	vld.idx.msk [tilespmem:v7+s2+$0x0], $0xffff  }
0xe4: {  	v9 =	vld.idx.msk [tilespmem:v9+s2+$0x0], $0xffff;
	[tilespmem:s10+$0xC680] =	vst v2;
	v2 =	vadd.s32 $0x2290, v8  }
0xe5: {  	[tilespmem:s13+$0xC680] =	vst v5;
	v13 =	vld.idx.msk [tilespmem:v0+s2+$0x0], $0xffff  }
0xe6: {  	s3 =	sor.u32 $0x30, s31;
	v5 =	vadd.s32 $0x2290, v10;
	v14 =	vld.idx.msk [tilespmem:v1+s2+$0x0], $0xffff  }
0xe7: {  	s30 =	sor.u32 s18, s9;
	s18 =	sor.u32 s3, s14;
	v1 =	vld.idx.msk [tilespmem:v12+s2+$0x0], $0xffff  }
0xe8: {  	s4 =	simm.s32 $0x200;
	s0 =	sor.u32 $0x20, s31;
	v16 =	vadd.s32 $0x2290, v11;
	v0 =	vld [tilespmem:s18+$0x0]  }
0xe9: {  	s16 =	sand.u32 $0x1C00, s4;
	s14 =	sor.u32 s0, s14;
	v15 =	vld.idx.msk [tilespmem:v2+s2+$0x0], $0xffff;
	v2 =	vadd.s32 $0x2B34, v6  }
0xea: {  	s16 =	sadd.s32 s28, s16;
	s9 =	sor.u32 s5, s9;
	v18 =	vadd.s32 $0x2B34, v8;
	[tilespmem:s30+$0xC680] =	vst v7;
	v6 =	vld [tilespmem:s14+$0x0]  }
0xeb: {  	s20 =	sor.u32 s29, s16;
	[tilespmem:s9+$0xC680] =	vst v9;
	v8 =	vld.idx.msk [tilespmem:v5+s2+$0x0], $0xffff;
	v5 =	vadd.s32 $0x2B34, v3  }
0xec: {  	s7 =	sor.u32 s7, s20;
	v3 =	vadd.s32 $0x2B34, v4;
	[tilespmem:s10+$0x10280] =	vst v13  }
0xed: {  	[tilespmem:s7+$0xC680] =	vst v1;
	v1 =	vadd.s32 $0x2B34, v10;
	s10 =	sor.u32 s6, s20;
	v12 =	vadd.s32 $0x2290, v0;
	v10 =	vld.idx.msk [tilespmem:v16+s2+$0x0], $0xffff  }
0xee: {  	s5 =	simm.s32 $0x8;
	v7 =	vadd.s32 $0x2290, v19;
	v13 =	vadd.s32 $0x2290, v17;
	v9 =	vld.idx.msk [tilespmem:v2+s2+$0x0], $0xffff;
	[tilespmem:s10+$0xC680] =	vst v15  }
0xef: {  	v4 =	vadd.s32 $0x2B34, v17;
	[tilespmem:s13+$0x10280] =	vst v14;
	s6 =	sor.u32 s8, s20;
	s8 =	sor.u32 s11, s20;
	v14 =	vadd.s32 $0x2B34, v19;
	s11 =	simm.s32 $0xC0;
	v2 =	vadd.s32 $0x2B34, v11;
	v11 =	vld.idx.msk [tilespmem:v18+s2+$0x0], $0xffff  }
.LBB2_11:
0xf0: {  	s13 =	sadd.s32 s11, s25;
	s5 =	sadd.s32 $0x4, s5;
	v15 =	vadd.s32 $0x2290, v6;
	v6 =	vadd.s32 $0x2B34, v6;
	v16 =	vld.idx.msk [tilespmem:v5+s2+$0x0], $0xffff;
	v5 =	vmovc v1;
	v1 =	vmov v14  }
0xf1: {  	s14 =	sand.u32 $0x40, s11;
	s13 =	sand.u32 $0xFF80, s13;
	p0 =	slt.u32 s5, $0x24;
	v14 =	vld.idx.msk [tilespmem:v3+s2+$0x0], $0xffff;
	v3 =	vmov v2;
	v2 =	vmov v6  }
0xf2: {  	s15 =	sor.u32 $0x10, s14;
	s16 =	sor.u32 $0x30, s14;
	s13 =	sadd.s32 $0x8A80, s13;
	v12 =	vld.idx.msk [tilespmem:v12+s2+$0x0], $0xffff;
	[tilespmem:s6+$0xC680] =	vst v8  }
0xf3: {  	s4 =	sadd.s32 $0x200, s4;
	s17 =	sor.u32 $0x20, s14;
	s18 =	sor.u32 s16, s13;
	v13 =	vld.idx.msk [tilespmem:v13+s2+$0x0], $0xffff;
	[tilespmem:s7+$0x10280] =	vst v9  }
0xf4: {  	s20 =	sand.u32 $0x1C00, s4;
	s7 =	sor.u32 s14, s13;
	s19 =	sor.u32 s15, s13;
	v9 =	vadd.s32 $0x2B34, v0;
	v0 =	vld [tilespmem:s18+$0x0];
	[tilespmem:s8+$0xC680] =	vst v10  }
0xf5: {  	v10 =	vld [tilespmem:s7+$0x0];
	s7 =	sor.u32 s17, s13;
	s13 =	sadd.s32 s28, s20  }
0xf6: {  	[tilespmem:s10+$0x10280] =	vst v11;
	s13 =	sor.u32 s29, s13  }
0xf7: {  	v11 =	vld [tilespmem:s19+$0x0];
	[tilespmem:s30+$0x10280] =	vst v16;
	s30 =	smov.u32 s6;
	s10 =	sor.u32 s31, s13  }
.Ltmp4:
0xf8: {  	v6 =	vld [tilespmem:s7+$0x0];
	s6 =	sor.u32 s1, s13;
	s7 =	sor.u32 s3, s13;
	[tilespmem:s9+$0x10280] =	vst v14;
	(pc) =	sbr.rel @p0 .LBB2_11-.Ltmp4, $4  }
0xf9: {  	s13 =	sor.u32 s0, s13;
	s31 =	smov.u32 s14;
	s1 =	smov.u32 s15;
	v8 =	vld.idx.msk [tilespmem:v7+s2+$0x0], $0xffff;
	[tilespmem:s7+$0xC680] =	vst v12  }
0xfa: {  	s3 =	smov.u32 s16;
	s0 =	smov.u32 s17;
	s9 =	smov.u32 s8;
	v12 =	vadd.s32 $0x2290, v0;
	[tilespmem:s10+$0xC680] =	vst v13;
	v9 =	vld.idx.msk [tilespmem:v9+s2+$0x0], $0xffff  }
0xfb: {  	s8 =	smov.u32 s13;
	v13 =	vadd.s32 $0x2290, v10;
	v16 =	vadd.s32 $0x2B34, v10;
	v10 =	vld.idx.msk [tilespmem:v15+s2+$0x0], $0xffff  }
0xfc: {  	s11 =	sadd.s32 $0x40, s11;
	v7 =	vadd.s32 $0x2290, v11;
	v14 =	vadd.s32 $0x2B34, v11;
	v11 =	vld.idx.msk [tilespmem:v4+s2+$0x0], $0xffff;
	v4 =	vmov v16  }
0xfd: {  	_ =	sdelay $0x3  }
0xfe: {  	v15 =	vadd.s32 $0x2290, v6;
	v12 =	vld.idx.msk [tilespmem:v12+s2+$0x0], $0xffff;
	s4 =	sadd.s32 $0x200, s4  }
0xff: {  	v59 =	vld.idx.msk [tilespmem:v13+s2+$0x0], $0xffff;
	[tilespmem:s6+$0xC680] =	vst v8;
	s4 =	sand.u32 $0x1C00, s4  }
0x100: {  	v5 =	vld.idx.msk [tilespmem:v5+s2+$0x0], $0xffff;
	[tilespmem:s7+$0x10280] =	vst v9;
	s4 =	sadd.s32 s28, s4  }
0x101: {  	v0 =	vadd.s32 $0x2B34, v0;
	v3 =	vld.idx.msk [tilespmem:v3+s2+$0x0], $0xffff;
	[tilespmem:s8+$0xC680] =	vst v10;
	s4 =	sor.u32 s29, s4  }
0x102: {  	v7 =	vld.idx.msk [tilespmem:v7+s2+$0x0], $0xffff;
	[tilespmem:s10+$0x10280] =	vst v11;
	s3 =	sor.u32 s3, s4  }
0x103: {  	s5 =	sor.u32 s31, s4;
	[tilespmem:s3+$0xC680] =	vst v12;
	v60 =	vld.idx.msk [tilespmem:v15+s2+$0x0], $0xffff  }
0x104: {  	v61 =	vadd.s32 $0x2B34, v6;
	v1 =	vld.idx.msk [tilespmem:v1+s2+$0x0], $0xffff;
	[tilespmem:s5+$0xC680] =	vst v59  }
0x105: {  	v2 =	vld.idx.msk [tilespmem:v2+s2+$0x0], $0xffff;
	[tilespmem:s30+$0x10280] =	vst v5  }
0x106: {  	s1 =	sor.u32 s1, s4;
	[tilespmem:s9+$0x10280] =	vst v3;
	v0 =	vld.idx.msk [tilespmem:v0+s2+$0x0], $0xffff  }
0x107: {  	s0 =	sor.u32 s0, s4;
	[tilespmem:s1+$0xC680] =	vst v7;
	v4 =	vld.idx.msk [tilespmem:v4+s2+$0x0], $0xffff  }
0x108: {  	s26 =	sadd.s32 $0x1, s26;
	v62 =	vld.idx.msk [tilespmem:v14+s2+$0x0], $0xffff;
	[tilespmem:s0+$0xC680] =	vst v60  }
0x109: {  	p0 =	sne.s32 s26, $0x18;
	[tilespmem:s6+$0x10280] =	vst v1;
	v63 =	vld.idx.msk [tilespmem:v61+s2+$0x0], $0xffff  }
.Ltmp5:
0x10a: {  	[tilespmem:s8+$0x10280] =	vst v2;
	(pc) =	sbr.rel @p0 .LBB2_10-.Ltmp5, $4  }
0x10b: {  	[tilespmem:s3+$0x10280] =	vst v0  }
0x10c: {  	[tilespmem:s5+$0x10280] =	vst v4  }
0x10d: {  	[tilespmem:s1+$0x10280] =	vst v62  }
0x10e: {  	s25 =	sadd.s32 $0x280, s25;
	[tilespmem:s0+$0x10280] =	vst v63  }
0x10f: {  	s24 =	simm.s32 $0x0;
	s0 =	rddreg [dreg:$0xe];
	s1 =	simm.s32 $0xC680  }
0x110: {  	[hbm4b:s0+s24] =	stream.linear.scatter [tilespmem:s1], [sflag:$0x2], $0x2800, $0x38;
	[tilespmem:$0x1B680] =	vst v63  }
0x111: {  	s25 =	rddreg [dreg:$0xf];
	s26 =	simm.s32 $0xEE80  }
0x112: {  	[hbm4b:s25+s24] =	stream.linear.scatter [tilespmem:s26], [sflag:$0x2], $0x1400, $0x38;
	[tilespmem:$0x1B680] =	vst v63  }
0x113: {  	s28 =	rddreg [dreg:$0x10];
	s29 =	simm.s32 $0x10280  }
0x114: {  	[hbm4b:s28+s24] =	stream.linear.scatter [tilespmem:s29], [sflag:$0x2], $0x2800, $0x38;
	[tilespmem:$0x1B680] =	vst v63  }
0x115: {  	s30 =	rddreg [dreg:$0x11];
	s31 =	simm.s32 $0x12A80  }
0x116: {  	[hbm4b:s30+s24] =	stream.linear.scatter [tilespmem:s31], [sflag:$0x2], $0x1400, $0x38;
	[tilespmem:$0x1B680] =	vst v63  }
0x117: {  	_ =	swait.ge [sflag:s22], $0x2800  }
0x118: {  	[sflag:s22] =	ssyncset.done $0x0  }
0x119: {  	[sflag:s22] =	ssyncadd.s32 $0xFFFFD800  }
0x11a: {  	_ =	swait.ge [sflag:s22], $0x1400  }
0x11b: {  	[sflag:s22] =	ssyncset.done $0x0  }
0x11c: {  	[sflag:s22] =	ssyncadd.s32 $0xFFFFEC00  }
0x11d: {  	_ =	swait.ge [sflag:s22], $0x2800  }
0x11e: {  	[sflag:s22] =	ssyncset.done $0x0  }
0x11f: {  	[sflag:s22] =	ssyncadd.s32 $0xFFFFD800  }
0x120: {  	_ =	swait.ge [sflag:s22], $0x1400  }
0x121: {  	[sflag:s22] =	ssyncset.done $0x0  }
0x122: {  	s25 =	simm.s32 $0x0;
	s26 =	simm.s32 $0x0;
	[sflag:s22] =	ssyncadd.s32 $0xFFFFEC00  }
.LBB2_14:
0x123: {  	s0 =	sadd.s32 $0x0, s25;
	s1 =	sand.u32 $0x40, s24  }
0x124: {  	s19 =	simm.s32 $0x40;
	s7 =	sadd.s32 $0x40, s25;
	s0 =	sand.u32 $0xFF80, s0  }
0x125: {  	s9 =	sshrl.u32 s26, $0x3;
	s3 =	sor.u32 $0x30, s1;
	s0 =	sadd.s32 $0x8A80, s0  }
0x126: {  	s13 =	sshll.u32 s26, $0x7;
	s14 =	sand.u32 $0x1C00, s24;
	s4 =	sor.u32 s3, s0  }
0x127: {  	s16 =	simm.s32 $0x80;
	s18 =	sor.u32 $0x10, s1;
	s17 =	sor.u32 s1, s0;
	v0 =	vld [tilespmem:s4+$0x0]  }
0x128: {  	s5 =	sor.u32 $0x20, s1;
	s7 =	sand.u32 $0xFF80, s7;
	s28 =	smul.u32 $0x1400, s9;
	v1 =	vld [tilespmem:s17+$0x0]  }
0x129: {  	s29 =	sand.u32 $0x380, s13;
	s31 =	sand.u32 $0x40, s16;
	s20 =	sadd.s32 $0x8A80, s7  }
0x12a: {  	s6 =	sor.u32 s18, s0;
	s0 =	sor.u32 s5, s0;
	s9 =	sadd.s32 s28, s14  }
0x12b: {  	v3 =	vld [tilespmem:s6+$0x0];
	s6 =	sand.u32 $0x40, s19;
	s9 =	sor.u32 s29, s9;
	s17 =	sadd.s32 $0x80, s25  }
0x12c: {  	v4 =	vld [tilespmem:s0+$0x0];
	s7 =	sor.u32 $0x30, s6;
	s10 =	sor.u32 s6, s20;
	s11 =	sor.u32 $0x20, s6;
	v2 =	vadd.s32 $0x33D8, v0  }
0x12d: {  	s13 =	sor.u32 s1, s9;
	s1 =	sand.u32 $0xFF80, s17;
	s8 =	sor.u32 s7, s20;
	v8 =	vld [tilespmem:s10+$0x0];
	v5 =	vadd.s32 $0x33D8, v1  }
0x12e: {  	s0 =	sor.u32 s11, s20;
	s14 =	sadd.s32 $0x8A80, s1;
	s1 =	sor.u32 $0x10, s31;
	v6 =	vld [tilespmem:s8+$0x0]  }
0x12f: {  	v11 =	vld [tilespmem:s0+$0x0];
	s19 =	sor.u32 s1, s14  }
0x130: {  	v19 =	vld [tilespmem:s19+$0x0];
	v7 =	vadd.s32 $0x33D8, v3  }
0x131: {  	s8 =	sor.u32 $0x10, s6;
	v9 =	vadd.s32 $0x33D8, v4;
	v2 =	vld.idx.msk [tilespmem:v2+s2+$0x0], $0xffff  }
0x132: {  	s15 =	sor.u32 s8, s20;
	v0 =	vadd.s32 $0x3C7C, v0;
	v5 =	vld.idx.msk [tilespmem:v5+s2+$0x0], $0xffff  }
0x133: {  	v1 =	vadd.s32 $0x3C7C, v1;
	v10 =	vld [tilespmem:s15+$0x0];
	s15 =	sor.u32 s31, s14  }
0x134: {  	v17 =	vld [tilespmem:s15+$0x0];
	v12 =	vadd.s32 $0x33D8, v6  }
0x135: {  	s10 =	sor.u32 s3, s9;
	v7 =	vld.idx.msk [tilespmem:v7+s2+$0x0], $0xffff  }
0x136: {  	v9 =	vld.idx.msk [tilespmem:v9+s2+$0x0], $0xffff;
	[tilespmem:s10+$0x13E80] =	vst v2;
	v2 =	vadd.s32 $0x33D8, v8  }
0x137: {  	[tilespmem:s13+$0x13E80] =	vst v5;
	v13 =	vld.idx.msk [tilespmem:v0+s2+$0x0], $0xffff  }
0x138: {  	s3 =	sor.u32 $0x30, s31;
	v5 =	vadd.s32 $0x33D8, v10;
	v14 =	vld.idx.msk [tilespmem:v1+s2+$0x0], $0xffff  }
0x139: {  	s30 =	sor.u32 s18, s9;
	s18 =	sor.u32 s3, s14;
	v1 =	vld.idx.msk [tilespmem:v12+s2+$0x0], $0xffff  }
0x13a: {  	s4 =	simm.s32 $0x200;
	s0 =	sor.u32 $0x20, s31;
	v16 =	vadd.s32 $0x33D8, v11;
	v0 =	vld [tilespmem:s18+$0x0]  }
0x13b: {  	s16 =	sand.u32 $0x1C00, s4;
	s14 =	sor.u32 s0, s14;
	v15 =	vld.idx.msk [tilespmem:v2+s2+$0x0], $0xffff;
	v2 =	vadd.s32 $0x3C7C, v6  }
0x13c: {  	s16 =	sadd.s32 s28, s16;
	s9 =	sor.u32 s5, s9;
	v18 =	vadd.s32 $0x3C7C, v8;
	[tilespmem:s30+$0x13E80] =	vst v7;
	v6 =	vld [tilespmem:s14+$0x0]  }
0x13d: {  	s20 =	sor.u32 s29, s16;
	[tilespmem:s9+$0x13E80] =	vst v9;
	v8 =	vld.idx.msk [tilespmem:v5+s2+$0x0], $0xffff;
	v5 =	vadd.s32 $0x3C7C, v3  }
0x13e: {  	s7 =	sor.u32 s7, s20;
	v3 =	vadd.s32 $0x3C7C, v4;
	[tilespmem:s10+$0x17A80] =	vst v13  }
0x13f: {  	[tilespmem:s7+$0x13E80] =	vst v1;
	v1 =	vadd.s32 $0x3C7C, v10;
	s10 =	sor.u32 s6, s20;
	v12 =	vadd.s32 $0x33D8, v0;
	v10 =	vld.idx.msk [tilespmem:v16+s2+$0x0], $0xffff  }
0x140: {  	s5 =	simm.s32 $0x8;
	v7 =	vadd.s32 $0x33D8, v19;
	v13 =	vadd.s32 $0x33D8, v17;
	v9 =	vld.idx.msk [tilespmem:v2+s2+$0x0], $0xffff;
	[tilespmem:s10+$0x13E80] =	vst v15  }
0x141: {  	v4 =	vadd.s32 $0x3C7C, v17;
	[tilespmem:s13+$0x17A80] =	vst v14;
	s6 =	sor.u32 s8, s20;
	s8 =	sor.u32 s11, s20;
	v14 =	vadd.s32 $0x3C7C, v19;
	s11 =	simm.s32 $0xC0;
	v2 =	vadd.s32 $0x3C7C, v11;
	v11 =	vld.idx.msk [tilespmem:v18+s2+$0x0], $0xffff  }
.LBB2_15:
0x142: {  	s13 =	sadd.s32 s11, s25;
	s5 =	sadd.s32 $0x4, s5;
	v15 =	vadd.s32 $0x33D8, v6;
	v6 =	vadd.s32 $0x3C7C, v6;
	v16 =	vld.idx.msk [tilespmem:v5+s2+$0x0], $0xffff;
	v5 =	vmovc v1;
	v1 =	vmov v14  }
0x143: {  	s14 =	sand.u32 $0x40, s11;
	s13 =	sand.u32 $0xFF80, s13;
	p0 =	slt.u32 s5, $0x24;
	v14 =	vld.idx.msk [tilespmem:v3+s2+$0x0], $0xffff;
	v3 =	vmov v2;
	v2 =	vmov v6  }
0x144: {  	s15 =	sor.u32 $0x10, s14;
	s16 =	sor.u32 $0x30, s14;
	s13 =	sadd.s32 $0x8A80, s13;
	v12 =	vld.idx.msk [tilespmem:v12+s2+$0x0], $0xffff;
	[tilespmem:s6+$0x13E80] =	vst v8  }
0x145: {  	s4 =	sadd.s32 $0x200, s4;
	s17 =	sor.u32 $0x20, s14;
	s18 =	sor.u32 s16, s13;
	v13 =	vld.idx.msk [tilespmem:v13+s2+$0x0], $0xffff;
	[tilespmem:s7+$0x17A80] =	vst v9  }
0x146: {  	s20 =	sand.u32 $0x1C00, s4;
	s7 =	sor.u32 s14, s13;
	s19 =	sor.u32 s15, s13;
	v9 =	vadd.s32 $0x3C7C, v0;
	v0 =	vld [tilespmem:s18+$0x0];
	[tilespmem:s8+$0x13E80] =	vst v10  }
0x147: {  	v10 =	vld [tilespmem:s7+$0x0];
	s7 =	sor.u32 s17, s13;
	s13 =	sadd.s32 s28, s20  }
0x148: {  	[tilespmem:s10+$0x17A80] =	vst v11;
	s13 =	sor.u32 s29, s13  }
0x149: {  	v11 =	vld [tilespmem:s19+$0x0];
	[tilespmem:s30+$0x17A80] =	vst v16;
	s30 =	smov.u32 s6;
	s10 =	sor.u32 s31, s13  }
.Ltmp6:
0x14a: {  	v6 =	vld [tilespmem:s7+$0x0];
	s6 =	sor.u32 s1, s13;
	s7 =	sor.u32 s3, s13;
	[tilespmem:s9+$0x17A80] =	vst v14;
	(pc) =	sbr.rel @p0 .LBB2_15-.Ltmp6, $4  }
0x14b: {  	s13 =	sor.u32 s0, s13;
	s31 =	smov.u32 s14;
	s1 =	smov.u32 s15;
	v8 =	vld.idx.msk [tilespmem:v7+s2+$0x0], $0xffff;
	[tilespmem:s7+$0x13E80] =	vst v12  }
0x14c: {  	s3 =	smov.u32 s16;
	s0 =	smov.u32 s17;
	s9 =	smov.u32 s8;
	v12 =	vadd.s32 $0x33D8, v0;
	[tilespmem:s10+$0x13E80] =	vst v13;
	v9 =	vld.idx.msk [tilespmem:v9+s2+$0x0], $0xffff  }
0x14d: {  	s8 =	smov.u32 s13;
	v13 =	vadd.s32 $0x33D8, v10;
	v16 =	vadd.s32 $0x3C7C, v10;
	v10 =	vld.idx.msk [tilespmem:v15+s2+$0x0], $0xffff  }
0x14e: {  	s11 =	sadd.s32 $0x40, s11;
	v7 =	vadd.s32 $0x33D8, v11;
	v14 =	vadd.s32 $0x3C7C, v11;
	v11 =	vld.idx.msk [tilespmem:v4+s2+$0x0], $0xffff;
	v4 =	vmov v16  }
0x14f: {  	_ =	sdelay $0x3  }
0x150: {  	v15 =	vadd.s32 $0x33D8, v6;
	v12 =	vld.idx.msk [tilespmem:v12+s2+$0x0], $0xffff;
	s4 =	sadd.s32 $0x200, s4  }
0x151: {  	v59 =	vld.idx.msk [tilespmem:v13+s2+$0x0], $0xffff;
	[tilespmem:s6+$0x13E80] =	vst v8;
	s4 =	sand.u32 $0x1C00, s4  }
0x152: {  	v5 =	vld.idx.msk [tilespmem:v5+s2+$0x0], $0xffff;
	[tilespmem:s7+$0x17A80] =	vst v9;
	s4 =	sadd.s32 s28, s4  }
0x153: {  	v0 =	vadd.s32 $0x3C7C, v0;
	v3 =	vld.idx.msk [tilespmem:v3+s2+$0x0], $0xffff;
	[tilespmem:s8+$0x13E80] =	vst v10;
	s4 =	sor.u32 s29, s4  }
0x154: {  	v7 =	vld.idx.msk [tilespmem:v7+s2+$0x0], $0xffff;
	[tilespmem:s10+$0x17A80] =	vst v11;
	s3 =	sor.u32 s3, s4  }
0x155: {  	s5 =	sor.u32 s31, s4;
	[tilespmem:s3+$0x13E80] =	vst v12;
	v60 =	vld.idx.msk [tilespmem:v15+s2+$0x0], $0xffff  }
0x156: {  	v61 =	vadd.s32 $0x3C7C, v6;
	v1 =	vld.idx.msk [tilespmem:v1+s2+$0x0], $0xffff;
	[tilespmem:s5+$0x13E80] =	vst v59  }
0x157: {  	v2 =	vld.idx.msk [tilespmem:v2+s2+$0x0], $0xffff;
	[tilespmem:s30+$0x17A80] =	vst v5  }
0x158: {  	s1 =	sor.u32 s1, s4;
	[tilespmem:s9+$0x17A80] =	vst v3;
	v0 =	vld.idx.msk [tilespmem:v0+s2+$0x0], $0xffff  }
0x159: {  	s0 =	sor.u32 s0, s4;
	[tilespmem:s1+$0x13E80] =	vst v7;
	v4 =	vld.idx.msk [tilespmem:v4+s2+$0x0], $0xffff  }
0x15a: {  	s26 =	sadd.s32 $0x1, s26;
	v62 =	vld.idx.msk [tilespmem:v14+s2+$0x0], $0xffff;
	[tilespmem:s0+$0x13E80] =	vst v60  }
0x15b: {  	p0 =	sne.s32 s26, $0x18;
	[tilespmem:s6+$0x17A80] =	vst v1;
	v63 =	vld.idx.msk [tilespmem:v61+s2+$0x0], $0xffff  }
.Ltmp7:
0x15c: {  	[tilespmem:s8+$0x17A80] =	vst v2;
	(pc) =	sbr.rel @p0 .LBB2_14-.Ltmp7, $4  }
0x15d: {  	[tilespmem:s3+$0x17A80] =	vst v0  }
0x15e: {  	[tilespmem:s5+$0x17A80] =	vst v4  }
0x15f: {  	[tilespmem:s1+$0x17A80] =	vst v62  }
0x160: {  	s25 =	sadd.s32 $0x280, s25;
	[tilespmem:s0+$0x17A80] =	vst v63  }
0x161: {  	s24 =	simm.s32 $0x0;
	s0 =	rddreg [dreg:$0x12];
	s1 =	simm.s32 $0x13E80  }
0x162: {  	[hbm4b:s0+s24] =	stream.linear.scatter [tilespmem:s1], [sflag:$0x3], $0x2800, $0x38;
	[tilespmem:$0x1B680] =	vst v63  }
0x163: {  	s25 =	rddreg [dreg:$0x13];
	s26 =	simm.s32 $0x16680  }
0x164: {  	[hbm4b:s25+s24] =	stream.linear.scatter [tilespmem:s26], [sflag:$0x3], $0x1400, $0x38;
	[tilespmem:$0x1B680] =	vst v63  }
0x165: {  	s28 =	rddreg [dreg:$0x14];
	s29 =	simm.s32 $0x17A80  }
0x166: {  	[hbm4b:s28+s24] =	stream.linear.scatter [tilespmem:s29], [sflag:$0x3], $0x2800, $0x38;
	[tilespmem:$0x1B680] =	vst v63  }
0x167: {  	s30 =	rddreg [dreg:$0x15];
	s31 =	simm.s32 $0x1A280  }
0x168: {  	[hbm4b:s30+s24] =	stream.linear.scatter [tilespmem:s31], [sflag:$0x3], $0x1400, $0x38;
	[tilespmem:$0x1B680] =	vst v63  }
0x169: {  	_ =	swait.ge [sflag:s21], $0x2800  }
0x16a: {  	[sflag:s21] =	ssyncset.done $0x0  }
0x16b: {  	[sflag:s21] =	ssyncadd.s32 $0xFFFFD800  }
0x16c: {  	_ =	swait.ge [sflag:s21], $0x1400  }
0x16d: {  	[sflag:s21] =	ssyncset.done $0x0  }
0x16e: {  	[sflag:s21] =	ssyncadd.s32 $0xFFFFEC00  }
0x16f: {  	_ =	swait.ge [sflag:s21], $0x2800  }
0x170: {  	[sflag:s21] =	ssyncset.done $0x0  }
0x171: {  	[sflag:s21] =	ssyncadd.s32 $0xFFFFD800  }
0x172: {  	_ =	swait.ge [sflag:s21], $0x1400  }
0x173: {  	[sflag:s21] =	ssyncset.done $0x0  }
0x174: {  	s25 =	simm.s32 $0x0;
	s26 =	simm.s32 $0x0;
	[sflag:s21] =	ssyncadd.s32 $0xFFFFEC00  }
.LBB2_18:
0x175: {  	s0 =	sadd.s32 $0x0, s25;
	s1 =	sand.u32 $0x40, s24  }
0x176: {  	s19 =	simm.s32 $0x40;
	s7 =	sadd.s32 $0x40, s25;
	s0 =	sand.u32 $0xFF80, s0  }
0x177: {  	s9 =	sshrl.u32 s26, $0x3;
	s3 =	sor.u32 $0x30, s1;
	s0 =	sadd.s32 $0x8A80, s0  }
0x178: {  	s13 =	sshll.u32 s26, $0x7;
	s14 =	sand.u32 $0x1C00, s24;
	s4 =	sor.u32 s3, s0  }
0x179: {  	s16 =	simm.s32 $0x80;
	s18 =	sor.u32 $0x10, s1;
	s17 =	sor.u32 s1, s0;
	v0 =	vld [tilespmem:s4+$0x0]  }
0x17a: {  	s5 =	sor.u32 $0x20, s1;
	s7 =	sand.u32 $0xFF80, s7;
	s28 =	smul.u32 $0x1400, s9;
	v1 =	vld [tilespmem:s17+$0x0]  }
0x17b: {  	s29 =	sand.u32 $0x380, s13;
	s31 =	sand.u32 $0x40, s16;
	s20 =	sadd.s32 $0x8A80, s7  }
0x17c: {  	s6 =	sor.u32 s18, s0;
	s0 =	sor.u32 s5, s0;
	s9 =	sadd.s32 s28, s14  }
0x17d: {  	v3 =	vld [tilespmem:s6+$0x0];
	s6 =	sand.u32 $0x40, s19;
	s9 =	sor.u32 s29, s9;
	s17 =	sadd.s32 $0x80, s25  }
0x17e: {  	v4 =	vld [tilespmem:s0+$0x0];
	s7 =	sor.u32 $0x30, s6;
	s10 =	sor.u32 s6, s20;
	s11 =	sor.u32 $0x20, s6;
	v2 =	vadd.s32 $0x4520, v0  }
0x17f: {  	s13 =	sor.u32 s1, s9;
	s1 =	sand.u32 $0xFF80, s17;
	s8 =	sor.u32 s7, s20;
	v8 =	vld [tilespmem:s10+$0x0];
	v5 =	vadd.s32 $0x4520, v1  }
0x180: {  	s0 =	sor.u32 s11, s20;
	s14 =	sadd.s32 $0x8A80, s1;
	s1 =	sor.u32 $0x10, s31;
	v6 =	vld [tilespmem:s8+$0x0]  }
0x181: {  	v11 =	vld [tilespmem:s0+$0x0];
	s19 =	sor.u32 s1, s14  }
0x182: {  	v19 =	vld [tilespmem:s19+$0x0];
	v7 =	vadd.s32 $0x4520, v3  }
0x183: {  	s8 =	sor.u32 $0x10, s6;
	v9 =	vadd.s32 $0x4520, v4;
	v2 =	vld.idx.msk [tilespmem:v2+s2+$0x0], $0xffff  }
0x184: {  	s15 =	sor.u32 s8, s20;
	v0 =	vadd.s32 $0x4DC4, v0;
	v5 =	vld.idx.msk [tilespmem:v5+s2+$0x0], $0xffff  }
0x185: {  	v1 =	vadd.s32 $0x4DC4, v1;
	v10 =	vld [tilespmem:s15+$0x0];
	s15 =	sor.u32 s31, s14  }
0x186: {  	v17 =	vld [tilespmem:s15+$0x0];
	v12 =	vadd.s32 $0x4520, v6  }
0x187: {  	s10 =	sor.u32 s3, s9;
	v7 =	vld.idx.msk [tilespmem:v7+s2+$0x0], $0xffff  }
0x188: {  	v9 =	vld.idx.msk [tilespmem:v9+s2+$0x0], $0xffff;
	[tilespmem:s10+$0xC680] =	vst v2;
	v2 =	vadd.s32 $0x4520, v8  }
0x189: {  	[tilespmem:s13+$0xC680] =	vst v5;
	v13 =	vld.idx.msk [tilespmem:v0+s2+$0x0], $0xffff  }
0x18a: {  	s3 =	sor.u32 $0x30, s31;
	v5 =	vadd.s32 $0x4520, v10;
	v14 =	vld.idx.msk [tilespmem:v1+s2+$0x0], $0xffff  }
0x18b: {  	s30 =	sor.u32 s18, s9;
	s18 =	sor.u32 s3, s14;
	v1 =	vld.idx.msk [tilespmem:v12+s2+$0x0], $0xffff  }
0x18c: {  	s4 =	simm.s32 $0x200;
	s0 =	sor.u32 $0x20, s31;
	v16 =	vadd.s32 $0x4520, v11;
	v0 =	vld [tilespmem:s18+$0x0]  }
0x18d: {  	s16 =	sand.u32 $0x1C00, s4;
	s14 =	sor.u32 s0, s14;
	v15 =	vld.idx.msk [tilespmem:v2+s2+$0x0], $0xffff;
	v2 =	vadd.s32 $0x4DC4, v6  }
0x18e: {  	s16 =	sadd.s32 s28, s16;
	s9 =	sor.u32 s5, s9;
	v18 =	vadd.s32 $0x4DC4, v8;
	[tilespmem:s30+$0xC680] =	vst v7;
	v6 =	vld [tilespmem:s14+$0x0]  }
0x18f: {  	s20 =	sor.u32 s29, s16;
	[tilespmem:s9+$0xC680] =	vst v9;
	v8 =	vld.idx.msk [tilespmem:v5+s2+$0x0], $0xffff;
	v5 =	vadd.s32 $0x4DC4, v3  }
0x190: {  	s7 =	sor.u32 s7, s20;
	v3 =	vadd.s32 $0x4DC4, v4;
	[tilespmem:s10+$0x10280] =	vst v13  }
0x191: {  	[tilespmem:s7+$0xC680] =	vst v1;
	v1 =	vadd.s32 $0x4DC4, v10;
	s10 =	sor.u32 s6, s20;
	v12 =	vadd.s32 $0x4520, v0;
	v10 =	vld.idx.msk [tilespmem:v16+s2+$0x0], $0xffff  }
0x192: {  	s5 =	simm.s32 $0x8;
	v7 =	vadd.s32 $0x4520, v19;
	v13 =	vadd.s32 $0x4520, v17;
	v9 =	vld.idx.msk [tilespmem:v2+s2+$0x0], $0xffff;
	[tilespmem:s10+$0xC680] =	vst v15  }
0x193: {  	v4 =	vadd.s32 $0x4DC4, v17;
	[tilespmem:s13+$0x10280] =	vst v14;
	s6 =	sor.u32 s8, s20;
	s8 =	sor.u32 s11, s20;
	v14 =	vadd.s32 $0x4DC4, v19;
	s11 =	simm.s32 $0xC0;
	v2 =	vadd.s32 $0x4DC4, v11;
	v11 =	vld.idx.msk [tilespmem:v18+s2+$0x0], $0xffff  }
.LBB2_19:
0x194: {  	s13 =	sadd.s32 s11, s25;
	s5 =	sadd.s32 $0x4, s5;
	v15 =	vadd.s32 $0x4520, v6;
	v6 =	vadd.s32 $0x4DC4, v6;
	v16 =	vld.idx.msk [tilespmem:v5+s2+$0x0], $0xffff;
	v5 =	vmovc v1;
	v1 =	vmov v14  }
0x195: {  	s14 =	sand.u32 $0x40, s11;
	s13 =	sand.u32 $0xFF80, s13;
	p0 =	slt.u32 s5, $0x24;
	v14 =	vld.idx.msk [tilespmem:v3+s2+$0x0], $0xffff;
	v3 =	vmov v2;
	v2 =	vmov v6  }
0x196: {  	s15 =	sor.u32 $0x10, s14;
	s16 =	sor.u32 $0x30, s14;
	s13 =	sadd.s32 $0x8A80, s13;
	v12 =	vld.idx.msk [tilespmem:v12+s2+$0x0], $0xffff;
	[tilespmem:s6+$0xC680] =	vst v8  }
0x197: {  	s4 =	sadd.s32 $0x200, s4;
	s17 =	sor.u32 $0x20, s14;
	s18 =	sor.u32 s16, s13;
	v13 =	vld.idx.msk [tilespmem:v13+s2+$0x0], $0xffff;
	[tilespmem:s7+$0x10280] =	vst v9  }
0x198: {  	s20 =	sand.u32 $0x1C00, s4;
	s7 =	sor.u32 s14, s13;
	s19 =	sor.u32 s15, s13;
	v9 =	vadd.s32 $0x4DC4, v0;
	v0 =	vld [tilespmem:s18+$0x0];
	[tilespmem:s8+$0xC680] =	vst v10  }
0x199: {  	v10 =	vld [tilespmem:s7+$0x0];
	s7 =	sor.u32 s17, s13;
	s13 =	sadd.s32 s28, s20  }
0x19a: {  	[tilespmem:s10+$0x10280] =	vst v11;
	s13 =	sor.u32 s29, s13  }
0x19b: {  	v11 =	vld [tilespmem:s19+$0x0];
	[tilespmem:s30+$0x10280] =	vst v16;
	s30 =	smov.u32 s6;
	s10 =	sor.u32 s31, s13  }
.Ltmp8:
0x19c: {  	v6 =	vld [tilespmem:s7+$0x0];
	s6 =	sor.u32 s1, s13;
	s7 =	sor.u32 s3, s13;
	[tilespmem:s9+$0x10280] =	vst v14;
	(pc) =	sbr.rel @p0 .LBB2_19-.Ltmp8, $4  }
0x19d: {  	s13 =	sor.u32 s0, s13;
	s31 =	smov.u32 s14;
	s1 =	smov.u32 s15;
	v8 =	vld.idx.msk [tilespmem:v7+s2+$0x0], $0xffff;
	[tilespmem:s7+$0xC680] =	vst v12  }
0x19e: {  	s3 =	smov.u32 s16;
	s0 =	smov.u32 s17;
	s9 =	smov.u32 s8;
	v12 =	vadd.s32 $0x4520, v0;
	[tilespmem:s10+$0xC680] =	vst v13;
	v9 =	vld.idx.msk [tilespmem:v9+s2+$0x0], $0xffff  }
0x19f: {  	s8 =	smov.u32 s13;
	v13 =	vadd.s32 $0x4520, v10;
	v16 =	vadd.s32 $0x4DC4, v10;
	v10 =	vld.idx.msk [tilespmem:v15+s2+$0x0], $0xffff  }
0x1a0: {  	s11 =	sadd.s32 $0x40, s11;
	v7 =	vadd.s32 $0x4520, v11;
	v14 =	vadd.s32 $0x4DC4, v11;
	v11 =	vld.idx.msk [tilespmem:v4+s2+$0x0], $0xffff;
	v4 =	vmov v16  }
0x1a1: {  	_ =	sdelay $0x3  }
0x1a2: {  	v15 =	vadd.s32 $0x4520, v6;
	v12 =	vld.idx.msk [tilespmem:v12+s2+$0x0], $0xffff;
	s4 =	sadd.s32 $0x200, s4  }
0x1a3: {  	v59 =	vld.idx.msk [tilespmem:v13+s2+$0x0], $0xffff;
	[tilespmem:s6+$0xC680] =	vst v8;
	s4 =	sand.u32 $0x1C00, s4  }
0x1a4: {  	v5 =	vld.idx.msk [tilespmem:v5+s2+$0x0], $0xffff;
	[tilespmem:s7+$0x10280] =	vst v9;
	s4 =	sadd.s32 s28, s4  }
0x1a5: {  	v0 =	vadd.s32 $0x4DC4, v0;
	v3 =	vld.idx.msk [tilespmem:v3+s2+$0x0], $0xffff;
	[tilespmem:s8+$0xC680] =	vst v10;
	s4 =	sor.u32 s29, s4  }
0x1a6: {  	v7 =	vld.idx.msk [tilespmem:v7+s2+$0x0], $0xffff;
	[tilespmem:s10+$0x10280] =	vst v11;
	s3 =	sor.u32 s3, s4  }
0x1a7: {  	s5 =	sor.u32 s31, s4;
	[tilespmem:s3+$0xC680] =	vst v12;
	v60 =	vld.idx.msk [tilespmem:v15+s2+$0x0], $0xffff  }
0x1a8: {  	v61 =	vadd.s32 $0x4DC4, v6;
	v1 =	vld.idx.msk [tilespmem:v1+s2+$0x0], $0xffff;
	[tilespmem:s5+$0xC680] =	vst v59  }
0x1a9: {  	v2 =	vld.idx.msk [tilespmem:v2+s2+$0x0], $0xffff;
	[tilespmem:s30+$0x10280] =	vst v5  }
0x1aa: {  	s1 =	sor.u32 s1, s4;
	[tilespmem:s9+$0x10280] =	vst v3;
	v0 =	vld.idx.msk [tilespmem:v0+s2+$0x0], $0xffff  }
0x1ab: {  	s0 =	sor.u32 s0, s4;
	[tilespmem:s1+$0xC680] =	vst v7;
	v4 =	vld.idx.msk [tilespmem:v4+s2+$0x0], $0xffff  }
0x1ac: {  	s26 =	sadd.s32 $0x1, s26;
	v62 =	vld.idx.msk [tilespmem:v14+s2+$0x0], $0xffff;
	[tilespmem:s0+$0xC680] =	vst v60  }
0x1ad: {  	p0 =	sne.s32 s26, $0x18;
	[tilespmem:s6+$0x10280] =	vst v1;
	v63 =	vld.idx.msk [tilespmem:v61+s2+$0x0], $0xffff  }
.Ltmp9:
0x1ae: {  	[tilespmem:s8+$0x10280] =	vst v2;
	(pc) =	sbr.rel @p0 .LBB2_18-.Ltmp9, $4  }
0x1af: {  	[tilespmem:s3+$0x10280] =	vst v0  }
0x1b0: {  	[tilespmem:s5+$0x10280] =	vst v4  }
0x1b1: {  	[tilespmem:s1+$0x10280] =	vst v62  }
0x1b2: {  	s25 =	sadd.s32 $0x280, s25;
	[tilespmem:s0+$0x10280] =	vst v63  }
0x1b3: {  	s24 =	simm.s32 $0x0;
	s0 =	rddreg [dreg:$0x16];
	s1 =	simm.s32 $0xC680  }
0x1b4: {  	[hbm4b:s0+s24] =	stream.linear.scatter [tilespmem:s1], [sflag:$0x2], $0x2800, $0x38;
	[tilespmem:$0x1B680] =	vst v63  }
0x1b5: {  	s25 =	rddreg [dreg:$0x17];
	s26 =	simm.s32 $0xEE80  }
0x1b6: {  	[hbm4b:s25+s24] =	stream.linear.scatter [tilespmem:s26], [sflag:$0x2], $0x1400, $0x38;
	[tilespmem:$0x1B680] =	vst v63  }
0x1b7: {  	s28 =	rddreg [dreg:$0x18];
	s29 =	simm.s32 $0x10280  }
0x1b8: {  	[hbm4b:s28+s24] =	stream.linear.scatter [tilespmem:s29], [sflag:$0x2], $0x2800, $0x38;
	[tilespmem:$0x1B680] =	vst v63  }
0x1b9: {  	s30 =	rddreg [dreg:$0x1a];
	s31 =	simm.s32 $0x12A80  }
0x1ba: {  	[hbm4b:s30+s24] =	stream.linear.scatter [tilespmem:s31], [sflag:$0x2], $0x1400, $0x38;
	[tilespmem:$0x1B680] =	vst v63  }
0x1bb: {  	_ =	swait.ge [sflag:s22], $0x2800  }
0x1bc: {  	[sflag:s22] =	ssyncset.done $0x0  }
0x1bd: {  	[sflag:s22] =	ssyncadd.s32 $0xFFFFD800  }
0x1be: {  	_ =	swait.ge [sflag:s22], $0x1400  }
0x1bf: {  	[sflag:s22] =	ssyncset.done $0x0  }
0x1c0: {  	[sflag:s22] =	ssyncadd.s32 $0xFFFFEC00  }
0x1c1: {  	_ =	swait.ge [sflag:s22], $0x2800  }
0x1c2: {  	[sflag:s22] =	ssyncset.done $0x0  }
0x1c3: {  	[sflag:s22] =	ssyncadd.s32 $0xFFFFD800  }
0x1c4: {  	_ =	swait.ge [sflag:s22], $0x1400  }
0x1c5: {  	[sflag:s22] =	ssyncset.done $0x0  }
0x1c6: {  	s25 =	simm.s32 $0x0;
	s26 =	simm.s32 $0x0;
	[sflag:s22] =	ssyncadd.s32 $0xFFFFEC00  }
.LBB2_22:
0x1c7: {  	s0 =	sadd.s32 $0x0, s25;
	s1 =	sand.u32 $0x40, s24  }
0x1c8: {  	s19 =	simm.s32 $0x40;
	s7 =	sadd.s32 $0x40, s25;
	s0 =	sand.u32 $0xFF80, s0  }
0x1c9: {  	s9 =	sshrl.u32 s26, $0x3;
	s3 =	sor.u32 $0x30, s1;
	s0 =	sadd.s32 $0x8A80, s0  }
0x1ca: {  	s13 =	sshll.u32 s26, $0x7;
	s14 =	sand.u32 $0x1C00, s24;
	s4 =	sor.u32 s3, s0  }
0x1cb: {  	s16 =	simm.s32 $0x80;
	s18 =	sor.u32 $0x10, s1;
	s17 =	sor.u32 s1, s0;
	v0 =	vld [tilespmem:s4+$0x0]  }
0x1cc: {  	s5 =	sor.u32 $0x20, s1;
	s7 =	sand.u32 $0xFF80, s7;
	s28 =	smul.u32 $0x1400, s9;
	v1 =	vld [tilespmem:s17+$0x0]  }
0x1cd: {  	s29 =	sand.u32 $0x380, s13;
	s31 =	sand.u32 $0x40, s16;
	s20 =	sadd.s32 $0x8A80, s7  }
0x1ce: {  	s6 =	sor.u32 s18, s0;
	s0 =	sor.u32 s5, s0;
	s9 =	sadd.s32 s28, s14  }
0x1cf: {  	v3 =	vld [tilespmem:s6+$0x0];
	s6 =	sand.u32 $0x40, s19;
	s9 =	sor.u32 s29, s9;
	s17 =	sadd.s32 $0x80, s25  }
0x1d0: {  	v4 =	vld [tilespmem:s0+$0x0];
	s7 =	sor.u32 $0x30, s6;
	s10 =	sor.u32 s6, s20;
	s11 =	sor.u32 $0x20, s6;
	v2 =	vadd.s32 $0x5668, v0  }
0x1d1: {  	s13 =	sor.u32 s1, s9;
	s1 =	sand.u32 $0xFF80, s17;
	s8 =	sor.u32 s7, s20;
	v8 =	vld [tilespmem:s10+$0x0];
	v5 =	vadd.s32 $0x5668, v1  }
0x1d2: {  	s0 =	sor.u32 s11, s20;
	s14 =	sadd.s32 $0x8A80, s1;
	s1 =	sor.u32 $0x10, s31;
	v6 =	vld [tilespmem:s8+$0x0]  }
0x1d3: {  	v11 =	vld [tilespmem:s0+$0x0];
	s19 =	sor.u32 s1, s14  }
0x1d4: {  	v19 =	vld [tilespmem:s19+$0x0];
	v7 =	vadd.s32 $0x5668, v3  }
0x1d5: {  	s8 =	sor.u32 $0x10, s6;
	v9 =	vadd.s32 $0x5668, v4;
	v2 =	vld.idx.msk [tilespmem:v2+s2+$0x0], $0xffff  }
0x1d6: {  	s15 =	sor.u32 s8, s20;
	v0 =	vadd.s32 $0x5F0C, v0;
	v5 =	vld.idx.msk [tilespmem:v5+s2+$0x0], $0xffff  }
0x1d7: {  	v1 =	vadd.s32 $0x5F0C, v1;
	v10 =	vld [tilespmem:s15+$0x0];
	s15 =	sor.u32 s31, s14  }
0x1d8: {  	v17 =	vld [tilespmem:s15+$0x0];
	v12 =	vadd.s32 $0x5668, v6  }
0x1d9: {  	s10 =	sor.u32 s3, s9;
	v7 =	vld.idx.msk [tilespmem:v7+s2+$0x0], $0xffff  }
0x1da: {  	v9 =	vld.idx.msk [tilespmem:v9+s2+$0x0], $0xffff;
	[tilespmem:s10+$0x13E80] =	vst v2;
	v2 =	vadd.s32 $0x5668, v8  }
0x1db: {  	[tilespmem:s13+$0x13E80] =	vst v5;
	v13 =	vld.idx.msk [tilespmem:v0+s2+$0x0], $0xffff  }
0x1dc: {  	s3 =	sor.u32 $0x30, s31;
	v5 =	vadd.s32 $0x5668, v10;
	v14 =	vld.idx.msk [tilespmem:v1+s2+$0x0], $0xffff  }
0x1dd: {  	s30 =	sor.u32 s18, s9;
	s18 =	sor.u32 s3, s14;
	v1 =	vld.idx.msk [tilespmem:v12+s2+$0x0], $0xffff  }
0x1de: {  	s4 =	simm.s32 $0x200;
	s0 =	sor.u32 $0x20, s31;
	v16 =	vadd.s32 $0x5668, v11;
	v0 =	vld [tilespmem:s18+$0x0]  }
0x1df: {  	s16 =	sand.u32 $0x1C00, s4;
	s14 =	sor.u32 s0, s14;
	v15 =	vld.idx.msk [tilespmem:v2+s2+$0x0], $0xffff;
	v2 =	vadd.s32 $0x5F0C, v6  }
0x1e0: {  	s16 =	sadd.s32 s28, s16;
	s9 =	sor.u32 s5, s9;
	v18 =	vadd.s32 $0x5F0C, v8;
	[tilespmem:s30+$0x13E80] =	vst v7;
	v6 =	vld [tilespmem:s14+$0x0]  }
0x1e1: {  	s20 =	sor.u32 s29, s16;
	[tilespmem:s9+$0x13E80] =	vst v9;
	v8 =	vld.idx.msk [tilespmem:v5+s2+$0x0], $0xffff;
	v5 =	vadd.s32 $0x5F0C, v3  }
0x1e2: {  	s7 =	sor.u32 s7, s20;
	v3 =	vadd.s32 $0x5F0C, v4;
	[tilespmem:s10+$0x17A80] =	vst v13  }
0x1e3: {  	[tilespmem:s7+$0x13E80] =	vst v1;
	v1 =	vadd.s32 $0x5F0C, v10;
	s10 =	sor.u32 s6, s20;
	v12 =	vadd.s32 $0x5668, v0;
	v10 =	vld.idx.msk [tilespmem:v16+s2+$0x0], $0xffff  }
0x1e4: {  	s5 =	simm.s32 $0x8;
	v7 =	vadd.s32 $0x5668, v19;
	v13 =	vadd.s32 $0x5668, v17;
	v9 =	vld.idx.msk [tilespmem:v2+s2+$0x0], $0xffff;
	[tilespmem:s10+$0x13E80] =	vst v15  }
0x1e5: {  	v4 =	vadd.s32 $0x5F0C, v17;
	[tilespmem:s13+$0x17A80] =	vst v14;
	s6 =	sor.u32 s8, s20;
	s8 =	sor.u32 s11, s20;
	v14 =	vadd.s32 $0x5F0C, v19;
	s11 =	simm.s32 $0xC0;
	v2 =	vadd.s32 $0x5F0C, v11;
	v11 =	vld.idx.msk [tilespmem:v18+s2+$0x0], $0xffff  }
.LBB2_23:
0x1e6: {  	s13 =	sadd.s32 s11, s25;
	s5 =	sadd.s32 $0x4, s5;
	v15 =	vadd.s32 $0x5668, v6;
	v6 =	vadd.s32 $0x5F0C, v6;
	v16 =	vld.idx.msk [tilespmem:v5+s2+$0x0], $0xffff;
	v5 =	vmovc v1;
	v1 =	vmov v14  }
0x1e7: {  	s14 =	sand.u32 $0x40, s11;
	s13 =	sand.u32 $0xFF80, s13;
	p0 =	slt.u32 s5, $0x24;
	v14 =	vld.idx.msk [tilespmem:v3+s2+$0x0], $0xffff;
	v3 =	vmov v2;
	v2 =	vmov v6  }
0x1e8: {  	s15 =	sor.u32 $0x10, s14;
	s16 =	sor.u32 $0x30, s14;
	s13 =	sadd.s32 $0x8A80, s13;
	v12 =	vld.idx.msk [tilespmem:v12+s2+$0x0], $0xffff;
	[tilespmem:s6+$0x13E80] =	vst v8  }
0x1e9: {  	s4 =	sadd.s32 $0x200, s4;
	s17 =	sor.u32 $0x20, s14;
	s18 =	sor.u32 s16, s13;
	v13 =	vld.idx.msk [tilespmem:v13+s2+$0x0], $0xffff;
	[tilespmem:s7+$0x17A80] =	vst v9  }
0x1ea: {  	s20 =	sand.u32 $0x1C00, s4;
	s7 =	sor.u32 s14, s13;
	s19 =	sor.u32 s15, s13;
	v9 =	vadd.s32 $0x5F0C, v0;
	v0 =	vld [tilespmem:s18+$0x0];
	[tilespmem:s8+$0x13E80] =	vst v10  }
0x1eb: {  	v10 =	vld [tilespmem:s7+$0x0];
	s7 =	sor.u32 s17, s13;
	s13 =	sadd.s32 s28, s20  }
0x1ec: {  	[tilespmem:s10+$0x17A80] =	vst v11;
	s13 =	sor.u32 s29, s13  }
0x1ed: {  	v11 =	vld [tilespmem:s19+$0x0];
	[tilespmem:s30+$0x17A80] =	vst v16;
	s30 =	smov.u32 s6;
	s10 =	sor.u32 s31, s13  }
.Ltmp10:
0x1ee: {  	v6 =	vld [tilespmem:s7+$0x0];
	s6 =	sor.u32 s1, s13;
	s7 =	sor.u32 s3, s13;
	[tilespmem:s9+$0x17A80] =	vst v14;
	(pc) =	sbr.rel @p0 .LBB2_23-.Ltmp10, $4  }
0x1ef: {  	s13 =	sor.u32 s0, s13;
	s31 =	smov.u32 s14;
	s1 =	smov.u32 s15;
	v8 =	vld.idx.msk [tilespmem:v7+s2+$0x0], $0xffff;
	[tilespmem:s7+$0x13E80] =	vst v12  }
0x1f0: {  	s3 =	smov.u32 s16;
	s0 =	smov.u32 s17;
	s9 =	smov.u32 s8;
	v12 =	vadd.s32 $0x5668, v0;
	[tilespmem:s10+$0x13E80] =	vst v13;
	v9 =	vld.idx.msk [tilespmem:v9+s2+$0x0], $0xffff  }
0x1f1: {  	s8 =	smov.u32 s13;
	v13 =	vadd.s32 $0x5668, v10;
	v16 =	vadd.s32 $0x5F0C, v10;
	v10 =	vld.idx.msk [tilespmem:v15+s2+$0x0], $0xffff  }
0x1f2: {  	s11 =	sadd.s32 $0x40, s11;
	v7 =	vadd.s32 $0x5668, v11;
	v14 =	vadd.s32 $0x5F0C, v11;
	v11 =	vld.idx.msk [tilespmem:v4+s2+$0x0], $0xffff;
	v4 =	vmov v16  }
0x1f3: {  	_ =	sdelay $0x3  }
0x1f4: {  	v15 =	vadd.s32 $0x5668, v6;
	v12 =	vld.idx.msk [tilespmem:v12+s2+$0x0], $0xffff;
	s4 =	sadd.s32 $0x200, s4  }
0x1f5: {  	v59 =	vld.idx.msk [tilespmem:v13+s2+$0x0], $0xffff;
	[tilespmem:s6+$0x13E80] =	vst v8;
	s4 =	sand.u32 $0x1C00, s4  }
0x1f6: {  	v5 =	vld.idx.msk [tilespmem:v5+s2+$0x0], $0xffff;
	[tilespmem:s7+$0x17A80] =	vst v9;
	s4 =	sadd.s32 s28, s4  }
0x1f7: {  	v0 =	vadd.s32 $0x5F0C, v0;
	v3 =	vld.idx.msk [tilespmem:v3+s2+$0x0], $0xffff;
	[tilespmem:s8+$0x13E80] =	vst v10;
	s4 =	sor.u32 s29, s4  }
0x1f8: {  	v7 =	vld.idx.msk [tilespmem:v7+s2+$0x0], $0xffff;
	[tilespmem:s10+$0x17A80] =	vst v11;
	s3 =	sor.u32 s3, s4  }
0x1f9: {  	s5 =	sor.u32 s31, s4;
	[tilespmem:s3+$0x13E80] =	vst v12;
	v60 =	vld.idx.msk [tilespmem:v15+s2+$0x0], $0xffff  }
0x1fa: {  	v61 =	vadd.s32 $0x5F0C, v6;
	v1 =	vld.idx.msk [tilespmem:v1+s2+$0x0], $0xffff;
	[tilespmem:s5+$0x13E80] =	vst v59  }
0x1fb: {  	v2 =	vld.idx.msk [tilespmem:v2+s2+$0x0], $0xffff;
	[tilespmem:s30+$0x17A80] =	vst v5  }
0x1fc: {  	s1 =	sor.u32 s1, s4;
	[tilespmem:s9+$0x17A80] =	vst v3;
	v0 =	vld.idx.msk [tilespmem:v0+s2+$0x0], $0xffff  }
0x1fd: {  	s0 =	sor.u32 s0, s4;
	[tilespmem:s1+$0x13E80] =	vst v7;
	v4 =	vld.idx.msk [tilespmem:v4+s2+$0x0], $0xffff  }
0x1fe: {  	s26 =	sadd.s32 $0x1, s26;
	v62 =	vld.idx.msk [tilespmem:v14+s2+$0x0], $0xffff;
	[tilespmem:s0+$0x13E80] =	vst v60  }
0x1ff: {  	p0 =	sne.s32 s26, $0x18;
	[tilespmem:s6+$0x17A80] =	vst v1;
	v63 =	vld.idx.msk [tilespmem:v61+s2+$0x0], $0xffff  }
.Ltmp11:
0x200: {  	[tilespmem:s8+$0x17A80] =	vst v2;
	(pc) =	sbr.rel @p0 .LBB2_22-.Ltmp11, $4  }
0x201: {  	[tilespmem:s3+$0x17A80] =	vst v0  }
0x202: {  	[tilespmem:s5+$0x17A80] =	vst v4  }
0x203: {  	[tilespmem:s1+$0x17A80] =	vst v62  }
0x204: {  	s25 =	sadd.s32 $0x280, s25;
	[tilespmem:s0+$0x17A80] =	vst v63  }
0x205: {  	s24 =	simm.s32 $0x0;
	s0 =	rddreg [dreg:$0x1b];
	s1 =	simm.s32 $0x13E80  }
0x206: {  	[hbm4b:s0+s24] =	stream.linear.scatter [tilespmem:s1], [sflag:$0x3], $0x2800, $0x38;
	[tilespmem:$0x1B680] =	vst v63  }
0x207: {  	s25 =	rddreg [dreg:$0x1c];
	s26 =	simm.s32 $0x16680  }
0x208: {  	[hbm4b:s25+s24] =	stream.linear.scatter [tilespmem:s26], [sflag:$0x3], $0x1400, $0x38;
	[tilespmem:$0x1B680] =	vst v63  }
0x209: {  	s28 =	rddreg [dreg:$0x1d];
	s29 =	simm.s32 $0x17A80  }
0x20a: {  	[hbm4b:s28+s24] =	stream.linear.scatter [tilespmem:s29], [sflag:$0x3], $0x2800, $0x38;
	[tilespmem:$0x1B680] =	vst v63  }
0x20b: {  	s30 =	rddreg [dreg:$0x1e];
	s31 =	simm.s32 $0x1A280  }
0x20c: {  	[hbm4b:s30+s24] =	stream.linear.scatter [tilespmem:s31], [sflag:$0x3], $0x1400, $0x38;
	[tilespmem:$0x1B680] =	vst v63  }
0x20d: {  	_ =	swait.ge [sflag:s21], $0x2800  }
0x20e: {  	[sflag:s21] =	ssyncset.done $0x0  }
0x20f: {  	[sflag:s21] =	ssyncadd.s32 $0xFFFFD800  }
0x210: {  	_ =	swait.ge [sflag:s21], $0x1400  }
0x211: {  	[sflag:s21] =	ssyncset.done $0x0  }
0x212: {  	[sflag:s21] =	ssyncadd.s32 $0xFFFFEC00  }
0x213: {  	_ =	swait.ge [sflag:s21], $0x2800  }
0x214: {  	[sflag:s21] =	ssyncset.done $0x0  }
0x215: {  	[sflag:s21] =	ssyncadd.s32 $0xFFFFD800  }
0x216: {  	_ =	swait.ge [sflag:s21], $0x1400  }
0x217: {  	[sflag:s21] =	ssyncset.done $0x0  }
0x218: {  	s25 =	simm.s32 $0x0;
	s26 =	simm.s32 $0x0;
	[sflag:s21] =	ssyncadd.s32 $0xFFFFEC00  }
.LBB2_26:
0x219: {  	s0 =	sadd.s32 $0x0, s25;
	s1 =	sand.u32 $0x40, s24  }
0x21a: {  	s19 =	simm.s32 $0x40;
	s7 =	sadd.s32 $0x40, s25;
	s0 =	sand.u32 $0xFF80, s0  }
0x21b: {  	s9 =	sshrl.u32 s26, $0x3;
	s3 =	sor.u32 $0x30, s1;
	s0 =	sadd.s32 $0x8A80, s0  }
0x21c: {  	s13 =	sshll.u32 s26, $0x7;
	s14 =	sand.u32 $0x1C00, s24;
	s4 =	sor.u32 s3, s0  }
0x21d: {  	s16 =	simm.s32 $0x80;
	s18 =	sor.u32 $0x10, s1;
	s17 =	sor.u32 s1, s0;
	v0 =	vld [tilespmem:s4+$0x0]  }
0x21e: {  	s5 =	sor.u32 $0x20, s1;
	s7 =	sand.u32 $0xFF80, s7;
	s28 =	smul.u32 $0x1400, s9;
	v1 =	vld [tilespmem:s17+$0x0]  }
0x21f: {  	s29 =	sand.u32 $0x380, s13;
	s31 =	sand.u32 $0x40, s16;
	s20 =	sadd.s32 $0x8A80, s7  }
0x220: {  	s6 =	sor.u32 s18, s0;
	s0 =	sor.u32 s5, s0;
	s9 =	sadd.s32 s28, s14  }
0x221: {  	v3 =	vld [tilespmem:s6+$0x0];
	s6 =	sand.u32 $0x40, s19;
	s9 =	sor.u32 s29, s9;
	s17 =	sadd.s32 $0x80, s25  }
0x222: {  	v4 =	vld [tilespmem:s0+$0x0];
	s7 =	sor.u32 $0x30, s6;
	s10 =	sor.u32 s6, s20;
	s11 =	sor.u32 $0x20, s6;
	v2 =	vadd.s32 $0x67B0, v0  }
0x223: {  	s13 =	sor.u32 s1, s9;
	s1 =	sand.u32 $0xFF80, s17;
	s8 =	sor.u32 s7, s20;
	v8 =	vld [tilespmem:s10+$0x0];
	v5 =	vadd.s32 $0x67B0, v1  }
0x224: {  	s0 =	sor.u32 s11, s20;
	s14 =	sadd.s32 $0x8A80, s1;
	s1 =	sor.u32 $0x10, s31;
	v6 =	vld [tilespmem:s8+$0x0]  }
0x225: {  	v11 =	vld [tilespmem:s0+$0x0];
	s19 =	sor.u32 s1, s14  }
0x226: {  	v19 =	vld [tilespmem:s19+$0x0];
	v7 =	vadd.s32 $0x67B0, v3  }
0x227: {  	s8 =	sor.u32 $0x10, s6;
	v9 =	vadd.s32 $0x67B0, v4;
	v2 =	vld.idx.msk [tilespmem:v2+s2+$0x0], $0xffff  }
0x228: {  	s15 =	sor.u32 s8, s20;
	v0 =	vadd.s32 $0x7054, v0;
	v5 =	vld.idx.msk [tilespmem:v5+s2+$0x0], $0xffff  }
0x229: {  	v1 =	vadd.s32 $0x7054, v1;
	v10 =	vld [tilespmem:s15+$0x0];
	s15 =	sor.u32 s31, s14  }
0x22a: {  	v17 =	vld [tilespmem:s15+$0x0];
	v12 =	vadd.s32 $0x67B0, v6  }
0x22b: {  	s10 =	sor.u32 s3, s9;
	v7 =	vld.idx.msk [tilespmem:v7+s2+$0x0], $0xffff  }
0x22c: {  	v9 =	vld.idx.msk [tilespmem:v9+s2+$0x0], $0xffff;
	[tilespmem:s10+$0xC680] =	vst v2;
	v2 =	vadd.s32 $0x67B0, v8  }
0x22d: {  	[tilespmem:s13+$0xC680] =	vst v5;
	v13 =	vld.idx.msk [tilespmem:v0+s2+$0x0], $0xffff  }
0x22e: {  	s3 =	sor.u32 $0x30, s31;
	v5 =	vadd.s32 $0x67B0, v10;
	v14 =	vld.idx.msk [tilespmem:v1+s2+$0x0], $0xffff  }
0x22f: {  	s30 =	sor.u32 s18, s9;
	s18 =	sor.u32 s3, s14;
	v1 =	vld.idx.msk [tilespmem:v12+s2+$0x0], $0xffff  }
0x230: {  	s4 =	simm.s32 $0x200;
	s0 =	sor.u32 $0x20, s31;
	v16 =	vadd.s32 $0x67B0, v11;
	v0 =	vld [tilespmem:s18+$0x0]  }
0x231: {  	s16 =	sand.u32 $0x1C00, s4;
	s14 =	sor.u32 s0, s14;
	v15 =	vld.idx.msk [tilespmem:v2+s2+$0x0], $0xffff;
	v2 =	vadd.s32 $0x7054, v6  }
0x232: {  	s16 =	sadd.s32 s28, s16;
	s9 =	sor.u32 s5, s9;
	v18 =	vadd.s32 $0x7054, v8;
	[tilespmem:s30+$0xC680] =	vst v7;
	v6 =	vld [tilespmem:s14+$0x0]  }
0x233: {  	s20 =	sor.u32 s29, s16;
	[tilespmem:s9+$0xC680] =	vst v9;
	v8 =	vld.idx.msk [tilespmem:v5+s2+$0x0], $0xffff;
	v5 =	vadd.s32 $0x7054, v3  }
0x234: {  	s7 =	sor.u32 s7, s20;
	v3 =	vadd.s32 $0x7054, v4;
	[tilespmem:s10+$0x10280] =	vst v13  }
0x235: {  	[tilespmem:s7+$0xC680] =	vst v1;
	v1 =	vadd.s32 $0x7054, v10;
	s10 =	sor.u32 s6, s20;
	v12 =	vadd.s32 $0x67B0, v0;
	v10 =	vld.idx.msk [tilespmem:v16+s2+$0x0], $0xffff  }
0x236: {  	s5 =	simm.s32 $0x8;
	v7 =	vadd.s32 $0x67B0, v19;
	v13 =	vadd.s32 $0x67B0, v17;
	v9 =	vld.idx.msk [tilespmem:v2+s2+$0x0], $0xffff;
	[tilespmem:s10+$0xC680] =	vst v15  }
0x237: {  	v4 =	vadd.s32 $0x7054, v17;
	[tilespmem:s13+$0x10280] =	vst v14;
	s6 =	sor.u32 s8, s20;
	s8 =	sor.u32 s11, s20;
	v14 =	vadd.s32 $0x7054, v19;
	s11 =	simm.s32 $0xC0;
	v2 =	vadd.s32 $0x7054, v11;
	v11 =	vld.idx.msk [tilespmem:v18+s2+$0x0], $0xffff  }
.LBB2_27:
0x238: {  	s13 =	sadd.s32 s11, s25;
	s5 =	sadd.s32 $0x4, s5;
	v15 =	vadd.s32 $0x67B0, v6;
	v6 =	vadd.s32 $0x7054, v6;
	v16 =	vld.idx.msk [tilespmem:v5+s2+$0x0], $0xffff;
	v5 =	vmovc v1;
	v1 =	vmov v14  }
0x239: {  	s14 =	sand.u32 $0x40, s11;
	s13 =	sand.u32 $0xFF80, s13;
	p0 =	slt.u32 s5, $0x24;
	v14 =	vld.idx.msk [tilespmem:v3+s2+$0x0], $0xffff;
	v3 =	vmov v2;
	v2 =	vmov v6  }
0x23a: {  	s15 =	sor.u32 $0x10, s14;
	s16 =	sor.u32 $0x30, s14;
	s13 =	sadd.s32 $0x8A80, s13;
	v12 =	vld.idx.msk [tilespmem:v12+s2+$0x0], $0xffff;
	[tilespmem:s6+$0xC680] =	vst v8  }
0x23b: {  	s4 =	sadd.s32 $0x200, s4;
	s17 =	sor.u32 $0x20, s14;
	s18 =	sor.u32 s16, s13;
	v13 =	vld.idx.msk [tilespmem:v13+s2+$0x0], $0xffff;
	[tilespmem:s7+$0x10280] =	vst v9  }
0x23c: {  	s20 =	sand.u32 $0x1C00, s4;
	s7 =	sor.u32 s14, s13;
	s19 =	sor.u32 s15, s13;
	v9 =	vadd.s32 $0x7054, v0;
	v0 =	vld [tilespmem:s18+$0x0];
	[tilespmem:s8+$0xC680] =	vst v10  }
0x23d: {  	v10 =	vld [tilespmem:s7+$0x0];
	s7 =	sor.u32 s17, s13;
	s13 =	sadd.s32 s28, s20  }
0x23e: {  	[tilespmem:s10+$0x10280] =	vst v11;
	s13 =	sor.u32 s29, s13  }
0x23f: {  	v11 =	vld [tilespmem:s19+$0x0];
	[tilespmem:s30+$0x10280] =	vst v16;
	s30 =	smov.u32 s6;
	s10 =	sor.u32 s31, s13  }
.Ltmp12:
0x240: {  	v6 =	vld [tilespmem:s7+$0x0];
	s6 =	sor.u32 s1, s13;
	s7 =	sor.u32 s3, s13;
	[tilespmem:s9+$0x10280] =	vst v14;
	(pc) =	sbr.rel @p0 .LBB2_27-.Ltmp12, $4  }
0x241: {  	s13 =	sor.u32 s0, s13;
	s31 =	smov.u32 s14;
	s1 =	smov.u32 s15;
	v8 =	vld.idx.msk [tilespmem:v7+s2+$0x0], $0xffff;
	[tilespmem:s7+$0xC680] =	vst v12  }
0x242: {  	s3 =	smov.u32 s16;
	s0 =	smov.u32 s17;
	s9 =	smov.u32 s8;
	v12 =	vadd.s32 $0x67B0, v0;
	[tilespmem:s10+$0xC680] =	vst v13;
	v9 =	vld.idx.msk [tilespmem:v9+s2+$0x0], $0xffff  }
0x243: {  	s8 =	smov.u32 s13;
	v13 =	vadd.s32 $0x67B0, v10;
	v16 =	vadd.s32 $0x7054, v10;
	v10 =	vld.idx.msk [tilespmem:v15+s2+$0x0], $0xffff  }
0x244: {  	s11 =	sadd.s32 $0x40, s11;
	v7 =	vadd.s32 $0x67B0, v11;
	v14 =	vadd.s32 $0x7054, v11;
	v11 =	vld.idx.msk [tilespmem:v4+s2+$0x0], $0xffff;
	v4 =	vmov v16  }
0x245: {  	_ =	sdelay $0x3  }
0x246: {  	v15 =	vadd.s32 $0x67B0, v6;
	v12 =	vld.idx.msk [tilespmem:v12+s2+$0x0], $0xffff;
	s4 =	sadd.s32 $0x200, s4  }
0x247: {  	v59 =	vld.idx.msk [tilespmem:v13+s2+$0x0], $0xffff;
	[tilespmem:s6+$0xC680] =	vst v8;
	s4 =	sand.u32 $0x1C00, s4  }
0x248: {  	v5 =	vld.idx.msk [tilespmem:v5+s2+$0x0], $0xffff;
	[tilespmem:s7+$0x10280] =	vst v9;
	s4 =	sadd.s32 s28, s4  }
0x249: {  	v0 =	vadd.s32 $0x7054, v0;
	v3 =	vld.idx.msk [tilespmem:v3+s2+$0x0], $0xffff;
	[tilespmem:s8+$0xC680] =	vst v10;
	s4 =	sor.u32 s29, s4  }
0x24a: {  	v7 =	vld.idx.msk [tilespmem:v7+s2+$0x0], $0xffff;
	[tilespmem:s10+$0x10280] =	vst v11;
	s3 =	sor.u32 s3, s4  }
0x24b: {  	s5 =	sor.u32 s31, s4;
	[tilespmem:s3+$0xC680] =	vst v12;
	v60 =	vld.idx.msk [tilespmem:v15+s2+$0x0], $0xffff  }
0x24c: {  	v61 =	vadd.s32 $0x7054, v6;
	v1 =	vld.idx.msk [tilespmem:v1+s2+$0x0], $0xffff;
	[tilespmem:s5+$0xC680] =	vst v59  }
0x24d: {  	v2 =	vld.idx.msk [tilespmem:v2+s2+$0x0], $0xffff;
	[tilespmem:s30+$0x10280] =	vst v5  }
0x24e: {  	s1 =	sor.u32 s1, s4;
	[tilespmem:s9+$0x10280] =	vst v3;
	v0 =	vld.idx.msk [tilespmem:v0+s2+$0x0], $0xffff  }
0x24f: {  	s0 =	sor.u32 s0, s4;
	[tilespmem:s1+$0xC680] =	vst v7;
	v4 =	vld.idx.msk [tilespmem:v4+s2+$0x0], $0xffff  }
0x250: {  	s26 =	sadd.s32 $0x1, s26;
	v62 =	vld.idx.msk [tilespmem:v14+s2+$0x0], $0xffff;
	[tilespmem:s0+$0xC680] =	vst v60  }
0x251: {  	p0 =	sne.s32 s26, $0x18;
	[tilespmem:s6+$0x10280] =	vst v1;
	v63 =	vld.idx.msk [tilespmem:v61+s2+$0x0], $0xffff  }
.Ltmp13:
0x252: {  	[tilespmem:s8+$0x10280] =	vst v2;
	(pc) =	sbr.rel @p0 .LBB2_26-.Ltmp13, $4  }
0x253: {  	[tilespmem:s3+$0x10280] =	vst v0  }
0x254: {  	[tilespmem:s5+$0x10280] =	vst v4  }
0x255: {  	[tilespmem:s1+$0x10280] =	vst v62  }
0x256: {  	s25 =	sadd.s32 $0x280, s25;
	[tilespmem:s0+$0x10280] =	vst v63  }
0x257: {  	s0 =	rddreg [dreg:$0x1f]  }
0x258: {  	s24 =	simm.s32 $0x0;
	s1 =	simm.s32 $0xC680;
	s25 =	sld [smem:$0x7F7]  }
0x259: {  	[hbm4b:s0+s24] =	stream.linear.scatter [tilespmem:s1], [sflag:$0x2], $0x2800, $0x38;
	[tilespmem:$0x1B680] =	vst v63  }
0x25a: {  	s26 =	simm.s32 $0xEE80;
	s28 =	sld [smem:$0x7F8]  }
0x25b: {  	[hbm4b:s25+s24] =	stream.linear.scatter [tilespmem:s26], [sflag:$0x2], $0x1400, $0x38;
	[tilespmem:$0x1B680] =	vst v63  }
0x25c: {  	s29 =	simm.s32 $0x10280;
	s30 =	sld [smem:$0x7F9]  }
0x25d: {  	[hbm4b:s28+s24] =	stream.linear.scatter [tilespmem:s29], [sflag:$0x2], $0x2800, $0x38;
	[tilespmem:$0x1B680] =	vst v63  }
0x25e: {  	s31 =	simm.s32 $0x12A80  }
0x25f: {  	[hbm4b:s30+s24] =	stream.linear.scatter [tilespmem:s31], [sflag:$0x2], $0x1400, $0x38;
	[tilespmem:$0x1B680] =	vst v63  }
0x260: {  	_ =	swait.ge [sflag:s22], $0x2800  }
0x261: {  	[sflag:s22] =	ssyncset.done $0x0  }
0x262: {  	[sflag:s22] =	ssyncadd.s32 $0xFFFFD800  }
0x263: {  	_ =	swait.ge [sflag:s22], $0x1400  }
0x264: {  	[sflag:s22] =	ssyncset.done $0x0  }
0x265: {  	[sflag:s22] =	ssyncadd.s32 $0xFFFFEC00  }
0x266: {  	_ =	swait.ge [sflag:s22], $0x2800  }
0x267: {  	[sflag:s22] =	ssyncset.done $0x0  }
0x268: {  	[sflag:s22] =	ssyncadd.s32 $0xFFFFD800  }
0x269: {  	_ =	swait.ge [sflag:s22], $0x1400  }
0x26a: {  	[sflag:s22] =	ssyncset.done $0x0  }
0x26b: {  	s25 =	simm.s32 $0x0;
	s26 =	simm.s32 $0x0;
	[sflag:s22] =	ssyncadd.s32 $0xFFFFEC00  }
.LBB2_30:
0x26c: {  	s0 =	sadd.s32 $0x0, s25;
	s1 =	sand.u32 $0x40, s24  }
0x26d: {  	s19 =	simm.s32 $0x40;
	s7 =	sadd.s32 $0x40, s25;
	s0 =	sand.u32 $0xFF80, s0  }
0x26e: {  	s9 =	sshrl.u32 s26, $0x3;
	s3 =	sor.u32 $0x30, s1;
	s0 =	sadd.s32 $0x8A80, s0  }
0x26f: {  	s13 =	sshll.u32 s26, $0x7;
	s14 =	sand.u32 $0x1C00, s24;
	s4 =	sor.u32 s3, s0  }
0x270: {  	s16 =	simm.s32 $0x80;
	s18 =	sor.u32 $0x10, s1;
	s17 =	sor.u32 s1, s0;
	v0 =	vld [tilespmem:s4+$0x0]  }
0x271: {  	s5 =	sor.u32 $0x20, s1;
	s7 =	sand.u32 $0xFF80, s7;
	s28 =	smul.u32 $0x1400, s9;
	v1 =	vld [tilespmem:s17+$0x0]  }
0x272: {  	s29 =	sand.u32 $0x380, s13;
	s31 =	sand.u32 $0x40, s16;
	s20 =	sadd.s32 $0x8A80, s7  }
0x273: {  	s6 =	sor.u32 s18, s0;
	s0 =	sor.u32 s5, s0;
	s9 =	sadd.s32 s28, s14  }
0x274: {  	v3 =	vld [tilespmem:s6+$0x0];
	s6 =	sand.u32 $0x40, s19;
	s9 =	sor.u32 s29, s9;
	s17 =	sadd.s32 $0x80, s25  }
0x275: {  	v4 =	vld [tilespmem:s0+$0x0];
	s7 =	sor.u32 $0x30, s6;
	s10 =	sor.u32 s6, s20;
	s11 =	sor.u32 $0x20, s6;
	v2 =	vadd.s32 $0x78F8, v0  }
0x276: {  	s13 =	sor.u32 s1, s9;
	s1 =	sand.u32 $0xFF80, s17;
	s8 =	sor.u32 s7, s20;
	v8 =	vld [tilespmem:s10+$0x0];
	v5 =	vadd.s32 $0x78F8, v1  }
0x277: {  	s0 =	sor.u32 s11, s20;
	s14 =	sadd.s32 $0x8A80, s1;
	s1 =	sor.u32 $0x10, s31;
	v6 =	vld [tilespmem:s8+$0x0]  }
0x278: {  	v11 =	vld [tilespmem:s0+$0x0];
	s19 =	sor.u32 s1, s14  }
0x279: {  	v19 =	vld [tilespmem:s19+$0x0];
	v7 =	vadd.s32 $0x78F8, v3  }
0x27a: {  	s8 =	sor.u32 $0x10, s6;
	v9 =	vadd.s32 $0x78F8, v4;
	v2 =	vld.idx.msk [tilespmem:v2+s2+$0x0], $0xffff  }
0x27b: {  	s15 =	sor.u32 s8, s20;
	v0 =	vadd.s32 $0x819C, v0;
	v5 =	vld.idx.msk [tilespmem:v5+s2+$0x0], $0xffff  }
0x27c: {  	v1 =	vadd.s32 $0x819C, v1;
	v10 =	vld [tilespmem:s15+$0x0];
	s15 =	sor.u32 s31, s14  }
0x27d: {  	v17 =	vld [tilespmem:s15+$0x0];
	v12 =	vadd.s32 $0x78F8, v6  }
0x27e: {  	s10 =	sor.u32 s3, s9;
	v7 =	vld.idx.msk [tilespmem:v7+s2+$0x0], $0xffff  }
0x27f: {  	v9 =	vld.idx.msk [tilespmem:v9+s2+$0x0], $0xffff;
	[tilespmem:s10+$0x13E80] =	vst v2;
	v2 =	vadd.s32 $0x78F8, v8  }
0x280: {  	[tilespmem:s13+$0x13E80] =	vst v5;
	v13 =	vld.idx.msk [tilespmem:v0+s2+$0x0], $0xffff  }
0x281: {  	s3 =	sor.u32 $0x30, s31;
	v5 =	vadd.s32 $0x78F8, v10;
	v14 =	vld.idx.msk [tilespmem:v1+s2+$0x0], $0xffff  }
0x282: {  	s30 =	sor.u32 s18, s9;
	s18 =	sor.u32 s3, s14;
	v1 =	vld.idx.msk [tilespmem:v12+s2+$0x0], $0xffff  }
0x283: {  	s4 =	simm.s32 $0x200;
	s0 =	sor.u32 $0x20, s31;
	v16 =	vadd.s32 $0x78F8, v11;
	v0 =	vld [tilespmem:s18+$0x0]  }
0x284: {  	s16 =	sand.u32 $0x1C00, s4;
	s14 =	sor.u32 s0, s14;
	v15 =	vld.idx.msk [tilespmem:v2+s2+$0x0], $0xffff;
	v2 =	vadd.s32 $0x819C, v6  }
0x285: {  	s16 =	sadd.s32 s28, s16;
	s9 =	sor.u32 s5, s9;
	v18 =	vadd.s32 $0x819C, v8;
	[tilespmem:s30+$0x13E80] =	vst v7;
	v6 =	vld [tilespmem:s14+$0x0]  }
0x286: {  	s20 =	sor.u32 s29, s16;
	[tilespmem:s9+$0x13E80] =	vst v9;
	v8 =	vld.idx.msk [tilespmem:v5+s2+$0x0], $0xffff;
	v5 =	vadd.s32 $0x819C, v3  }
0x287: {  	s7 =	sor.u32 s7, s20;
	v3 =	vadd.s32 $0x819C, v4;
	[tilespmem:s10+$0x17A80] =	vst v13  }
0x288: {  	[tilespmem:s7+$0x13E80] =	vst v1;
	v1 =	vadd.s32 $0x819C, v10;
	s10 =	sor.u32 s6, s20;
	v12 =	vadd.s32 $0x78F8, v0;
	v10 =	vld.idx.msk [tilespmem:v16+s2+$0x0], $0xffff  }
0x289: {  	s5 =	simm.s32 $0x8;
	v7 =	vadd.s32 $0x78F8, v19;
	v13 =	vadd.s32 $0x78F8, v17;
	v9 =	vld.idx.msk [tilespmem:v2+s2+$0x0], $0xffff;
	[tilespmem:s10+$0x13E80] =	vst v15  }
0x28a: {  	v4 =	vadd.s32 $0x819C, v17;
	[tilespmem:s13+$0x17A80] =	vst v14;
	s6 =	sor.u32 s8, s20;
	s8 =	sor.u32 s11, s20;
	v14 =	vadd.s32 $0x819C, v19;
	s11 =	simm.s32 $0xC0;
	v2 =	vadd.s32 $0x819C, v11;
	v11 =	vld.idx.msk [tilespmem:v18+s2+$0x0], $0xffff  }
.LBB2_31:
0x28b: {  	s13 =	sadd.s32 s11, s25;
	s5 =	sadd.s32 $0x4, s5;
	v15 =	vadd.s32 $0x78F8, v6;
	v6 =	vadd.s32 $0x819C, v6;
	v16 =	vld.idx.msk [tilespmem:v5+s2+$0x0], $0xffff;
	v5 =	vmovc v1;
	v1 =	vmov v14  }
0x28c: {  	s14 =	sand.u32 $0x40, s11;
	s13 =	sand.u32 $0xFF80, s13;
	p0 =	slt.u32 s5, $0x24;
	v14 =	vld.idx.msk [tilespmem:v3+s2+$0x0], $0xffff;
	v3 =	vmov v2;
	v2 =	vmov v6  }
0x28d: {  	s15 =	sor.u32 $0x10, s14;
	s16 =	sor.u32 $0x30, s14;
	s13 =	sadd.s32 $0x8A80, s13;
	v12 =	vld.idx.msk [tilespmem:v12+s2+$0x0], $0xffff;
	[tilespmem:s6+$0x13E80] =	vst v8  }
0x28e: {  	s4 =	sadd.s32 $0x200, s4;
	s17 =	sor.u32 $0x20, s14;
	s18 =	sor.u32 s16, s13;
	v13 =	vld.idx.msk [tilespmem:v13+s2+$0x0], $0xffff;
	[tilespmem:s7+$0x17A80] =	vst v9  }
0x28f: {  	s20 =	sand.u32 $0x1C00, s4;
	s7 =	sor.u32 s14, s13;
	s19 =	sor.u32 s15, s13;
	v9 =	vadd.s32 $0x819C, v0;
	v0 =	vld [tilespmem:s18+$0x0];
	[tilespmem:s8+$0x13E80] =	vst v10  }
0x290: {  	v10 =	vld [tilespmem:s7+$0x0];
	s7 =	sor.u32 s17, s13;
	s13 =	sadd.s32 s28, s20  }
0x291: {  	[tilespmem:s10+$0x17A80] =	vst v11;
	s13 =	sor.u32 s29, s13  }
0x292: {  	v11 =	vld [tilespmem:s19+$0x0];
	[tilespmem:s30+$0x17A80] =	vst v16;
	s30 =	smov.u32 s6;
	s10 =	sor.u32 s31, s13  }
.Ltmp14:
0x293: {  	v6 =	vld [tilespmem:s7+$0x0];
	s6 =	sor.u32 s1, s13;
	s7 =	sor.u32 s3, s13;
	[tilespmem:s9+$0x17A80] =	vst v14;
	(pc) =	sbr.rel @p0 .LBB2_31-.Ltmp14, $4  }
0x294: {  	s13 =	sor.u32 s0, s13;
	s31 =	smov.u32 s14;
	s1 =	smov.u32 s15;
	v8 =	vld.idx.msk [tilespmem:v7+s2+$0x0], $0xffff;
	[tilespmem:s7+$0x13E80] =	vst v12  }
0x295: {  	s3 =	smov.u32 s16;
	s0 =	smov.u32 s17;
	s9 =	smov.u32 s8;
	v12 =	vadd.s32 $0x78F8, v0;
	[tilespmem:s10+$0x13E80] =	vst v13;
	v9 =	vld.idx.msk [tilespmem:v9+s2+$0x0], $0xffff  }
0x296: {  	s8 =	smov.u32 s13;
	v13 =	vadd.s32 $0x78F8, v10;
	v16 =	vadd.s32 $0x819C, v10;
	v10 =	vld.idx.msk [tilespmem:v15+s2+$0x0], $0xffff  }
0x297: {  	s11 =	sadd.s32 $0x40, s11;
	v7 =	vadd.s32 $0x78F8, v11;
	v14 =	vadd.s32 $0x819C, v11;
	v11 =	vld.idx.msk [tilespmem:v4+s2+$0x0], $0xffff;
	v4 =	vmov v16  }
0x298: {  	_ =	sdelay $0x3  }
0x299: {  	v15 =	vadd.s32 $0x78F8, v6;
	v12 =	vld.idx.msk [tilespmem:v12+s2+$0x0], $0xffff;
	s4 =	sadd.s32 $0x200, s4  }
0x29a: {  	v59 =	vld.idx.msk [tilespmem:v13+s2+$0x0], $0xffff;
	[tilespmem:s6+$0x13E80] =	vst v8;
	s4 =	sand.u32 $0x1C00, s4  }
0x29b: {  	v5 =	vld.idx.msk [tilespmem:v5+s2+$0x0], $0xffff;
	[tilespmem:s7+$0x17A80] =	vst v9;
	s4 =	sadd.s32 s28, s4  }
0x29c: {  	v0 =	vadd.s32 $0x819C, v0;
	v3 =	vld.idx.msk [tilespmem:v3+s2+$0x0], $0xffff;
	[tilespmem:s8+$0x13E80] =	vst v10;
	s4 =	sor.u32 s29, s4  }
0x29d: {  	v7 =	vld.idx.msk [tilespmem:v7+s2+$0x0], $0xffff;
	[tilespmem:s10+$0x17A80] =	vst v11;
	s3 =	sor.u32 s3, s4  }
0x29e: {  	s5 =	sor.u32 s31, s4;
	[tilespmem:s3+$0x13E80] =	vst v12;
	v60 =	vld.idx.msk [tilespmem:v15+s2+$0x0], $0xffff  }
0x29f: {  	v61 =	vadd.s32 $0x819C, v6;
	v1 =	vld.idx.msk [tilespmem:v1+s2+$0x0], $0xffff;
	[tilespmem:s5+$0x13E80] =	vst v59  }
0x2a0: {  	v2 =	vld.idx.msk [tilespmem:v2+s2+$0x0], $0xffff;
	[tilespmem:s30+$0x17A80] =	vst v5  }
0x2a1: {  	s1 =	sor.u32 s1, s4;
	[tilespmem:s9+$0x17A80] =	vst v3;
	v0 =	vld.idx.msk [tilespmem:v0+s2+$0x0], $0xffff  }
0x2a2: {  	s0 =	sor.u32 s0, s4;
	[tilespmem:s1+$0x13E80] =	vst v7;
	v4 =	vld.idx.msk [tilespmem:v4+s2+$0x0], $0xffff  }
0x2a3: {  	s26 =	sadd.s32 $0x1, s26;
	v62 =	vld.idx.msk [tilespmem:v14+s2+$0x0], $0xffff;
	[tilespmem:s0+$0x13E80] =	vst v60  }
0x2a4: {  	p0 =	sne.s32 s26, $0x18;
	[tilespmem:s6+$0x17A80] =	vst v1;
	v63 =	vld.idx.msk [tilespmem:v61+s2+$0x0], $0xffff  }
.Ltmp15:
0x2a5: {  	[tilespmem:s8+$0x17A80] =	vst v2;
	(pc) =	sbr.rel @p0 .LBB2_30-.Ltmp15, $4  }
0x2a6: {  	[tilespmem:s3+$0x17A80] =	vst v0  }
0x2a7: {  	[tilespmem:s5+$0x17A80] =	vst v4  }
0x2a8: {  	[tilespmem:s1+$0x17A80] =	vst v62  }
0x2a9: {  	s25 =	sadd.s32 $0x280, s25;
	[tilespmem:s0+$0x17A80] =	vst v63  }
0x2aa: {  	s0 =	sld [smem:$0x7FA];
	_ =	sdelay $0x1  }
0x2ab: {  	s1 =	simm.s32 $0x13E80;
	s24 =	sld [smem:$0x7FB]  }
0x2ac: {  	[hbm4b:s0+s2] =	stream.linear.scatter [tilespmem:s1], [sflag:$0x3], $0x2800, $0x38;
	[tilespmem:$0x1B680] =	vst v63  }
0x2ad: {  	s25 =	simm.s32 $0x16680;
	s26 =	sld [smem:$0x7FC]  }
0x2ae: {  	[hbm4b:s24+s2] =	stream.linear.scatter [tilespmem:s25], [sflag:$0x3], $0x1400, $0x38;
	[tilespmem:$0x1B680] =	vst v63  }
0x2af: {  	s28 =	simm.s32 $0x17A80;
	s29 =	sld [smem:$0x7FD]  }
0x2b0: {  	[hbm4b:s26+s2] =	stream.linear.scatter [tilespmem:s28], [sflag:$0x3], $0x2800, $0x38;
	[tilespmem:$0x1B680] =	vst v63  }
0x2b1: {  	s30 =	simm.s32 $0x1A280  }
0x2b2: {  	[hbm4b:s29+s2] =	stream.linear.scatter [tilespmem:s30], [sflag:$0x3], $0x1400, $0x38;
	[tilespmem:$0x1B680] =	vst v63  }
0x2b3: {  	_ =	swait.ge [sflag:s21], $0x2800  }
0x2b4: {  	[sflag:s21] =	ssyncset.done $0x0  }
0x2b5: {  	[sflag:s21] =	ssyncadd.s32 $0xFFFFD800  }
0x2b6: {  	_ =	swait.ge [sflag:s21], $0x1400  }
0x2b7: {  	[sflag:s21] =	ssyncset.done $0x0  }
0x2b8: {  	[sflag:s21] =	ssyncadd.s32 $0xFFFFEC00  }
0x2b9: {  	_ =	swait.ge [sflag:s21], $0x2800  }
0x2ba: {  	[sflag:s21] =	ssyncset.done $0x0  }
0x2bb: {  	[sflag:s21] =	ssyncadd.s32 $0xFFFFD800  }
0x2bc: {  	_ =	swait.ge [sflag:s21], $0x1400  }
0x2bd: {  	[sflag:s21] =	ssyncset.done $0x0  }
0x2be: {  	[sflag:s21] =	ssyncadd.s32 $0xFFFFEC00  }
0x2bf: {  	_ =	swait.ge [sflag:s22], $0x2800  }
0x2c0: {  	[sflag:s22] =	ssyncset.done $0x0  }
0x2c1: {  	[sflag:s22] =	ssyncadd.s32 $0xFFFFD800  }
0x2c2: {  	_ =	swait.ge [sflag:s22], $0x1400  }
0x2c3: {  	[sflag:s22] =	ssyncset.done $0x0  }
0x2c4: {  	[sflag:s22] =	ssyncadd.s32 $0xFFFFEC00  }
0x2c5: {  	_ =	swait.ge [sflag:s22], $0x2800  }
0x2c6: {  	[sflag:s22] =	ssyncset.done $0x0  }
0x2c7: {  	[sflag:s22] =	ssyncadd.s32 $0xFFFFD800  }
0x2c8: {  	_ =	swait.ge [sflag:s22], $0x1400  }
0x2c9: {  	s23 =	sadd.s32 $0x1, s23;
	s31 =	rddreg [dreg:$0x19]  }
0x2ca: {  	p0 =	sne.s32 s23, s31  }
.Ltmp16:
0x2cb: {  	_ = 	snop;
	(pc) =	sbr.rel @p0 .LBB2_1-.Ltmp16, $3  }
0x2cc: {  	_ =	sdelay $0x1  }
0x2cd: {  	[sflag:s22] =	ssyncset.done $0x0  }
0x2ce: {  	[sflag:s22] =	ssyncadd.s32 $0xFFFFEC00  }
0x2cf: {  	_ =	sfence.sel $0x180000  }
0x2d0: {  	[bflag:$0x0] =	sbarrier.arrive $0xFFFF  }
0x2d1: {  	_ =	strace $0x90000047  }
0x2d2: {  	s0 =	stileid.u32;
	[bflag:$0x2] =	sbarrier.arrive $0xFFFF  }
0x2d3: {  	p0 =	sne.s32 s0, $0x0;
	s0 =	rddreg [dreg:$0x2]  }
0x2d4: {  	s0 =	sadd.s32 @!p0 $0x100000, s0  }
0x2d5: {  	[sflag:s0] =	ssyncadd.tile.s32 @!p0 $0x1;
	_ =	shalt  }
.Lfunc_end2:
_tile_overlayer_lowered:
.L_overlay_start_2:
0x2d6: {  	(tag) =	ssettag $0x2  }
0x2d7: {  	s0 =	rddreg [dreg:$0x0];
	s2 =	stileid.u32  }
0x2d8: {  	s1 =	rddreg [dreg:$0x1];
	p0 =	sne.s32 s2, $0x0  }
0x2d9: {  	s3 =	rddreg [dreg:$0x2];
	[bflag:$0x3] =	sbarrier.arrive $0xFFFF;
	s2 =	simm.s32 @!p0 $0x1C04  }
0x2da: {  	[timem:s3], [sflag:s2] =	dma.local @!p0 [hbm:s0], s1  }
0x2db: {  	s0 =	simm.s32 @!p0 $0x4  }
0x2dc: {  	_ =	swait.ge @!p0 [sflag:s0], s1  }
0x2dd: {  	s1 =	ssub.s32 @!p0 $0x0, s1;
	[sflag:s0] =	ssyncset.done @!p0 $0x0  }
0x2de: {  	[sflag:s0] =	ssyncadd.s32 @!p0 s1  }
0x2df: {  	[bflag:$0x3] =	sbarrier.arrive $0xFFFF  }
0x2e0: {  	_ =	shalt  }

</sc_bundles>
